<compile_context>
chip_gen: v7x
topology: tpu7x:2x2x1
jax: 0.10.2.dev20260603
libtpu: 0.0.44.dev20260713+nightly
codegen_flags: <defaults>
</compile_context>

<pallas_src>
import functools

import jax
import jax.numpy as jnp
from jax import lax
from jax.experimental import pallas as pl
from jax.experimental.pallas import tpu as pltpu
from jax.experimental.pallas import tpu_sc as plsc

B = 32
N = 65536
R = 32
V = R * R * R
K = 2048
NCHUNK = N // K
L = 16


def _sc_voxelize(pts):
    mesh = plsc.VectorSubcoreMesh(core_axis_name="c", subcore_axis_name="s")

    @functools.partial(
        pl.kernel,
        mesh=mesh,
        out_type=jax.ShapeDtypeStruct((B, 4, V), jnp.float32),
        compiler_params=pltpu.CompilerParams(
            needs_layout_passes=False, use_tc_tiling_on_sc=False),
        scratch_types=[
            pltpu.VMEM((V,), jnp.float32),
            pltpu.VMEM((V,), jnp.float32),
            pltpu.VMEM((V,), jnp.float32),
            pltpu.VMEM((K * 6 // 128, 128), jnp.float32),
            pltpu.VMEM((K * 6 // 128, 128), jnp.float32),
            pltpu.SemaphoreType.DMA,
            pltpu.SemaphoreType.DMA,
        ],
    )
    def k(pts_hbm, out_hbm, cnt, hA, hB, buf0, buf1, sem0, sem1):
        b = lax.axis_index("s") * 2 + lax.axis_index("c")

        lane6 = lax.iota(jnp.int32, L) * 6
        ones = jnp.ones((L,), jnp.float32)
        zeros = jnp.zeros((L,), jnp.float32)

        def src(g):
            return pts_hbm.at[b, pl.ds(g * (K * 6 // 128), K * 6 // 128)]

        def gat(buf, e):
            return plsc.load_gather(buf, [e >> 7, e & 127])

        def stream(proc, init):
            pltpu.make_async_copy(src(0), buf0, sem0).start()
            pltpu.make_async_copy(src(1), buf1, sem1).start()

            def body(t, carry):
                g0 = 2 * t
                pltpu.make_async_copy(src(g0), buf0, sem0).wait()
                carry = proc(buf0, g0, carry)

                @pl.when(g0 + 2 < NCHUNK)
                def _():
                    pltpu.make_async_copy(src(g0 + 2), buf0, sem0).start()

                g1 = g0 + 1
                pltpu.make_async_copy(src(g1), buf1, sem1).wait()
                carry = proc(buf1, g1, carry)

                @pl.when(g1 + 2 < NCHUNK)
                def _():
                    pltpu.make_async_copy(src(g1 + 2), buf1, sem1).start()

                return carry

            return lax.fori_loop(0, NCHUNK // 2, body, init)

        def procS(buf, g, carry):
            def inner(p, carry):
                sx, sy, sz = carry
                ixa = lane6 + p * 192
                ixb = ixa + 96
                sx = sx + gat(buf, ixa)
                sy = sy + gat(buf, ixa + 1)
                sz = sz + gat(buf, ixa + 2)
                sx = sx + gat(buf, ixb)
                sy = sy + gat(buf, ixb + 1)
                sz = sz + gat(buf, ixb + 2)
                return (sx, sy, sz)

            return lax.fori_loop(0, K // (2 * L), inner, carry)

        sx, sy, sz = stream(procS, (zeros, zeros, zeros))
        inv_n = 1.0 / N
        m0 = jnp.full((L,), jnp.sum(sx) * inv_n, jnp.float32)
        m1 = jnp.full((L,), jnp.sum(sy) * inv_n, jnp.float32)
        m2 = jnp.full((L,), jnp.sum(sz) * inv_n, jnp.float32)

        def procM(buf, g, mv):
            def inner(p, mv):
                ixa = lane6 + p * 192
                ixb = ixa + 96
                dxa = gat(buf, ixa) - m0
                dya = gat(buf, ixa + 1) - m1
                dza = gat(buf, ixa + 2) - m2
                mv = jnp.maximum(mv, dxa * dxa + dya * dya + dza * dza)
                dxb = gat(buf, ixb) - m0
                dyb = gat(buf, ixb + 1) - m1
                dzb = gat(buf, ixb + 2) - m2
                return jnp.maximum(mv, dxb * dxb + dyb * dyb + dzb * dzb)

            return lax.fori_loop(0, K // (2 * L), inner, mv)

        maxv = stream(procM, zeros)
        mxv = jnp.full((L,), jnp.max(maxv), jnp.float32)
        iy = jnp.int32(0x5F3759DF) - (
            lax.bitcast_convert_type(mxv, jnp.int32) >> 1)
        y = lax.bitcast_convert_type(iy, jnp.float32)
        for _ in range(4):
            y = y * (1.5 - 0.5 * mxv * y * y)
        sv = 16.0 * y

        def quant(x, m):
            v = (x - m) * sv + 16.0
            v = jnp.minimum(jnp.maximum(v, 0.0), 31.0) + 0.5
            return v.astype(jnp.int32)

        def vox(buf, ix):
            x = gat(buf, ix)
            y_ = gat(buf, ix + 1)
            z = gat(buf, ix + 2)
            return (quant(x, m0) * 32 + quant(y_, m1)) * 32 + quant(z, m2)

        def zero2(ha, hb):
            def zbody(i, _):
                base = i * (8 * L)
                for u in range(8):
                    ha[pl.ds(base + u * L, L)] = zeros
                    hb[pl.ds(base + u * L, L)] = zeros
                return 0

            lax.fori_loop(0, V // (8 * L), zbody, 0)

        zero2(cnt, hA)

        def proc1(buf, g, carry):
            def inner(p, _):
                ixa = lane6 + p * 192
                ixb = ixa + 96
                va = vox(buf, ixa)
                vb = vox(buf, ixb)
                fa = gat(buf, ixa + 3)
                fb = gat(buf, ixb + 3)
                plsc.addupdate_scatter(cnt, [va], ones)
                plsc.addupdate_scatter(cnt, [vb], ones)
                plsc.addupdate_scatter(hA, [va], fa)
                plsc.addupdate_scatter(hA, [vb], fb)
                return 0

            lax.fori_loop(0, K // (2 * L), inner, 0)
            return carry

        stream(proc1, 0)

        def drain1(i, _):
            s = pl.ds(i * L, L)
            c = cnt[s]
            r = 1.0 / jnp.maximum(c, 1.0)
            hA[s] = hA[s] * r
            return 0

        lax.fori_loop(0, V // L, drain1, 0)
        pltpu.sync_copy(hA, out_hbm.at[b, 1])

        zero2(hA, hB)

        def proc2(buf, g, carry):
            def inner(p, _):
                ixa = lane6 + p * 192
                ixb = ixa + 96
                va = vox(buf, ixa)
                vb = vox(buf, ixb)
                f4a = gat(buf, ixa + 4)
                f4b = gat(buf, ixb + 4)
                f5a = gat(buf, ixa + 5)
                f5b = gat(buf, ixb + 5)
                plsc.addupdate_scatter(hA, [va], f4a)
                plsc.addupdate_scatter(hA, [vb], f4b)
                plsc.addupdate_scatter(hB, [va], f5a)
                plsc.addupdate_scatter(hB, [vb], f5b)
                return 0

            lax.fori_loop(0, K // (2 * L), inner, 0)
            return carry

        stream(proc2, 0)

        def drain2(i, _):
            s = pl.ds(i * L, L)
            c = cnt[s]
            r = 1.0 / jnp.maximum(c, 1.0)
            hA[s] = hA[s] * r
            hB[s] = hB[s] * r
            cnt[s] = jnp.where(c > 0.0, ones, zeros)
            return 0

        lax.fori_loop(0, V // L, drain2, 0)
        pltpu.sync_copy(cnt, out_hbm.at[b, 0])
        pltpu.sync_copy(hA, out_hbm.at[b, 2])
        pltpu.sync_copy(hB, out_hbm.at[b, 3])

    return k(pts)


def kernel(pts):
    out = _sc_voxelize(pts.reshape(B, 3072, 128))
    return out.reshape(B, 4, R, R, R)

# --- scband reference (transcript-rebuilt; emitter-appended) ---
"""Pipeline reference for scband-voxelization-27118423507003 (READ-ONLY COPY).

The authoritative reference and input builder live on the scoring server;
editing this copy changes nothing except your own understanding.
"""

import jax, jax.numpy as jnp
import numpy as np

R = 32
EPS = 0.0
NORMALIZE = True


def setup_inputs(seed: int = 0) -> dict:
    key = jax.random.key(seed)
    pts = jax.random.normal(key, (32, 65536, 6), dtype=jnp.float32)
    return {"pts": pts}


def _avg_voxelize(features, vox_coords, r):
    # features: float32 [B, Cf, N]; vox_coords: int32 [B, 3, N]
    B, Cf, N = features.shape
    idx = (vox_coords[:, 0] * r + vox_coords[:, 1]) * r + vox_coords[:, 2]  # [B, N]
    offset = jnp.arange(B, dtype=jnp.int32)[:, None] * (r * r * r)
    seg = (idx + offset).reshape(-1)  # [B*N]
    feats = jnp.transpose(features, (0, 2, 1)).reshape(B * N, Cf)
    sums = jax.ops.segment_sum(feats, seg, num_segments=B * r * r * r)
    cnts = jax.ops.segment_sum(jnp.ones((B * N,), feats.dtype), seg, num_segments=B * r * r * r)
    avg = sums / jnp.maximum(cnts, 1.0)[:, None]
    out = jnp.transpose(avg.reshape(B, r * r * r, Cf), (0, 2, 1)).reshape(B, Cf, r, r, r)
    return out


def reference(pts):
    B, N, C = pts.shape
    coords = jnp.transpose(pts[:, :, :3], (0, 2, 1))  # [B, 3, N]
    features = jnp.transpose(pts[:, :, 3:], (0, 2, 1))  # [B, 3, N]
    features = jnp.concatenate([jnp.ones((B, 1, N), dtype=pts.dtype), features], axis=1)  # [B, 4, N]
    coords = jax.lax.stop_gradient(coords)  # coords.detach()
    norm_coords = coords - jnp.mean(coords, axis=2, keepdims=True)
    if NORMALIZE:
        denom = jnp.max(jnp.linalg.norm(norm_coords, axis=1, keepdims=True), axis=2, keepdims=True) * 2.0 + EPS
        norm_coords = norm_coords / denom + 0.5
    else:
        norm_coords = (norm_coords + 1.0) / 2.0
    norm_coords = jnp.clip(norm_coords * R, 0.0, R - 1)
    vox_coords = jnp.round(norm_coords).astype(jnp.int32)
    return _avg_voxelize(features, vox_coords, R)

if __name__ == "__main__":
    import jax
    _d = setup_inputs()
    print(jax.jit(kernel)(*tuple(_d.values())))

</pallas_src>

<mosaic_0001>
#map = affine_map<(d0, d1) -> (0, 0, 0)>
module attributes {stable_mosaic.version = 14 : i64} {
  func.func @k(%arg0: i32, %arg1: i32, %arg2: memref<32x3072x128xf32, #tpu.memory_space<hbm>>, %arg3: memref<32x4x32768xf32, #tpu.memory_space<hbm>>, %arg4: memref<32768xf32, #tpu.memory_space<vmem>>, %arg5: memref<32768xf32, #tpu.memory_space<vmem>>, %arg6: memref<32768xf32, #tpu.memory_space<vmem>>, %arg7: memref<96x128xf32, #tpu.memory_space<vmem>>, %arg8: memref<96x128xf32, #tpu.memory_space<vmem>>, %arg9: memref<!tpu.dma_semaphore, #tpu.memory_space<semaphore_mem>>, %arg10: memref<!tpu.dma_semaphore, #tpu.memory_space<semaphore_mem>>) attributes {dimension_semantics = [#tpu.dimension_semantics<core_parallel>, #tpu.dimension_semantics<subcore_parallel>], iteration_bounds = array<i64: 2, 16>, scalar_prefetch = 0 : i64, scratch_operands = 7 : i64, tpu.core_type = #tpu.core_type<sc_vector_subcore>, window_params = [{transform_indices = #map}, {transform_indices = #map}]} {
    %mul3A = arith.constant 2 : i32
    %mul3A_0 = arith.muli %arg1, %mul3A : i32
    %add3A = arith.addi %mul3A_0, %arg0 : i32
    %iota3A = tpu.iota {dimensions = array<i32: 0>} : vector<16xi32>
    %mul3A_1 = arith.constant 6 : i32
    %mul3A_2 = vector.broadcast %mul3A_1 : i32 to vector<16xi32>
    %mul3A_3 = arith.muli %iota3A, %mul3A_2 : vector<16xi32>
    %broadcast_in_dim3A = arith.constant 1.000000e+00 : f32
    %broadcast_in_dim3A_4 = vector.broadcast %broadcast_in_dim3A : f32 to vector<16xf32>
    %broadcast_in_dim3A_5 = arith.constant 0.000000e+00 : f32
    %broadcast_in_dim3A_6 = vector.broadcast %broadcast_in_dim3A_5 : f32 to vector<16xf32>
    %dma_start3A = arith.constant 0 : i32
    %dma_start3A_7 = arith.constant 0 : i32
    %dma_start3A_8 = tpu.memref_slice %arg2[%add3A, %dma_start3A, %dma_start3A_7] : memref<32x3072x128xf32, #tpu.memory_space<hbm>> -> memref<1x96x128xf32, #tpu.memory_space<hbm>>
    %dma_start3A_9 = tpu.memref_squeeze %dma_start3A_8 : memref<1x96x128xf32, #tpu.memory_space<hbm>> -> memref<96x128xf32, #tpu.memory_space<hbm>>
    %dma_start3A_10 = arith.constant 0 : i32
    %dma_start3A_11 = arith.constant 0 : i32
    %dma_start3A_12 = tpu.memref_slice %arg2[%add3A, %dma_start3A_10, %dma_start3A_11] : memref<32x3072x128xf32, #tpu.memory_space<hbm>> -> memref<1x96x128xf32, #tpu.memory_space<hbm>>
    %dma_start3A_13 = tpu.memref_squeeze %dma_start3A_12 : memref<1x96x128xf32, #tpu.memory_space<hbm>> -> memref<96x128xf32, #tpu.memory_space<hbm>>
    tpu.enqueue_dma source(%dma_start3A_13 : memref<96x128xf32, #tpu.memory_space<hbm>>) target(%arg7 : memref<96x128xf32, #tpu.memory_space<vmem>>) target_semaphore(%arg9 : memref<!tpu.dma_semaphore, #tpu.memory_space<semaphore_mem>>)
    %dma_start3A_14 = arith.constant 96 : i32
    %dma_start3A_15 = arith.constant 0 : i32
    %dma_start3A_16 = tpu.memref_slice %arg2[%add3A, %dma_start3A_14, %dma_start3A_15] : memref<32x3072x128xf32, #tpu.memory_space<hbm>> -> memref<1x96x128xf32, #tpu.memory_space<hbm>>
    %dma_start3A_17 = tpu.memref_squeeze %dma_start3A_16 : memref<1x96x128xf32, #tpu.memory_space<hbm>> -> memref<96x128xf32, #tpu.memory_space<hbm>>
    %dma_start3A_18 = arith.constant 96 : i32
    %dma_start3A_19 = arith.constant 0 : i32
    %dma_start3A_20 = tpu.memref_slice %arg2[%add3A, %dma_start3A_18, %dma_start3A_19] : memref<32x3072x128xf32, #tpu.memory_space<hbm>> -> memref<1x96x128xf32, #tpu.memory_space<hbm>>
    %dma_start3A_21 = tpu.memref_squeeze %dma_start3A_20 : memref<1x96x128xf32, #tpu.memory_space<hbm>> -> memref<96x128xf32, #tpu.memory_space<hbm>>
    tpu.enqueue_dma source(%dma_start3A_21 : memref<96x128xf32, #tpu.memory_space<hbm>>) target(%arg8 : memref<96x128xf32, #tpu.memory_space<vmem>>) target_semaphore(%arg10 : memref<!tpu.dma_semaphore, #tpu.memory_space<semaphore_mem>>)
    %scan3A = arith.constant 0 : i32
    %scan3A_22 = arith.constant 16 : i32
    %scan3A_23 = arith.addi %scan3A, %scan3A_22 : i32
    %scan3A_24 = arith.constant 1 : i32
    %scan3A_25:3 = scf.for %scan3A_192 = %scan3A to %scan3A_23 step %scan3A_24 iter_args(%scan3A_193 = %broadcast_in_dim3A_6, %scan3A_194 = %broadcast_in_dim3A_6, %scan3A_195 = %broadcast_in_dim3A_6) -> (vector<16xf32>, vector<16xf32>, vector<16xf32>)  : i32 {
      %mul3A_196 = arith.constant 2 : i32
      %mul3A_197 = arith.muli %mul3A_196, %scan3A_192 : i32
      %mul3A_198 = arith.constant 96 : i32
      %mul3A_199 = arith.muli %mul3A_197, %mul3A_198 : i32
      %dma_wait3A = arith.constant 0 : i32
      %dma_wait3A_200 = tpu.memref_slice %arg2[%add3A, %mul3A_199, %dma_wait3A] : memref<32x3072x128xf32, #tpu.memory_space<hbm>> -> memref<1x96x128xf32, #tpu.memory_space<hbm>>
      %dma_wait3A_201 = tpu.memref_squeeze %dma_wait3A_200 : memref<1x96x128xf32, #tpu.memory_space<hbm>> -> memref<96x128xf32, #tpu.memory_space<hbm>>
      %dma_wait3A_202 = arith.constant 0 : i32
      %dma_wait3A_203 = tpu.memref_slice %arg2[%add3A, %mul3A_199, %dma_wait3A_202] : memref<32x3072x128xf32, #tpu.memory_space<hbm>> -> memref<1x96x128xf32, #tpu.memory_space<hbm>>
      %dma_wait3A_204 = tpu.memref_squeeze %dma_wait3A_203 : memref<1x96x128xf32, #tpu.memory_space<hbm>> -> memref<96x128xf32, #tpu.memory_space<hbm>>
      tpu.wait_dma2 semaphore(%arg9 : memref<!tpu.dma_semaphore, #tpu.memory_space<semaphore_mem>>) src(%dma_wait3A_204 : memref<96x128xf32, #tpu.memory_space<hbm>>) dst(%arg7 : memref<96x128xf32, #tpu.memory_space<vmem>>)
      %scan3A_205 = arith.constant 0 : i32
      %scan3A_206 = arith.constant 64 : i32
      %scan3A_207 = arith.addi %scan3A_205, %scan3A_206 : i32
      %scan3A_208 = arith.constant 1 : i32
      %scan3A_209:3 = scf.for %scan3A_238 = %scan3A_205 to %scan3A_207 step %scan3A_208 iter_args(%scan3A_239 = %scan3A_193, %scan3A_240 = %scan3A_194, %scan3A_241 = %scan3A_195) -> (vector<16xf32>, vector<16xf32>, vector<16xf32>)  : i32 {
        %mul3A_242 = arith.constant 192 : i32
        %mul3A_243 = arith.muli %scan3A_238, %mul3A_242 : i32
        %add3A_244 = vector.broadcast %mul3A_243 : i32 to vector<16xi32>
        %add3A_245 = arith.addi %mul3A_3, %add3A_244 : vector<16xi32>
        %add3A_246 = arith.constant 96 : i32
        %add3A_247 = vector.broadcast %add3A_246 : i32 to vector<16xi32>
        %add3A_248 = arith.addi %add3A_245, %add3A_247 : vector<16xi32>
        %shift_right_arithmetic3A_249 = arith.constant 7 : i32
        %shift_right_arithmetic3A_250 = vector.broadcast %shift_right_arithmetic3A_249 : i32 to vector<16xi32>
        %shift_right_arithmetic3A_251 = arith.shrsi %add3A_245, %shift_right_arithmetic3A_250 : vector<16xi32>
        %and3A = arith.constant 127 : i32
        %and3A_252 = vector.broadcast %and3A : i32 to vector<16xi32>
        %and3A_253 = arith.andi %add3A_245, %and3A_252 : vector<16xi32>
        %gather3A = tpu.vector_load_idx %arg7[%shift_right_arithmetic3A_251, %and3A_253] : memref<96x128xf32, #tpu.memory_space<vmem>>[vector<16xi32>, vector<16xi32>], vector<16xf32>,
        %add3A_254 = arith.addf %scan3A_239, %gather3A : vector<16xf32>
        %add3A_255 = arith.constant 1 : i32
        %add3A_256 = vector.broadcast %add3A_255 : i32 to vector<16xi32>
        %add3A_257 = arith.addi %add3A_245, %add3A_256 : vector<16xi32>
        %shift_right_arithmetic3A_258 = arith.constant 7 : i32
        %shift_right_arithmetic3A_259 = vector.broadcast %shift_right_arithmetic3A_258 : i32 to vector<16xi32>
        %shift_right_arithmetic3A_260 = arith.shrsi %add3A_257, %shift_right_arithmetic3A_259 : vector<16xi32>
        %and3A_261 = arith.constant 127 : i32
        %and3A_262 = vector.broadcast %and3A_261 : i32 to vector<16xi32>
        %and3A_263 = arith.andi %add3A_257, %and3A_262 : vector<16xi32>
        %gather3A_264 = tpu.vector_load_idx %arg7[%shift_right_arithmetic3A_260, %and3A_263] : memref<96x128xf32, #tpu.memory_space<vmem>>[vector<16xi32>, vector<16xi32>], vector<16xf32>,
        %add3A_265 = arith.addf %scan3A_240, %gather3A_264 : vector<16xf32>
        %add3A_266 = arith.constant 2 : i32
        %add3A_267 = vector.broadcast %add3A_266 : i32 to vector<16xi32>
        %add3A_268 = arith.addi %add3A_245, %add3A_267 : vector<16xi32>
        %shift_right_arithmetic3A_269 = arith.constant 7 : i32
        %shift_right_arithmetic3A_270 = vector.broadcast %shift_right_arithmetic3A_269 : i32 to vector<16xi32>
        %shift_right_arithmetic3A_271 = arith.shrsi %add3A_268, %shift_right_arithmetic3A_270 : vector<16xi32>
        %and3A_272 = arith.constant 127 : i32
        %and3A_273 = vector.broadcast %and3A_272 : i32 to vector<16xi32>
        %and3A_274 = arith.andi %add3A_268, %and3A_273 : vector<16xi32>
        %gather3A_275 = tpu.vector_load_idx %arg7[%shift_right_arithmetic3A_271, %and3A_274] : memref<96x128xf32, #tpu.memory_space<vmem>>[vector<16xi32>, vector<16xi32>], vector<16xf32>,
        %add3A_276 = arith.addf %scan3A_241, %gather3A_275 : vector<16xf32>
        %shift_right_arithmetic3A_277 = arith.constant 7 : i32
        %shift_right_arithmetic3A_278 = vector.broadcast %shift_right_arithmetic3A_277 : i32 to vector<16xi32>
        %shift_right_arithmetic3A_279 = arith.shrsi %add3A_248, %shift_right_arithmetic3A_278 : vector<16xi32>
        %and3A_280 = arith.constant 127 : i32
        %and3A_281 = vector.broadcast %and3A_280 : i32 to vector<16xi32>
        %and3A_282 = arith.andi %add3A_248, %and3A_281 : vector<16xi32>
        %gather3A_283 = tpu.vector_load_idx %arg7[%shift_right_arithmetic3A_279, %and3A_282] : memref<96x128xf32, #tpu.memory_space<vmem>>[vector<16xi32>, vector<16xi32>], vector<16xf32>,
        %add3A_284 = arith.addf %add3A_254, %gather3A_283 : vector<16xf32>
        %add3A_285 = arith.constant 1 : i32
        %add3A_286 = vector.broadcast %add3A_285 : i32 to vector<16xi32>
        %add3A_287 = arith.addi %add3A_248, %add3A_286 : vector<16xi32>
        %shift_right_arithmetic3A_288 = arith.constant 7 : i32
        %shift_right_arithmetic3A_289 = vector.broadcast %shift_right_arithmetic3A_288 : i32 to vector<16xi32>
        %shift_right_arithmetic3A_290 = arith.shrsi %add3A_287, %shift_right_arithmetic3A_289 : vector<16xi32>
        %and3A_291 = arith.constant 127 : i32
        %and3A_292 = vector.broadcast %and3A_291 : i32 to vector<16xi32>
        %and3A_293 = arith.andi %add3A_287, %and3A_292 : vector<16xi32>
        %gather3A_294 = tpu.vector_load_idx %arg7[%shift_right_arithmetic3A_290, %and3A_293] : memref<96x128xf32, #tpu.memory_space<vmem>>[vector<16xi32>, vector<16xi32>], vector<16xf32>,
        %add3A_295 = arith.addf %add3A_265, %gather3A_294 : vector<16xf32>
        %add3A_296 = arith.constant 2 : i32
        %add3A_297 = vector.broadcast %add3A_296 : i32 to vector<16xi32>
        %add3A_298 = arith.addi %add3A_248, %add3A_297 : vector<16xi32>
        %shift_right_arithmetic3A_299 = arith.constant 7 : i32
        %shift_right_arithmetic3A_300 = vector.broadcast %shift_right_arithmetic3A_299 : i32 to vector<16xi32>
        %shift_right_arithmetic3A_301 = arith.shrsi %add3A_298, %shift_right_arithmetic3A_300 : vector<16xi32>
        %and3A_302 = arith.constant 127 : i32
        %and3A_303 = vector.broadcast %and3A_302 : i32 to vector<16xi32>
        %and3A_304 = arith.andi %add3A_298, %and3A_303 : vector<16xi32>
        %gather3A_305 = tpu.vector_load_idx %arg7[%shift_right_arithmetic3A_301, %and3A_304] : memref<96x128xf32, #tpu.memory_space<vmem>>[vector<16xi32>, vector<16xi32>], vector<16xf32>,
        %add3A_306 = arith.addf %add3A_276, %gather3A_305 : vector<16xf32>
        scf.yield %add3A_284, %add3A_295, %add3A_306 : vector<16xf32>, vector<16xf32>, vector<16xf32>
      }
      %scan3A_210 = arith.constant 64 : i32
      %add3A_211 = arith.constant 2 : i32
      %add3A_212 = arith.addi %mul3A_197, %add3A_211 : i32
      %lt3A = arith.constant 32 : i32
      %lt3A_213 = arith.cmpi slt, %add3A_212, %lt3A : i32
      %convert_element_type3A = arith.extui %lt3A_213 : i1 to i32
      %cond3A = arith.constant 0 : i32
      %cond3A_214 = arith.cmpi ne, %convert_element_type3A, %cond3A : i32
      scf.if %cond3A_214 {
        %add3A_238 = arith.constant 2 : i32
        %add3A_239 = arith.addi %mul3A_197, %add3A_238 : i32
        %mul3A_240 = arith.constant 96 : i32
        %mul3A_241 = arith.muli %add3A_239, %mul3A_240 : i32
        %dma_start3A_242 = arith.constant 0 : i32
        %dma_start3A_243 = tpu.memref_slice %arg2[%add3A, %mul3A_241, %dma_start3A_242] : memref<32x3072x128xf32, #tpu.memory_space<hbm>> -> memref<1x96x128xf32, #tpu.memory_space<hbm>>
        %dma_start3A_244 = tpu.memref_squeeze %dma_start3A_243 : memref<1x96x128xf32, #tpu.memory_space<hbm>> -> memref<96x128xf32, #tpu.memory_space<hbm>>
        %dma_start3A_245 = arith.constant 0 : i32
        %dma_start3A_246 = tpu.memref_slice %arg2[%add3A, %mul3A_241, %dma_start3A_245] : memref<32x3072x128xf32, #tpu.memory_space<hbm>> -> memref<1x96x128xf32, #tpu.memory_space<hbm>>
        %dma_start3A_247 = tpu.memref_squeeze %dma_start3A_246 : memref<1x96x128xf32, #tpu.memory_space<hbm>> -> memref<96x128xf32, #tpu.memory_space<hbm>>
        tpu.enqueue_dma source(%dma_start3A_247 : memref<96x128xf32, #tpu.memory_space<hbm>>) target(%arg7 : memref<96x128xf32, #tpu.memory_space<vmem>>) target_semaphore(%arg9 : memref<!tpu.dma_semaphore, #tpu.memory_space<semaphore_mem>>)
      } else {
      }
      %add3A_215 = arith.constant 1 : i32
      %add3A_216 = arith.addi %mul3A_197, %add3A_215 : i32
      %mul3A_217 = arith.constant 96 : i32
      %mul3A_218 = arith.muli %add3A_216, %mul3A_217 : i32
      %dma_wait3A_219 = arith.constant 0 : i32
      %dma_wait3A_220 = tpu.memref_slice %arg2[%add3A, %mul3A_218, %dma_wait3A_219] : memref<32x3072x128xf32, #tpu.memory_space<hbm>> -> memref<1x96x128xf32, #tpu.memory_space<hbm>>
      %dma_wait3A_221 = tpu.memref_squeeze %dma_wait3A_220 : memref<1x96x128xf32, #tpu.memory_space<hbm>> -> memref<96x128xf32, #tpu.memory_space<hbm>>
      %dma_wait3A_222 = arith.constant 0 : i32
      %dma_wait3A_223 = tpu.memref_slice %arg2[%add3A, %mul3A_218, %dma_wait3A_222] : memref<32x3072x128xf32, #tpu.memory_space<hbm>> -> memref<1x96x128xf32, #tpu.memory_space<hbm>>
      %dma_wait3A_224 = tpu.memref_squeeze %dma_wait3A_223 : memref<1x96x128xf32, #tpu.memory_space<hbm>> -> memref<96x128xf32, #tpu.memory_space<hbm>>
      tpu.wait_dma2 semaphore(%arg10 : memref<!tpu.dma_semaphore, #tpu.memory_space<semaphore_mem>>) src(%dma_wait3A_224 : memref<96x128xf32, #tpu.memory_space<hbm>>) dst(%arg8 : memref<96x128xf32, #tpu.memory_space<vmem>>)
      %scan3A_225 = arith.constant 0 : i32
      %scan3A_226 = arith.constant 64 : i32
      %scan3A_227 = arith.addi %scan3A_225, %scan3A_226 : i32
      %scan3A_228 = arith.constant 1 : i32
      %scan3A_229:3 = scf.for %scan3A_238 = %scan3A_225 to %scan3A_227 step %scan3A_228 iter_args(%scan3A_239 = %scan3A_209#0, %scan3A_240 = %scan3A_209#1, %scan3A_241 = %scan3A_209#2) -> (vector<16xf32>, vector<16xf32>, vector<16xf32>)  : i32 {
        %mul3A_242 = arith.constant 192 : i32
        %mul3A_243 = arith.muli %scan3A_238, %mul3A_242 : i32
        %add3A_244 = vector.broadcast %mul3A_243 : i32 to vector<16xi32>
        %add3A_245 = arith.addi %mul3A_3, %add3A_244 : vector<16xi32>
        %add3A_246 = arith.constant 96 : i32
        %add3A_247 = vector.broadcast %add3A_246 : i32 to vector<16xi32>
        %add3A_248 = arith.addi %add3A_245, %add3A_247 : vector<16xi32>
        %shift_right_arithmetic3A_249 = arith.constant 7 : i32
        %shift_right_arithmetic3A_250 = vector.broadcast %shift_right_arithmetic3A_249 : i32 to vector<16xi32>
        %shift_right_arithmetic3A_251 = arith.shrsi %add3A_245, %shift_right_arithmetic3A_250 : vector<16xi32>
        %and3A = arith.constant 127 : i32
        %and3A_252 = vector.broadcast %and3A : i32 to vector<16xi32>
        %and3A_253 = arith.andi %add3A_245, %and3A_252 : vector<16xi32>
        %gather3A = tpu.vector_load_idx %arg8[%shift_right_arithmetic3A_251, %and3A_253] : memref<96x128xf32, #tpu.memory_space<vmem>>[vector<16xi32>, vector<16xi32>], vector<16xf32>,
        %add3A_254 = arith.addf %scan3A_239, %gather3A : vector<16xf32>
        %add3A_255 = arith.constant 1 : i32
        %add3A_256 = vector.broadcast %add3A_255 : i32 to vector<16xi32>
        %add3A_257 = arith.addi %add3A_245, %add3A_256 : vector<16xi32>
        %shift_right_arithmetic3A_258 = arith.constant 7 : i32
        %shift_right_arithmetic3A_259 = vector.broadcast %shift_right_arithmetic3A_258 : i32 to vector<16xi32>
        %shift_right_arithmetic3A_260 = arith.shrsi %add3A_257, %shift_right_arithmetic3A_259 : vector<16xi32>
        %and3A_261 = arith.constant 127 : i32
        %and3A_262 = vector.broadcast %and3A_261 : i32 to vector<16xi32>
        %and3A_263 = arith.andi %add3A_257, %and3A_262 : vector<16xi32>
        %gather3A_264 = tpu.vector_load_idx %arg8[%shift_right_arithmetic3A_260, %and3A_263] : memref<96x128xf32, #tpu.memory_space<vmem>>[vector<16xi32>, vector<16xi32>], vector<16xf32>,
        %add3A_265 = arith.addf %scan3A_240, %gather3A_264 : vector<16xf32>
        %add3A_266 = arith.constant 2 : i32
        %add3A_267 = vector.broadcast %add3A_266 : i32 to vector<16xi32>
        %add3A_268 = arith.addi %add3A_245, %add3A_267 : vector<16xi32>
        %shift_right_arithmetic3A_269 = arith.constant 7 : i32
        %shift_right_arithmetic3A_270 = vector.broadcast %shift_right_arithmetic3A_269 : i32 to vector<16xi32>
        %shift_right_arithmetic3A_271 = arith.shrsi %add3A_268, %shift_right_arithmetic3A_270 : vector<16xi32>
        %and3A_272 = arith.constant 127 : i32
        %and3A_273 = vector.broadcast %and3A_272 : i32 to vector<16xi32>
        %and3A_274 = arith.andi %add3A_268, %and3A_273 : vector<16xi32>
        %gather3A_275 = tpu.vector_load_idx %arg8[%shift_right_arithmetic3A_271, %and3A_274] : memref<96x128xf32, #tpu.memory_space<vmem>>[vector<16xi32>, vector<16xi32>], vector<16xf32>,
        %add3A_276 = arith.addf %scan3A_241, %gather3A_275 : vector<16xf32>
        %shift_right_arithmetic3A_277 = arith.constant 7 : i32
        %shift_right_arithmetic3A_278 = vector.broadcast %shift_right_arithmetic3A_277 : i32 to vector<16xi32>
        %shift_right_arithmetic3A_279 = arith.shrsi %add3A_248, %shift_right_arithmetic3A_278 : vector<16xi32>
        %and3A_280 = arith.constant 127 : i32
        %and3A_281 = vector.broadcast %and3A_280 : i32 to vector<16xi32>
        %and3A_282 = arith.andi %add3A_248, %and3A_281 : vector<16xi32>
        %gather3A_283 = tpu.vector_load_idx %arg8[%shift_right_arithmetic3A_279, %and3A_282] : memref<96x128xf32, #tpu.memory_space<vmem>>[vector<16xi32>, vector<16xi32>], vector<16xf32>,
        %add3A_284 = arith.addf %add3A_254, %gather3A_283 : vector<16xf32>
        %add3A_285 = arith.constant 1 : i32
        %add3A_286 = vector.broadcast %add3A_285 : i32 to vector<16xi32>
        %add3A_287 = arith.addi %add3A_248, %add3A_286 : vector<16xi32>
        %shift_right_arithmetic3A_288 = arith.constant 7 : i32
        %shift_right_arithmetic3A_289 = vector.broadcast %shift_right_arithmetic3A_288 : i32 to vector<16xi32>
        %shift_right_arithmetic3A_290 = arith.shrsi %add3A_287, %shift_right_arithmetic3A_289 : vector<16xi32>
        %and3A_291 = arith.constant 127 : i32
        %and3A_292 = vector.broadcast %and3A_291 : i32 to vector<16xi32>
        %and3A_293 = arith.andi %add3A_287, %and3A_292 : vector<16xi32>
        %gather3A_294 = tpu.vector_load_idx %arg8[%shift_right_arithmetic3A_290, %and3A_293] : memref<96x128xf32, #tpu.memory_space<vmem>>[vector<16xi32>, vector<16xi32>], vector<16xf32>,
        %add3A_295 = arith.addf %add3A_265, %gather3A_294 : vector<16xf32>
        %add3A_296 = arith.constant 2 : i32
        %add3A_297 = vector.broadcast %add3A_296 : i32 to vector<16xi32>
        %add3A_298 = arith.addi %add3A_248, %add3A_297 : vector<16xi32>
        %shift_right_arithmetic3A_299 = arith.constant 7 : i32
        %shift_right_arithmetic3A_300 = vector.broadcast %shift_right_arithmetic3A_299 : i32 to vector<16xi32>
        %shift_right_arithmetic3A_301 = arith.shrsi %add3A_298, %shift_right_arithmetic3A_300 : vector<16xi32>
        %and3A_302 = arith.constant 127 : i32
        %and3A_303 = vector.broadcast %and3A_302 : i32 to vector<16xi32>
        %and3A_304 = arith.andi %add3A_298, %and3A_303 : vector<16xi32>
        %gather3A_305 = tpu.vector_load_idx %arg8[%shift_right_arithmetic3A_301, %and3A_304] : memref<96x128xf32, #tpu.memory_space<vmem>>[vector<16xi32>, vector<16xi32>], vector<16xf32>,
        %add3A_306 = arith.addf %add3A_276, %gather3A_305 : vector<16xf32>
        scf.yield %add3A_284, %add3A_295, %add3A_306 : vector<16xf32>, vector<16xf32>, vector<16xf32>
      }
      %scan3A_230 = arith.constant 64 : i32
      %add3A_231 = arith.constant 2 : i32
      %add3A_232 = arith.addi %add3A_216, %add3A_231 : i32
      %lt3A_233 = arith.constant 32 : i32
      %lt3A_234 = arith.cmpi slt, %add3A_232, %lt3A_233 : i32
      %convert_element_type3A_235 = arith.extui %lt3A_234 : i1 to i32
      %cond3A_236 = arith.constant 0 : i32
      %cond3A_237 = arith.cmpi ne, %convert_element_type3A_235, %cond3A_236 : i32
      scf.if %cond3A_237 {
        %add3A_238 = arith.constant 2 : i32
        %add3A_239 = arith.addi %add3A_216, %add3A_238 : i32
        %mul3A_240 = arith.constant 96 : i32
        %mul3A_241 = arith.muli %add3A_239, %mul3A_240 : i32
        %dma_start3A_242 = arith.constant 0 : i32
        %dma_start3A_243 = tpu.memref_slice %arg2[%add3A, %mul3A_241, %dma_start3A_242] : memref<32x3072x128xf32, #tpu.memory_space<hbm>> -> memref<1x96x128xf32, #tpu.memory_space<hbm>>
        %dma_start3A_244 = tpu.memref_squeeze %dma_start3A_243 : memref<1x96x128xf32, #tpu.memory_space<hbm>> -> memref<96x128xf32, #tpu.memory_space<hbm>>
        %dma_start3A_245 = arith.constant 0 : i32
        %dma_start3A_246 = tpu.memref_slice %arg2[%add3A, %mul3A_241, %dma_start3A_245] : memref<32x3072x128xf32, #tpu.memory_space<hbm>> -> memref<1x96x128xf32, #tpu.memory_space<hbm>>
        %dma_start3A_247 = tpu.memref_squeeze %dma_start3A_246 : memref<1x96x128xf32, #tpu.memory_space<hbm>> -> memref<96x128xf32, #tpu.memory_space<hbm>>
        tpu.enqueue_dma source(%dma_start3A_247 : memref<96x128xf32, #tpu.memory_space<hbm>>) target(%arg8 : memref<96x128xf32, #tpu.memory_space<vmem>>) target_semaphore(%arg10 : memref<!tpu.dma_semaphore, #tpu.memory_space<semaphore_mem>>)
      } else {
      }
      scf.yield %scan3A_229#0, %scan3A_229#1, %scan3A_229#2 : vector<16xf32>, vector<16xf32>, vector<16xf32>
    }
    %scan3A_26 = arith.constant 16 : i32
    %reduce_sum3A = arith.constant true
    %reduce_sum3A_27 = vector.broadcast %reduce_sum3A : i1 to vector<16xi1>
    %reduce_sum3A_28 = tpu.scan <sum>, %scan3A_25#0 masked %reduce_sum3A_27 : vector<16xf32>, vector<16xi1> -> vector<16xf32>
    %reduce_sum3A_29 = vector.extract %reduce_sum3A_28[15] : f32 from vector<16xf32>
    %mul3A_30 = arith.constant 1.52587891E-5 : f32
    %mul3A_31 = arith.mulf %reduce_sum3A_29, %mul3A_30 : f32
    %broadcast_in_dim3A_32 = vector.broadcast %mul3A_31 : f32 to vector<16xf32>
    %reduce_sum3A_33 = arith.constant true
    %reduce_sum3A_34 = vector.broadcast %reduce_sum3A_33 : i1 to vector<16xi1>
    %reduce_sum3A_35 = tpu.scan <sum>, %scan3A_25#1 masked %reduce_sum3A_34 : vector<16xf32>, vector<16xi1> -> vector<16xf32>
    %reduce_sum3A_36 = vector.extract %reduce_sum3A_35[15] : f32 from vector<16xf32>
    %mul3A_37 = arith.constant 1.52587891E-5 : f32
    %mul3A_38 = arith.mulf %reduce_sum3A_36, %mul3A_37 : f32
    %broadcast_in_dim3A_39 = vector.broadcast %mul3A_38 : f32 to vector<16xf32>
    %reduce_sum3A_40 = arith.constant true
    %reduce_sum3A_41 = vector.broadcast %reduce_sum3A_40 : i1 to vector<16xi1>
    %reduce_sum3A_42 = tpu.scan <sum>, %scan3A_25#2 masked %reduce_sum3A_41 : vector<16xf32>, vector<16xi1> -> vector<16xf32>
    %reduce_sum3A_43 = vector.extract %reduce_sum3A_42[15] : f32 from vector<16xf32>
    %mul3A_44 = arith.constant 1.52587891E-5 : f32
    %mul3A_45 = arith.mulf %reduce_sum3A_43, %mul3A_44 : f32
    %broadcast_in_dim3A_46 = vector.broadcast %mul3A_45 : f32 to vector<16xf32>
    %dma_start3A_47 = arith.constant 0 : i32
    %dma_start3A_48 = arith.constant 0 : i32
    %dma_start3A_49 = tpu.memref_slice %arg2[%add3A, %dma_start3A_47, %dma_start3A_48] : memref<32x3072x128xf32, #tpu.memory_space<hbm>> -> memref<1x96x128xf32, #tpu.memory_space<hbm>>
    %dma_start3A_50 = tpu.memref_squeeze %dma_start3A_49 : memref<1x96x128xf32, #tpu.memory_space<hbm>> -> memref<96x128xf32, #tpu.memory_space<hbm>>
    %dma_start3A_51 = arith.constant 0 : i32
    %dma_start3A_52 = arith.constant 0 : i32
    %dma_start3A_53 = tpu.memref_slice %arg2[%add3A, %dma_start3A_51, %dma_start3A_52] : memref<32x3072x128xf32, #tpu.memory_space<hbm>> -> memref<1x96x128xf32, #tpu.memory_space<hbm>>
    %dma_start3A_54 = tpu.memref_squeeze %dma_start3A_53 : memref<1x96x128xf32, #tpu.memory_space<hbm>> -> memref<96x128xf32, #tpu.memory_space<hbm>>
    tpu.enqueue_dma source(%dma_start3A_54 : memref<96x128xf32, #tpu.memory_space<hbm>>) target(%arg7 : memref<96x128xf32, #tpu.memory_space<vmem>>) target_semaphore(%arg9 : memref<!tpu.dma_semaphore, #tpu.memory_space<semaphore_mem>>)
    %dma_start3A_55 = arith.constant 96 : i32
    %dma_start3A_56 = arith.constant 0 : i32
    %dma_start3A_57 = tpu.memref_slice %arg2[%add3A, %dma_start3A_55, %dma_start3A_56] : memref<32x3072x128xf32, #tpu.memory_space<hbm>> -> memref<1x96x128xf32, #tpu.memory_space<hbm>>
    %dma_start3A_58 = tpu.memref_squeeze %dma_start3A_57 : memref<1x96x128xf32, #tpu.memory_space<hbm>> -> memref<96x128xf32, #tpu.memory_space<hbm>>
    %dma_start3A_59 = arith.constant 96 : i32
    %dma_start3A_60 = arith.constant 0 : i32
    %dma_start3A_61 = tpu.memref_slice %arg2[%add3A, %dma_start3A_59, %dma_start3A_60] : memref<32x3072x128xf32, #tpu.memory_space<hbm>> -> memref<1x96x128xf32, #tpu.memory_space<hbm>>
    %dma_start3A_62 = tpu.memref_squeeze %dma_start3A_61 : memref<1x96x128xf32, #tpu.memory_space<hbm>> -> memref<96x128xf32, #tpu.memory_space<hbm>>
    tpu.enqueue_dma source(%dma_start3A_62 : memref<96x128xf32, #tpu.memory_space<hbm>>) target(%arg8 : memref<96x128xf32, #tpu.memory_space<vmem>>) target_semaphore(%arg10 : memref<!tpu.dma_semaphore, #tpu.memory_space<semaphore_mem>>)
    %scan3A_63 = arith.constant 0 : i32
    %scan3A_64 = arith.constant 16 : i32
    %scan3A_65 = arith.addi %scan3A_63, %scan3A_64 : i32
    %scan3A_66 = arith.constant 1 : i32
    %scan3A_67 = scf.for %scan3A_192 = %scan3A_63 to %scan3A_65 step %scan3A_66 iter_args(%scan3A_193 = %broadcast_in_dim3A_6) -> (vector<16xf32>)  : i32 {
      %mul3A_194 = arith.constant 2 : i32
      %mul3A_195 = arith.muli %mul3A_194, %scan3A_192 : i32
      %mul3A_196 = arith.constant 96 : i32
      %mul3A_197 = arith.muli %mul3A_195, %mul3A_196 : i32
      %dma_wait3A = arith.constant 0 : i32
      %dma_wait3A_198 = tpu.memref_slice %arg2[%add3A, %mul3A_197, %dma_wait3A] : memref<32x3072x128xf32, #tpu.memory_space<hbm>> -> memref<1x96x128xf32, #tpu.memory_space<hbm>>
      %dma_wait3A_199 = tpu.memref_squeeze %dma_wait3A_198 : memref<1x96x128xf32, #tpu.memory_space<hbm>> -> memref<96x128xf32, #tpu.memory_space<hbm>>
      %dma_wait3A_200 = arith.constant 0 : i32
      %dma_wait3A_201 = tpu.memref_slice %arg2[%add3A, %mul3A_197, %dma_wait3A_200] : memref<32x3072x128xf32, #tpu.memory_space<hbm>> -> memref<1x96x128xf32, #tpu.memory_space<hbm>>
      %dma_wait3A_202 = tpu.memref_squeeze %dma_wait3A_201 : memref<1x96x128xf32, #tpu.memory_space<hbm>> -> memref<96x128xf32, #tpu.memory_space<hbm>>
      tpu.wait_dma2 semaphore(%arg9 : memref<!tpu.dma_semaphore, #tpu.memory_space<semaphore_mem>>) src(%dma_wait3A_202 : memref<96x128xf32, #tpu.memory_space<hbm>>) dst(%arg7 : memref<96x128xf32, #tpu.memory_space<vmem>>)
      %scan3A_203 = arith.constant 0 : i32
      %scan3A_204 = arith.constant 64 : i32
      %scan3A_205 = arith.addi %scan3A_203, %scan3A_204 : i32
      %scan3A_206 = arith.constant 1 : i32
      %scan3A_207 = scf.for %scan3A_236 = %scan3A_203 to %scan3A_205 step %scan3A_206 iter_args(%scan3A_237 = %scan3A_193) -> (vector<16xf32>)  : i32 {
        %mul3A_238 = arith.constant 192 : i32
        %mul3A_239 = arith.muli %scan3A_236, %mul3A_238 : i32
        %add3A_240 = vector.broadcast %mul3A_239 : i32 to vector<16xi32>
        %add3A_241 = arith.addi %mul3A_3, %add3A_240 : vector<16xi32>
        %add3A_242 = arith.constant 96 : i32
        %add3A_243 = vector.broadcast %add3A_242 : i32 to vector<16xi32>
        %add3A_244 = arith.addi %add3A_241, %add3A_243 : vector<16xi32>
        %shift_right_arithmetic3A_245 = arith.constant 7 : i32
        %shift_right_arithmetic3A_246 = vector.broadcast %shift_right_arithmetic3A_245 : i32 to vector<16xi32>
        %shift_right_arithmetic3A_247 = arith.shrsi %add3A_241, %shift_right_arithmetic3A_246 : vector<16xi32>
        %and3A = arith.constant 127 : i32
        %and3A_248 = vector.broadcast %and3A : i32 to vector<16xi32>
        %and3A_249 = arith.andi %add3A_241, %and3A_248 : vector<16xi32>
        %gather3A = tpu.vector_load_idx %arg7[%shift_right_arithmetic3A_247, %and3A_249] : memref<96x128xf32, #tpu.memory_space<vmem>>[vector<16xi32>, vector<16xi32>], vector<16xf32>,
        %sub3A_250 = arith.subf %gather3A, %broadcast_in_dim3A_32 : vector<16xf32>
        %add3A_251 = arith.constant 1 : i32
        %add3A_252 = vector.broadcast %add3A_251 : i32 to vector<16xi32>
        %add3A_253 = arith.addi %add3A_241, %add3A_252 : vector<16xi32>
        %shift_right_arithmetic3A_254 = arith.constant 7 : i32
        %shift_right_arithmetic3A_255 = vector.broadcast %shift_right_arithmetic3A_254 : i32 to vector<16xi32>
        %shift_right_arithmetic3A_256 = arith.shrsi %add3A_253, %shift_right_arithmetic3A_255 : vector<16xi32>
        %and3A_257 = arith.constant 127 : i32
        %and3A_258 = vector.broadcast %and3A_257 : i32 to vector<16xi32>
        %and3A_259 = arith.andi %add3A_253, %and3A_258 : vector<16xi32>
        %gather3A_260 = tpu.vector_load_idx %arg7[%shift_right_arithmetic3A_256, %and3A_259] : memref<96x128xf32, #tpu.memory_space<vmem>>[vector<16xi32>, vector<16xi32>], vector<16xf32>,
        %sub3A_261 = arith.subf %gather3A_260, %broadcast_in_dim3A_39 : vector<16xf32>
        %add3A_262 = arith.constant 2 : i32
        %add3A_263 = vector.broadcast %add3A_262 : i32 to vector<16xi32>
        %add3A_264 = arith.addi %add3A_241, %add3A_263 : vector<16xi32>
        %shift_right_arithmetic3A_265 = arith.constant 7 : i32
        %shift_right_arithmetic3A_266 = vector.broadcast %shift_right_arithmetic3A_265 : i32 to vector<16xi32>
        %shift_right_arithmetic3A_267 = arith.shrsi %add3A_264, %shift_right_arithmetic3A_266 : vector<16xi32>
        %and3A_268 = arith.constant 127 : i32
        %and3A_269 = vector.broadcast %and3A_268 : i32 to vector<16xi32>
        %and3A_270 = arith.andi %add3A_264, %and3A_269 : vector<16xi32>
        %gather3A_271 = tpu.vector_load_idx %arg7[%shift_right_arithmetic3A_267, %and3A_270] : memref<96x128xf32, #tpu.memory_space<vmem>>[vector<16xi32>, vector<16xi32>], vector<16xf32>,
        %sub3A_272 = arith.subf %gather3A_271, %broadcast_in_dim3A_46 : vector<16xf32>
        %mul3A_273 = arith.mulf %sub3A_250, %sub3A_250 : vector<16xf32>
        %mul3A_274 = arith.mulf %sub3A_261, %sub3A_261 : vector<16xf32>
        %add3A_275 = arith.addf %mul3A_273, %mul3A_274 : vector<16xf32>
        %mul3A_276 = arith.mulf %sub3A_272, %sub3A_272 : vector<16xf32>
        %add3A_277 = arith.addf %add3A_275, %mul3A_276 : vector<16xf32>
        %max3A = arith.maximumf %scan3A_237, %add3A_277 : vector<16xf32>
        %shift_right_arithmetic3A_278 = arith.constant 7 : i32
        %shift_right_arithmetic3A_279 = vector.broadcast %shift_right_arithmetic3A_278 : i32 to vector<16xi32>
        %shift_right_arithmetic3A_280 = arith.shrsi %add3A_244, %shift_right_arithmetic3A_279 : vector<16xi32>
        %and3A_281 = arith.constant 127 : i32
        %and3A_282 = vector.broadcast %and3A_281 : i32 to vector<16xi32>
        %and3A_283 = arith.andi %add3A_244, %and3A_282 : vector<16xi32>
        %gather3A_284 = tpu.vector_load_idx %arg7[%shift_right_arithmetic3A_280, %and3A_283] : memref<96x128xf32, #tpu.memory_space<vmem>>[vector<16xi32>, vector<16xi32>], vector<16xf32>,
        %sub3A_285 = arith.subf %gather3A_284, %broadcast_in_dim3A_32 : vector<16xf32>
        %add3A_286 = arith.constant 1 : i32
        %add3A_287 = vector.broadcast %add3A_286 : i32 to vector<16xi32>
        %add3A_288 = arith.addi %add3A_244, %add3A_287 : vector<16xi32>
        %shift_right_arithmetic3A_289 = arith.constant 7 : i32
        %shift_right_arithmetic3A_290 = vector.broadcast %shift_right_arithmetic3A_289 : i32 to vector<16xi32>
        %shift_right_arithmetic3A_291 = arith.shrsi %add3A_288, %shift_right_arithmetic3A_290 : vector<16xi32>
        %and3A_292 = arith.constant 127 : i32
        %and3A_293 = vector.broadcast %and3A_292 : i32 to vector<16xi32>
        %and3A_294 = arith.andi %add3A_288, %and3A_293 : vector<16xi32>
        %gather3A_295 = tpu.vector_load_idx %arg7[%shift_right_arithmetic3A_291, %and3A_294] : memref<96x128xf32, #tpu.memory_space<vmem>>[vector<16xi32>, vector<16xi32>], vector<16xf32>,
        %sub3A_296 = arith.subf %gather3A_295, %broadcast_in_dim3A_39 : vector<16xf32>
        %add3A_297 = arith.constant 2 : i32
        %add3A_298 = vector.broadcast %add3A_297 : i32 to vector<16xi32>
        %add3A_299 = arith.addi %add3A_244, %add3A_298 : vector<16xi32>
        %shift_right_arithmetic3A_300 = arith.constant 7 : i32
        %shift_right_arithmetic3A_301 = vector.broadcast %shift_right_arithmetic3A_300 : i32 to vector<16xi32>
        %shift_right_arithmetic3A_302 = arith.shrsi %add3A_299, %shift_right_arithmetic3A_301 : vector<16xi32>
        %and3A_303 = arith.constant 127 : i32
        %and3A_304 = vector.broadcast %and3A_303 : i32 to vector<16xi32>
        %and3A_305 = arith.andi %add3A_299, %and3A_304 : vector<16xi32>
        %gather3A_306 = tpu.vector_load_idx %arg7[%shift_right_arithmetic3A_302, %and3A_305] : memref<96x128xf32, #tpu.memory_space<vmem>>[vector<16xi32>, vector<16xi32>], vector<16xf32>,
        %sub3A_307 = arith.subf %gather3A_306, %broadcast_in_dim3A_46 : vector<16xf32>
        %mul3A_308 = arith.mulf %sub3A_285, %sub3A_285 : vector<16xf32>
        %mul3A_309 = arith.mulf %sub3A_296, %sub3A_296 : vector<16xf32>
        %add3A_310 = arith.addf %mul3A_308, %mul3A_309 : vector<16xf32>
        %mul3A_311 = arith.mulf %sub3A_307, %sub3A_307 : vector<16xf32>
        %add3A_312 = arith.addf %add3A_310, %mul3A_311 : vector<16xf32>
        %max3A_313 = arith.maximumf %max3A, %add3A_312 : vector<16xf32>
        scf.yield %max3A_313 : vector<16xf32>
      }
      %scan3A_208 = arith.constant 64 : i32
      %add3A_209 = arith.constant 2 : i32
      %add3A_210 = arith.addi %mul3A_195, %add3A_209 : i32
      %lt3A = arith.constant 32 : i32
      %lt3A_211 = arith.cmpi slt, %add3A_210, %lt3A : i32
      %convert_element_type3A = arith.extui %lt3A_211 : i1 to i32
      %cond3A = arith.constant 0 : i32
      %cond3A_212 = arith.cmpi ne, %convert_element_type3A, %cond3A : i32
      scf.if %cond3A_212 {
        %add3A_236 = arith.constant 2 : i32
        %add3A_237 = arith.addi %mul3A_195, %add3A_236 : i32
        %mul3A_238 = arith.constant 96 : i32
        %mul3A_239 = arith.muli %add3A_237, %mul3A_238 : i32
        %dma_start3A_240 = arith.constant 0 : i32
        %dma_start3A_241 = tpu.memref_slice %arg2[%add3A, %mul3A_239, %dma_start3A_240] : memref<32x3072x128xf32, #tpu.memory_space<hbm>> -> memref<1x96x128xf32, #tpu.memory_space<hbm>>
        %dma_start3A_242 = tpu.memref_squeeze %dma_start3A_241 : memref<1x96x128xf32, #tpu.memory_space<hbm>> -> memref<96x128xf32, #tpu.memory_space<hbm>>
        %dma_start3A_243 = arith.constant 0 : i32
        %dma_start3A_244 = tpu.memref_slice %arg2[%add3A, %mul3A_239, %dma_start3A_243] : memref<32x3072x128xf32, #tpu.memory_space<hbm>> -> memref<1x96x128xf32, #tpu.memory_space<hbm>>
        %dma_start3A_245 = tpu.memref_squeeze %dma_start3A_244 : memref<1x96x128xf32, #tpu.memory_space<hbm>> -> memref<96x128xf32, #tpu.memory_space<hbm>>
        tpu.enqueue_dma source(%dma_start3A_245 : memref<96x128xf32, #tpu.memory_space<hbm>>) target(%arg7 : memref<96x128xf32, #tpu.memory_space<vmem>>) target_semaphore(%arg9 : memref<!tpu.dma_semaphore, #tpu.memory_space<semaphore_mem>>)
      } else {
      }
      %add3A_213 = arith.constant 1 : i32
      %add3A_214 = arith.addi %mul3A_195, %add3A_213 : i32
      %mul3A_215 = arith.constant 96 : i32
      %mul3A_216 = arith.muli %add3A_214, %mul3A_215 : i32
      %dma_wait3A_217 = arith.constant 0 : i32
      %dma_wait3A_218 = tpu.memref_slice %arg2[%add3A, %mul3A_216, %dma_wait3A_217] : memref<32x3072x128xf32, #tpu.memory_space<hbm>> -> memref<1x96x128xf32, #tpu.memory_space<hbm>>
      %dma_wait3A_219 = tpu.memref_squeeze %dma_wait3A_218 : memref<1x96x128xf32, #tpu.memory_space<hbm>> -> memref<96x128xf32, #tpu.memory_space<hbm>>
      %dma_wait3A_220 = arith.constant 0 : i32
      %dma_wait3A_221 = tpu.memref_slice %arg2[%add3A, %mul3A_216, %dma_wait3A_220] : memref<32x3072x128xf32, #tpu.memory_space<hbm>> -> memref<1x96x128xf32, #tpu.memory_space<hbm>>
      %dma_wait3A_222 = tpu.memref_squeeze %dma_wait3A_221 : memref<1x96x128xf32, #tpu.memory_space<hbm>> -> memref<96x128xf32, #tpu.memory_space<hbm>>
      tpu.wait_dma2 semaphore(%arg10 : memref<!tpu.dma_semaphore, #tpu.memory_space<semaphore_mem>>) src(%dma_wait3A_222 : memref<96x128xf32, #tpu.memory_space<hbm>>) dst(%arg8 : memref<96x128xf32, #tpu.memory_space<vmem>>)
      %scan3A_223 = arith.constant 0 : i32
      %scan3A_224 = arith.constant 64 : i32
      %scan3A_225 = arith.addi %scan3A_223, %scan3A_224 : i32
      %scan3A_226 = arith.constant 1 : i32
      %scan3A_227 = scf.for %scan3A_236 = %scan3A_223 to %scan3A_225 step %scan3A_226 iter_args(%scan3A_237 = %scan3A_207) -> (vector<16xf32>)  : i32 {
        %mul3A_238 = arith.constant 192 : i32
        %mul3A_239 = arith.muli %scan3A_236, %mul3A_238 : i32
        %add3A_240 = vector.broadcast %mul3A_239 : i32 to vector<16xi32>
        %add3A_241 = arith.addi %mul3A_3, %add3A_240 : vector<16xi32>
        %add3A_242 = arith.constant 96 : i32
        %add3A_243 = vector.broadcast %add3A_242 : i32 to vector<16xi32>
        %add3A_244 = arith.addi %add3A_241, %add3A_243 : vector<16xi32>
        %shift_right_arithmetic3A_245 = arith.constant 7 : i32
        %shift_right_arithmetic3A_246 = vector.broadcast %shift_right_arithmetic3A_245 : i32 to vector<16xi32>
        %shift_right_arithmetic3A_247 = arith.shrsi %add3A_241, %shift_right_arithmetic3A_246 : vector<16xi32>
        %and3A = arith.constant 127 : i32
        %and3A_248 = vector.broadcast %and3A : i32 to vector<16xi32>
        %and3A_249 = arith.andi %add3A_241, %and3A_248 : vector<16xi32>
        %gather3A = tpu.vector_load_idx %arg8[%shift_right_arithmetic3A_247, %and3A_249] : memref<96x128xf32, #tpu.memory_space<vmem>>[vector<16xi32>, vector<16xi32>], vector<16xf32>,
        %sub3A_250 = arith.subf %gather3A, %broadcast_in_dim3A_32 : vector<16xf32>
        %add3A_251 = arith.constant 1 : i32
        %add3A_252 = vector.broadcast %add3A_251 : i32 to vector<16xi32>
        %add3A_253 = arith.addi %add3A_241, %add3A_252 : vector<16xi32>
        %shift_right_arithmetic3A_254 = arith.constant 7 : i32
        %shift_right_arithmetic3A_255 = vector.broadcast %shift_right_arithmetic3A_254 : i32 to vector<16xi32>
        %shift_right_arithmetic3A_256 = arith.shrsi %add3A_253, %shift_right_arithmetic3A_255 : vector<16xi32>
        %and3A_257 = arith.constant 127 : i32
        %and3A_258 = vector.broadcast %and3A_257 : i32 to vector<16xi32>
        %and3A_259 = arith.andi %add3A_253, %and3A_258 : vector<16xi32>
        %gather3A_260 = tpu.vector_load_idx %arg8[%shift_right_arithmetic3A_256, %and3A_259] : memref<96x128xf32, #tpu.memory_space<vmem>>[vector<16xi32>, vector<16xi32>], vector<16xf32>,
        %sub3A_261 = arith.subf %gather3A_260, %broadcast_in_dim3A_39 : vector<16xf32>
        %add3A_262 = arith.constant 2 : i32
        %add3A_263 = vector.broadcast %add3A_262 : i32 to vector<16xi32>
        %add3A_264 = arith.addi %add3A_241, %add3A_263 : vector<16xi32>
        %shift_right_arithmetic3A_265 = arith.constant 7 : i32
        %shift_right_arithmetic3A_266 = vector.broadcast %shift_right_arithmetic3A_265 : i32 to vector<16xi32>
        %shift_right_arithmetic3A_267 = arith.shrsi %add3A_264, %shift_right_arithmetic3A_266 : vector<16xi32>
        %and3A_268 = arith.constant 127 : i32
        %and3A_269 = vector.broadcast %and3A_268 : i32 to vector<16xi32>
        %and3A_270 = arith.andi %add3A_264, %and3A_269 : vector<16xi32>
        %gather3A_271 = tpu.vector_load_idx %arg8[%shift_right_arithmetic3A_267, %and3A_270] : memref<96x128xf32, #tpu.memory_space<vmem>>[vector<16xi32>, vector<16xi32>], vector<16xf32>,
        %sub3A_272 = arith.subf %gather3A_271, %broadcast_in_dim3A_46 : vector<16xf32>
        %mul3A_273 = arith.mulf %sub3A_250, %sub3A_250 : vector<16xf32>
        %mul3A_274 = arith.mulf %sub3A_261, %sub3A_261 : vector<16xf32>
        %add3A_275 = arith.addf %mul3A_273, %mul3A_274 : vector<16xf32>
        %mul3A_276 = arith.mulf %sub3A_272, %sub3A_272 : vector<16xf32>
        %add3A_277 = arith.addf %add3A_275, %mul3A_276 : vector<16xf32>
        %max3A = arith.maximumf %scan3A_237, %add3A_277 : vector<16xf32>
        %shift_right_arithmetic3A_278 = arith.constant 7 : i32
        %shift_right_arithmetic3A_279 = vector.broadcast %shift_right_arithmetic3A_278 : i32 to vector<16xi32>
        %shift_right_arithmetic3A_280 = arith.shrsi %add3A_244, %shift_right_arithmetic3A_279 : vector<16xi32>
        %and3A_281 = arith.constant 127 : i32
        %and3A_282 = vector.broadcast %and3A_281 : i32 to vector<16xi32>
        %and3A_283 = arith.andi %add3A_244, %and3A_282 : vector<16xi32>
        %gather3A_284 = tpu.vector_load_idx %arg8[%shift_right_arithmetic3A_280, %and3A_283] : memref<96x128xf32, #tpu.memory_space<vmem>>[vector<16xi32>, vector<16xi32>], vector<16xf32>,
        %sub3A_285 = arith.subf %gather3A_284, %broadcast_in_dim3A_32 : vector<16xf32>
        %add3A_286 = arith.constant 1 : i32
        %add3A_287 = vector.broadcast %add3A_286 : i32 to vector<16xi32>
        %add3A_288 = arith.addi %add3A_244, %add3A_287 : vector<16xi32>
        %shift_right_arithmetic3A_289 = arith.constant 7 : i32
        %shift_right_arithmetic3A_290 = vector.broadcast %shift_right_arithmetic3A_289 : i32 to vector<16xi32>
        %shift_right_arithmetic3A_291 = arith.shrsi %add3A_288, %shift_right_arithmetic3A_290 : vector<16xi32>
        %and3A_292 = arith.constant 127 : i32
        %and3A_293 = vector.broadcast %and3A_292 : i32 to vector<16xi32>
        %and3A_294 = arith.andi %add3A_288, %and3A_293 : vector<16xi32>
        %gather3A_295 = tpu.vector_load_idx %arg8[%shift_right_arithmetic3A_291, %and3A_294] : memref<96x128xf32, #tpu.memory_space<vmem>>[vector<16xi32>, vector<16xi32>], vector<16xf32>,
        %sub3A_296 = arith.subf %gather3A_295, %broadcast_in_dim3A_39 : vector<16xf32>
        %add3A_297 = arith.constant 2 : i32
        %add3A_298 = vector.broadcast %add3A_297 : i32 to vector<16xi32>
        %add3A_299 = arith.addi %add3A_244, %add3A_298 : vector<16xi32>
        %shift_right_arithmetic3A_300 = arith.constant 7 : i32
        %shift_right_arithmetic3A_301 = vector.broadcast %shift_right_arithmetic3A_300 : i32 to vector<16xi32>
        %shift_right_arithmetic3A_302 = arith.shrsi %add3A_299, %shift_right_arithmetic3A_301 : vector<16xi32>
        %and3A_303 = arith.constant 127 : i32
        %and3A_304 = vector.broadcast %and3A_303 : i32 to vector<16xi32>
        %and3A_305 = arith.andi %add3A_299, %and3A_304 : vector<16xi32>
        %gather3A_306 = tpu.vector_load_idx %arg8[%shift_right_arithmetic3A_302, %and3A_305] : memref<96x128xf32, #tpu.memory_space<vmem>>[vector<16xi32>, vector<16xi32>], vector<16xf32>,
        %sub3A_307 = arith.subf %gather3A_306, %broadcast_in_dim3A_46 : vector<16xf32>
        %mul3A_308 = arith.mulf %sub3A_285, %sub3A_285 : vector<16xf32>
        %mul3A_309 = arith.mulf %sub3A_296, %sub3A_296 : vector<16xf32>
        %add3A_310 = arith.addf %mul3A_308, %mul3A_309 : vector<16xf32>
        %mul3A_311 = arith.mulf %sub3A_307, %sub3A_307 : vector<16xf32>
        %add3A_312 = arith.addf %add3A_310, %mul3A_311 : vector<16xf32>
        %max3A_313 = arith.maximumf %max3A, %add3A_312 : vector<16xf32>
        scf.yield %max3A_313 : vector<16xf32>
      }
      %scan3A_228 = arith.constant 64 : i32
      %add3A_229 = arith.constant 2 : i32
      %add3A_230 = arith.addi %add3A_214, %add3A_229 : i32
      %lt3A_231 = arith.constant 32 : i32
      %lt3A_232 = arith.cmpi slt, %add3A_230, %lt3A_231 : i32
      %convert_element_type3A_233 = arith.extui %lt3A_232 : i1 to i32
      %cond3A_234 = arith.constant 0 : i32
      %cond3A_235 = arith.cmpi ne, %convert_element_type3A_233, %cond3A_234 : i32
      scf.if %cond3A_235 {
        %add3A_236 = arith.constant 2 : i32
        %add3A_237 = arith.addi %add3A_214, %add3A_236 : i32
        %mul3A_238 = arith.constant 96 : i32
        %mul3A_239 = arith.muli %add3A_237, %mul3A_238 : i32
        %dma_start3A_240 = arith.constant 0 : i32
        %dma_start3A_241 = tpu.memref_slice %arg2[%add3A, %mul3A_239, %dma_start3A_240] : memref<32x3072x128xf32, #tpu.memory_space<hbm>> -> memref<1x96x128xf32, #tpu.memory_space<hbm>>
        %dma_start3A_242 = tpu.memref_squeeze %dma_start3A_241 : memref<1x96x128xf32, #tpu.memory_space<hbm>> -> memref<96x128xf32, #tpu.memory_space<hbm>>
        %dma_start3A_243 = arith.constant 0 : i32
        %dma_start3A_244 = tpu.memref_slice %arg2[%add3A, %mul3A_239, %dma_start3A_243] : memref<32x3072x128xf32, #tpu.memory_space<hbm>> -> memref<1x96x128xf32, #tpu.memory_space<hbm>>
        %dma_start3A_245 = tpu.memref_squeeze %dma_start3A_244 : memref<1x96x128xf32, #tpu.memory_space<hbm>> -> memref<96x128xf32, #tpu.memory_space<hbm>>
        tpu.enqueue_dma source(%dma_start3A_245 : memref<96x128xf32, #tpu.memory_space<hbm>>) target(%arg8 : memref<96x128xf32, #tpu.memory_space<vmem>>) target_semaphore(%arg10 : memref<!tpu.dma_semaphore, #tpu.memory_space<semaphore_mem>>)
      } else {
      }
      scf.yield %scan3A_227 : vector<16xf32>
    }
    %scan3A_68 = arith.constant 16 : i32
    %reduce_max3A = arith.constant true
    %reduce_max3A_69 = vector.broadcast %reduce_max3A : i1 to vector<16xi1>
    %reduce_max3A_70 = tpu.scan <max>, %scan3A_67 masked %reduce_max3A_69 : vector<16xf32>, vector<16xi1> -> vector<16xf32>
    %reduce_max3A_71 = vector.extract %reduce_max3A_70[15] : f32 from vector<16xf32>
    %broadcast_in_dim3A_72 = vector.broadcast %reduce_max3A_71 : f32 to vector<16xf32>
    %bitcast_convert_type3A = tpu.bitcast %broadcast_in_dim3A_72 : vector<16xf32> -> vector<16xi32>
    %shift_right_arithmetic3A = arith.constant 1 : i32
    %shift_right_arithmetic3A_73 = vector.broadcast %shift_right_arithmetic3A : i32 to vector<16xi32>
    %shift_right_arithmetic3A_74 = arith.shrsi %bitcast_convert_type3A, %shift_right_arithmetic3A_73 : vector<16xi32>
    %sub3A = arith.constant 1597463007 : i32
    %sub3A_75 = vector.broadcast %sub3A : i32 to vector<16xi32>
    %sub3A_76 = arith.subi %sub3A_75, %shift_right_arithmetic3A_74 : vector<16xi32>
    %bitcast_convert_type3A_77 = tpu.bitcast %sub3A_76 : vector<16xi32> -> vector<16xf32>
    %mul3A_78 = arith.constant 5.000000e-01 : f32
    %mul3A_79 = vector.broadcast %mul3A_78 : f32 to vector<16xf32>
    %mul3A_80 = arith.mulf %mul3A_79, %broadcast_in_dim3A_72 : vector<16xf32>
    %mul3A_81 = arith.mulf %mul3A_80, %bitcast_convert_type3A_77 : vector<16xf32>
    %mul3A_82 = arith.mulf %mul3A_81, %bitcast_convert_type3A_77 : vector<16xf32>
    %sub3A_83 = arith.constant 1.500000e+00 : f32
    %sub3A_84 = vector.broadcast %sub3A_83 : f32 to vector<16xf32>
    %sub3A_85 = arith.subf %sub3A_84, %mul3A_82 : vector<16xf32>
    %mul3A_86 = arith.mulf %bitcast_convert_type3A_77, %sub3A_85 : vector<16xf32>
    %mul3A_87 = arith.constant 5.000000e-01 : f32
    %mul3A_88 = vector.broadcast %mul3A_87 : f32 to vector<16xf32>
    %mul3A_89 = arith.mulf %mul3A_88, %broadcast_in_dim3A_72 : vector<16xf32>
    %mul3A_90 = arith.mulf %mul3A_89, %mul3A_86 : vector<16xf32>
    %mul3A_91 = arith.mulf %mul3A_90, %mul3A_86 : vector<16xf32>
    %sub3A_92 = arith.constant 1.500000e+00 : f32
    %sub3A_93 = vector.broadcast %sub3A_92 : f32 to vector<16xf32>
    %sub3A_94 = arith.subf %sub3A_93, %mul3A_91 : vector<16xf32>
    %mul3A_95 = arith.mulf %mul3A_86, %sub3A_94 : vector<16xf32>
    %mul3A_96 = arith.constant 5.000000e-01 : f32
    %mul3A_97 = vector.broadcast %mul3A_96 : f32 to vector<16xf32>
    %mul3A_98 = arith.mulf %mul3A_97, %broadcast_in_dim3A_72 : vector<16xf32>
    %mul3A_99 = arith.mulf %mul3A_98, %mul3A_95 : vector<16xf32>
    %mul3A_100 = arith.mulf %mul3A_99, %mul3A_95 : vector<16xf32>
    %sub3A_101 = arith.constant 1.500000e+00 : f32
    %sub3A_102 = vector.broadcast %sub3A_101 : f32 to vector<16xf32>
    %sub3A_103 = arith.subf %sub3A_102, %mul3A_100 : vector<16xf32>
    %mul3A_104 = arith.mulf %mul3A_95, %sub3A_103 : vector<16xf32>
    %mul3A_105 = arith.constant 5.000000e-01 : f32
    %mul3A_106 = vector.broadcast %mul3A_105 : f32 to vector<16xf32>
    %mul3A_107 = arith.mulf %mul3A_106, %broadcast_in_dim3A_72 : vector<16xf32>
    %mul3A_108 = arith.mulf %mul3A_107, %mul3A_104 : vector<16xf32>
    %mul3A_109 = arith.mulf %mul3A_108, %mul3A_104 : vector<16xf32>
    %sub3A_110 = arith.constant 1.500000e+00 : f32
    %sub3A_111 = vector.broadcast %sub3A_110 : f32 to vector<16xf32>
    %sub3A_112 = arith.subf %sub3A_111, %mul3A_109 : vector<16xf32>
    %mul3A_113 = arith.mulf %mul3A_104, %sub3A_112 : vector<16xf32>
    %mul3A_114 = arith.constant 1.600000e+01 : f32
    %mul3A_115 = vector.broadcast %mul3A_114 : f32 to vector<16xf32>
    %mul3A_116 = arith.mulf %mul3A_115, %mul3A_113 : vector<16xf32>
    %scan3A_117 = arith.constant 0 : i32
    %scan3A_118 = arith.constant 0 : i32
    %scan3A_119 = arith.constant 256 : i32
    %scan3A_120 = arith.addi %scan3A_118, %scan3A_119 : i32
    %scan3A_121 = arith.constant 1 : i32
    %scan3A_122 = scf.for %scan3A_192 = %scan3A_118 to %scan3A_120 step %scan3A_121 iter_args(%scan3A_193 = %scan3A_117) -> (i32)  : i32 {
      %mul3A_194 = arith.constant 128 : i32
      %mul3A_195 = arith.muli %scan3A_192, %mul3A_194 : i32
      %add3A_196 = arith.constant 0 : i32
      %add3A_197 = arith.addi %mul3A_195, %add3A_196 : i32
      %swap3A = arith.index_cast %add3A_197 : i32 to index
      %swap3A_198 = tpu.vector_load %arg4[%swap3A] {strides = array<i32>} : memref<32768xf32, #tpu.memory_space<vmem>>, vector<16xf32>,
      tpu.vector_store %arg4[%swap3A], %broadcast_in_dim3A_6 {strides = array<i32>} : memref<32768xf32, #tpu.memory_space<vmem>>, vector<16xf32>,
      %add3A_199 = arith.constant 0 : i32
      %add3A_200 = arith.addi %mul3A_195, %add3A_199 : i32
      %swap3A_201 = arith.index_cast %add3A_200 : i32 to index
      %swap3A_202 = tpu.vector_load %arg5[%swap3A_201] {strides = array<i32>} : memref<32768xf32, #tpu.memory_space<vmem>>, vector<16xf32>,
      tpu.vector_store %arg5[%swap3A_201], %broadcast_in_dim3A_6 {strides = array<i32>} : memref<32768xf32, #tpu.memory_space<vmem>>, vector<16xf32>,
      %add3A_203 = arith.constant 16 : i32
      %add3A_204 = arith.addi %mul3A_195, %add3A_203 : i32
      %swap3A_205 = arith.index_cast %add3A_204 : i32 to index
      %swap3A_206 = tpu.vector_load %arg4[%swap3A_205] {strides = array<i32>} : memref<32768xf32, #tpu.memory_space<vmem>>, vector<16xf32>,
      tpu.vector_store %arg4[%swap3A_205], %broadcast_in_dim3A_6 {strides = array<i32>} : memref<32768xf32, #tpu.memory_space<vmem>>, vector<16xf32>,
      %add3A_207 = arith.constant 16 : i32
      %add3A_208 = arith.addi %mul3A_195, %add3A_207 : i32
      %swap3A_209 = arith.index_cast %add3A_208 : i32 to index
      %swap3A_210 = tpu.vector_load %arg5[%swap3A_209] {strides = array<i32>} : memref<32768xf32, #tpu.memory_space<vmem>>, vector<16xf32>,
      tpu.vector_store %arg5[%swap3A_209], %broadcast_in_dim3A_6 {strides = array<i32>} : memref<32768xf32, #tpu.memory_space<vmem>>, vector<16xf32>,
      %add3A_211 = arith.constant 32 : i32
      %add3A_212 = arith.addi %mul3A_195, %add3A_211 : i32
      %swap3A_213 = arith.index_cast %add3A_212 : i32 to index
      %swap3A_214 = tpu.vector_load %arg4[%swap3A_213] {strides = array<i32>} : memref<32768xf32, #tpu.memory_space<vmem>>, vector<16xf32>,
      tpu.vector_store %arg4[%swap3A_213], %broadcast_in_dim3A_6 {strides = array<i32>} : memref<32768xf32, #tpu.memory_space<vmem>>, vector<16xf32>,
      %add3A_215 = arith.constant 32 : i32
      %add3A_216 = arith.addi %mul3A_195, %add3A_215 : i32
      %swap3A_217 = arith.index_cast %add3A_216 : i32 to index
      %swap3A_218 = tpu.vector_load %arg5[%swap3A_217] {strides = array<i32>} : memref<32768xf32, #tpu.memory_space<vmem>>, vector<16xf32>,
      tpu.vector_store %arg5[%swap3A_217], %broadcast_in_dim3A_6 {strides = array<i32>} : memref<32768xf32, #tpu.memory_space<vmem>>, vector<16xf32>,
      %add3A_219 = arith.constant 48 : i32
      %add3A_220 = arith.addi %mul3A_195, %add3A_219 : i32
      %swap3A_221 = arith.index_cast %add3A_220 : i32 to index
      %swap3A_222 = tpu.vector_load %arg4[%swap3A_221] {strides = array<i32>} : memref<32768xf32, #tpu.memory_space<vmem>>, vector<16xf32>,
      tpu.vector_store %arg4[%swap3A_221], %broadcast_in_dim3A_6 {strides = array<i32>} : memref<32768xf32, #tpu.memory_space<vmem>>, vector<16xf32>,
      %add3A_223 = arith.constant 48 : i32
      %add3A_224 = arith.addi %mul3A_195, %add3A_223 : i32
      %swap3A_225 = arith.index_cast %add3A_224 : i32 to index
      %swap3A_226 = tpu.vector_load %arg5[%swap3A_225] {strides = array<i32>} : memref<32768xf32, #tpu.memory_space<vmem>>, vector<16xf32>,
      tpu.vector_store %arg5[%swap3A_225], %broadcast_in_dim3A_6 {strides = array<i32>} : memref<32768xf32, #tpu.memory_space<vmem>>, vector<16xf32>,
      %add3A_227 = arith.constant 64 : i32
      %add3A_228 = arith.addi %mul3A_195, %add3A_227 : i32
      %swap3A_229 = arith.index_cast %add3A_228 : i32 to index
      %swap3A_230 = tpu.vector_load %arg4[%swap3A_229] {strides = array<i32>} : memref<32768xf32, #tpu.memory_space<vmem>>, vector<16xf32>,
      tpu.vector_store %arg4[%swap3A_229], %broadcast_in_dim3A_6 {strides = array<i32>} : memref<32768xf32, #tpu.memory_space<vmem>>, vector<16xf32>,
      %add3A_231 = arith.constant 64 : i32
      %add3A_232 = arith.addi %mul3A_195, %add3A_231 : i32
      %swap3A_233 = arith.index_cast %add3A_232 : i32 to index
      %swap3A_234 = tpu.vector_load %arg5[%swap3A_233] {strides = array<i32>} : memref<32768xf32, #tpu.memory_space<vmem>>, vector<16xf32>,
      tpu.vector_store %arg5[%swap3A_233], %broadcast_in_dim3A_6 {strides = array<i32>} : memref<32768xf32, #tpu.memory_space<vmem>>, vector<16xf32>,
      %add3A_235 = arith.constant 80 : i32
      %add3A_236 = arith.addi %mul3A_195, %add3A_235 : i32
      %swap3A_237 = arith.index_cast %add3A_236 : i32 to index
      %swap3A_238 = tpu.vector_load %arg4[%swap3A_237] {strides = array<i32>} : memref<32768xf32, #tpu.memory_space<vmem>>, vector<16xf32>,
      tpu.vector_store %arg4[%swap3A_237], %broadcast_in_dim3A_6 {strides = array<i32>} : memref<32768xf32, #tpu.memory_space<vmem>>, vector<16xf32>,
      %add3A_239 = arith.constant 80 : i32
      %add3A_240 = arith.addi %mul3A_195, %add3A_239 : i32
      %swap3A_241 = arith.index_cast %add3A_240 : i32 to index
      %swap3A_242 = tpu.vector_load %arg5[%swap3A_241] {strides = array<i32>} : memref<32768xf32, #tpu.memory_space<vmem>>, vector<16xf32>,
      tpu.vector_store %arg5[%swap3A_241], %broadcast_in_dim3A_6 {strides = array<i32>} : memref<32768xf32, #tpu.memory_space<vmem>>, vector<16xf32>,
      %add3A_243 = arith.constant 96 : i32
      %add3A_244 = arith.addi %mul3A_195, %add3A_243 : i32
      %swap3A_245 = arith.index_cast %add3A_244 : i32 to index
      %swap3A_246 = tpu.vector_load %arg4[%swap3A_245] {strides = array<i32>} : memref<32768xf32, #tpu.memory_space<vmem>>, vector<16xf32>,
      tpu.vector_store %arg4[%swap3A_245], %broadcast_in_dim3A_6 {strides = array<i32>} : memref<32768xf32, #tpu.memory_space<vmem>>, vector<16xf32>,
      %add3A_247 = arith.constant 96 : i32
      %add3A_248 = arith.addi %mul3A_195, %add3A_247 : i32
      %swap3A_249 = arith.index_cast %add3A_248 : i32 to index
      %swap3A_250 = tpu.vector_load %arg5[%swap3A_249] {strides = array<i32>} : memref<32768xf32, #tpu.memory_space<vmem>>, vector<16xf32>,
      tpu.vector_store %arg5[%swap3A_249], %broadcast_in_dim3A_6 {strides = array<i32>} : memref<32768xf32, #tpu.memory_space<vmem>>, vector<16xf32>,
      %add3A_251 = arith.constant 112 : i32
      %add3A_252 = arith.addi %mul3A_195, %add3A_251 : i32
      %swap3A_253 = arith.index_cast %add3A_252 : i32 to index
      %swap3A_254 = tpu.vector_load %arg4[%swap3A_253] {strides = array<i32>} : memref<32768xf32, #tpu.memory_space<vmem>>, vector<16xf32>,
      tpu.vector_store %arg4[%swap3A_253], %broadcast_in_dim3A_6 {strides = array<i32>} : memref<32768xf32, #tpu.memory_space<vmem>>, vector<16xf32>,
      %add3A_255 = arith.constant 112 : i32
      %add3A_256 = arith.addi %mul3A_195, %add3A_255 : i32
      %swap3A_257 = arith.index_cast %add3A_256 : i32 to index
      %swap3A_258 = tpu.vector_load %arg5[%swap3A_257] {strides = array<i32>} : memref<32768xf32, #tpu.memory_space<vmem>>, vector<16xf32>,
      tpu.vector_store %arg5[%swap3A_257], %broadcast_in_dim3A_6 {strides = array<i32>} : memref<32768xf32, #tpu.memory_space<vmem>>, vector<16xf32>,
      %scan3A_259 = arith.constant 0 : i32
      scf.yield %scan3A_259 : i32
    }
    %scan3A_123 = arith.constant 256 : i32
    %dma_start3A_124 = arith.constant 0 : i32
    %dma_start3A_125 = arith.constant 0 : i32
    %dma_start3A_126 = tpu.memref_slice %arg2[%add3A, %dma_start3A_124, %dma_start3A_125] : memref<32x3072x128xf32, #tpu.memory_space<hbm>> -> memref<1x96x128xf32, #tpu.memory_space<hbm>>
    %dma_start3A_127 = tpu.memref_squeeze %dma_start3A_126 : memref<1x96x128xf32, #tpu.memory_space<hbm>> -> memref<96x128xf32, #tpu.memory_space<hbm>>
    %dma_start3A_128 = arith.constant 0 : i32
    %dma_start3A_129 = arith.constant 0 : i32
    %dma_start3A_130 = tpu.memref_slice %arg2[%add3A, %dma_start3A_128, %dma_start3A_129] : memref<32x3072x128xf32, #tpu.memory_space<hbm>> -> memref<1x96x128xf32, #tpu.memory_space<hbm>>
    %dma_start3A_131 = tpu.memref_squeeze %dma_start3A_130 : memref<1x96x128xf32, #tpu.memory_space<hbm>> -> memref<96x128xf32, #tpu.memory_space<hbm>>
    tpu.enqueue_dma source(%dma_start3A_131 : memref<96x128xf32, #tpu.memory_space<hbm>>) target(%arg7 : memref<96x128xf32, #tpu.memory_space<vmem>>) target_semaphore(%arg9 : memref<!tpu.dma_semaphore, #tpu.memory_space<semaphore_mem>>)
    %dma_start3A_132 = arith.constant 96 : i32
    %dma_start3A_133 = arith.constant 0 : i32
    %dma_start3A_134 = tpu.memref_slice %arg2[%add3A, %dma_start3A_132, %dma_start3A_133] : memref<32x3072x128xf32, #tpu.memory_space<hbm>> -> memref<1x96x128xf32, #tpu.memory_space<hbm>>
    %dma_start3A_135 = tpu.memref_squeeze %dma_start3A_134 : memref<1x96x128xf32, #tpu.memory_space<hbm>> -> memref<96x128xf32, #tpu.memory_space<hbm>>
    %dma_start3A_136 = arith.constant 96 : i32
    %dma_start3A_137 = arith.constant 0 : i32
    %dma_start3A_138 = tpu.memref_slice %arg2[%add3A, %dma_start3A_136, %dma_start3A_137] : memref<32x3072x128xf32, #tpu.memory_space<hbm>> -> memref<1x96x128xf32, #tpu.memory_space<hbm>>
    %dma_start3A_139 = tpu.memref_squeeze %dma_start3A_138 : memref<1x96x128xf32, #tpu.memory_space<hbm>> -> memref<96x128xf32, #tpu.memory_space<hbm>>
    tpu.enqueue_dma source(%dma_start3A_139 : memref<96x128xf32, #tpu.memory_space<hbm>>) target(%arg8 : memref<96x128xf32, #tpu.memory_space<vmem>>) target_semaphore(%arg10 : memref<!tpu.dma_semaphore, #tpu.memory_space<semaphore_mem>>)
    %scan3A_140 = arith.constant 0 : i32
    %scan3A_141 = arith.constant 0 : i32
    %scan3A_142 = arith.constant 16 : i32
    %scan3A_143 = arith.addi %scan3A_141, %scan3A_142 : i32
    %scan3A_144 = arith.constant 1 : i32
    scf.for %scan3A_192 = %scan3A_141 to %scan3A_143 step %scan3A_144  : i32 {
      %mul3A_193 = arith.constant 2 : i32
      %mul3A_194 = arith.muli %mul3A_193, %scan3A_192 : i32
      %mul3A_195 = arith.constant 96 : i32
      %mul3A_196 = arith.muli %mul3A_194, %mul3A_195 : i32
      %dma_wait3A = arith.constant 0 : i32
      %dma_wait3A_197 = tpu.memref_slice %arg2[%add3A, %mul3A_196, %dma_wait3A] : memref<32x3072x128xf32, #tpu.memory_space<hbm>> -> memref<1x96x128xf32, #tpu.memory_space<hbm>>
      %dma_wait3A_198 = tpu.memref_squeeze %dma_wait3A_197 : memref<1x96x128xf32, #tpu.memory_space<hbm>> -> memref<96x128xf32, #tpu.memory_space<hbm>>
      %dma_wait3A_199 = arith.constant 0 : i32
      %dma_wait3A_200 = tpu.memref_slice %arg2[%add3A, %mul3A_196, %dma_wait3A_199] : memref<32x3072x128xf32, #tpu.memory_space<hbm>> -> memref<1x96x128xf32, #tpu.memory_space<hbm>>
      %dma_wait3A_201 = tpu.memref_squeeze %dma_wait3A_200 : memref<1x96x128xf32, #tpu.memory_space<hbm>> -> memref<96x128xf32, #tpu.memory_space<hbm>>
      tpu.wait_dma2 semaphore(%arg9 : memref<!tpu.dma_semaphore, #tpu.memory_space<semaphore_mem>>) src(%dma_wait3A_201 : memref<96x128xf32, #tpu.memory_space<hbm>>) dst(%arg7 : memref<96x128xf32, #tpu.memory_space<vmem>>)
      %scan3A_202 = arith.constant 0 : i32
      %scan3A_203 = arith.constant 0 : i32
      %scan3A_204 = arith.constant 64 : i32
      %scan3A_205 = arith.addi %scan3A_203, %scan3A_204 : i32
      %scan3A_206 = arith.constant 1 : i32
      %scan3A_207 = scf.for %scan3A_237 = %scan3A_203 to %scan3A_205 step %scan3A_206 iter_args(%scan3A_238 = %scan3A_202) -> (i32)  : i32 {
        %mul3A_239 = arith.constant 192 : i32
        %mul3A_240 = arith.muli %scan3A_237, %mul3A_239 : i32
        %add3A_241 = vector.broadcast %mul3A_240 : i32 to vector<16xi32>
        %add3A_242 = arith.addi %mul3A_3, %add3A_241 : vector<16xi32>
        %add3A_243 = arith.constant 96 : i32
        %add3A_244 = vector.broadcast %add3A_243 : i32 to vector<16xi32>
        %add3A_245 = arith.addi %add3A_242, %add3A_244 : vector<16xi32>
        %shift_right_arithmetic3A_246 = arith.constant 7 : i32
        %shift_right_arithmetic3A_247 = vector.broadcast %shift_right_arithmetic3A_246 : i32 to vector<16xi32>
        %shift_right_arithmetic3A_248 = arith.shrsi %add3A_242, %shift_right_arithmetic3A_247 : vector<16xi32>
        %and3A = arith.constant 127 : i32
        %and3A_249 = vector.broadcast %and3A : i32 to vector<16xi32>
        %and3A_250 = arith.andi %add3A_242, %and3A_249 : vector<16xi32>
        %gather3A = tpu.vector_load_idx %arg7[%shift_right_arithmetic3A_248, %and3A_250] : memref<96x128xf32, #tpu.memory_space<vmem>>[vector<16xi32>, vector<16xi32>], vector<16xf32>,
        %add3A_251 = arith.constant 1 : i32
        %add3A_252 = vector.broadcast %add3A_251 : i32 to vector<16xi32>
        %add3A_253 = arith.addi %add3A_242, %add3A_252 : vector<16xi32>
        %shift_right_arithmetic3A_254 = arith.constant 7 : i32
        %shift_right_arithmetic3A_255 = vector.broadcast %shift_right_arithmetic3A_254 : i32 to vector<16xi32>
        %shift_right_arithmetic3A_256 = arith.shrsi %add3A_253, %shift_right_arithmetic3A_255 : vector<16xi32>
        %and3A_257 = arith.constant 127 : i32
        %and3A_258 = vector.broadcast %and3A_257 : i32 to vector<16xi32>
        %and3A_259 = arith.andi %add3A_253, %and3A_258 : vector<16xi32>
        %gather3A_260 = tpu.vector_load_idx %arg7[%shift_right_arithmetic3A_256, %and3A_259] : memref<96x128xf32, #tpu.memory_space<vmem>>[vector<16xi32>, vector<16xi32>], vector<16xf32>,
        %add3A_261 = arith.constant 2 : i32
        %add3A_262 = vector.broadcast %add3A_261 : i32 to vector<16xi32>
        %add3A_263 = arith.addi %add3A_242, %add3A_262 : vector<16xi32>
        %shift_right_arithmetic3A_264 = arith.constant 7 : i32
        %shift_right_arithmetic3A_265 = vector.broadcast %shift_right_arithmetic3A_264 : i32 to vector<16xi32>
        %shift_right_arithmetic3A_266 = arith.shrsi %add3A_263, %shift_right_arithmetic3A_265 : vector<16xi32>
        %and3A_267 = arith.constant 127 : i32
        %and3A_268 = vector.broadcast %and3A_267 : i32 to vector<16xi32>
        %and3A_269 = arith.andi %add3A_263, %and3A_268 : vector<16xi32>
        %gather3A_270 = tpu.vector_load_idx %arg7[%shift_right_arithmetic3A_266, %and3A_269] : memref<96x128xf32, #tpu.memory_space<vmem>>[vector<16xi32>, vector<16xi32>], vector<16xf32>,
        %sub3A_271 = arith.subf %gather3A, %broadcast_in_dim3A_32 : vector<16xf32>
        %mul3A_272 = arith.mulf %sub3A_271, %mul3A_116 : vector<16xf32>
        %add3A_273 = arith.constant 1.600000e+01 : f32
        %add3A_274 = vector.broadcast %add3A_273 : f32 to vector<16xf32>
        %add3A_275 = arith.addf %mul3A_272, %add3A_274 : vector<16xf32>
        %max3A = arith.constant 0.000000e+00 : f32
        %max3A_276 = vector.broadcast %max3A : f32 to vector<16xf32>
        %max3A_277 = arith.maximumf %add3A_275, %max3A_276 : vector<16xf32>
        %min3A = arith.constant 3.100000e+01 : f32
        %min3A_278 = vector.broadcast %min3A : f32 to vector<16xf32>
        %min3A_279 = arith.minimumf %max3A_277, %min3A_278 : vector<16xf32>
        %add3A_280 = arith.constant 5.000000e-01 : f32
        %add3A_281 = vector.broadcast %add3A_280 : f32 to vector<16xf32>
        %add3A_282 = arith.addf %min3A_279, %add3A_281 : vector<16xf32>
        %convert_element_type3A_283 = arith.fptosi %add3A_282 : vector<16xf32> to vector<16xi32>
        %mul3A_284 = arith.constant 32 : i32
        %mul3A_285 = vector.broadcast %mul3A_284 : i32 to vector<16xi32>
        %mul3A_286 = arith.muli %convert_element_type3A_283, %mul3A_285 : vector<16xi32>
        %sub3A_287 = arith.subf %gather3A_260, %broadcast_in_dim3A_39 : vector<16xf32>
        %mul3A_288 = arith.mulf %sub3A_287, %mul3A_116 : vector<16xf32>
        %add3A_289 = arith.constant 1.600000e+01 : f32
        %add3A_290 = vector.broadcast %add3A_289 : f32 to vector<16xf32>
        %add3A_291 = arith.addf %mul3A_288, %add3A_290 : vector<16xf32>
        %max3A_292 = arith.constant 0.000000e+00 : f32
        %max3A_293 = vector.broadcast %max3A_292 : f32 to vector<16xf32>
        %max3A_294 = arith.maximumf %add3A_291, %max3A_293 : vector<16xf32>
        %min3A_295 = arith.constant 3.100000e+01 : f32
        %min3A_296 = vector.broadcast %min3A_295 : f32 to vector<16xf32>
        %min3A_297 = arith.minimumf %max3A_294, %min3A_296 : vector<16xf32>
        %add3A_298 = arith.constant 5.000000e-01 : f32
        %add3A_299 = vector.broadcast %add3A_298 : f32 to vector<16xf32>
        %add3A_300 = arith.addf %min3A_297, %add3A_299 : vector<16xf32>
        %convert_element_type3A_301 = arith.fptosi %add3A_300 : vector<16xf32> to vector<16xi32>
        %add3A_302 = arith.addi %mul3A_286, %convert_element_type3A_301 : vector<16xi32>
        %mul3A_303 = arith.constant 32 : i32
        %mul3A_304 = vector.broadcast %mul3A_303 : i32 to vector<16xi32>
        %mul3A_305 = arith.muli %add3A_302, %mul3A_304 : vector<16xi32>
        %sub3A_306 = arith.subf %gather3A_270, %broadcast_in_dim3A_46 : vector<16xf32>
        %mul3A_307 = arith.mulf %sub3A_306, %mul3A_116 : vector<16xf32>
        %add3A_308 = arith.constant 1.600000e+01 : f32
        %add3A_309 = vector.broadcast %add3A_308 : f32 to vector<16xf32>
        %add3A_310 = arith.addf %mul3A_307, %add3A_309 : vector<16xf32>
        %max3A_311 = arith.constant 0.000000e+00 : f32
        %max3A_312 = vector.broadcast %max3A_311 : f32 to vector<16xf32>
        %max3A_313 = arith.maximumf %add3A_310, %max3A_312 : vector<16xf32>
        %min3A_314 = arith.constant 3.100000e+01 : f32
        %min3A_315 = vector.broadcast %min3A_314 : f32 to vector<16xf32>
        %min3A_316 = arith.minimumf %max3A_313, %min3A_315 : vector<16xf32>
        %add3A_317 = arith.constant 5.000000e-01 : f32
        %add3A_318 = vector.broadcast %add3A_317 : f32 to vector<16xf32>
        %add3A_319 = arith.addf %min3A_316, %add3A_318 : vector<16xf32>
        %convert_element_type3A_320 = arith.fptosi %add3A_319 : vector<16xf32> to vector<16xi32>
        %add3A_321 = arith.addi %mul3A_305, %convert_element_type3A_320 : vector<16xi32>
        %shift_right_arithmetic3A_322 = arith.constant 7 : i32
        %shift_right_arithmetic3A_323 = vector.broadcast %shift_right_arithmetic3A_322 : i32 to vector<16xi32>
        %shift_right_arithmetic3A_324 = arith.shrsi %add3A_245, %shift_right_arithmetic3A_323 : vector<16xi32>
        %and3A_325 = arith.constant 127 : i32
        %and3A_326 = vector.broadcast %and3A_325 : i32 to vector<16xi32>
        %and3A_327 = arith.andi %add3A_245, %and3A_326 : vector<16xi32>
        %gather3A_328 = tpu.vector_load_idx %arg7[%shift_right_arithmetic3A_324, %and3A_327] : memref<96x128xf32, #tpu.memory_space<vmem>>[vector<16xi32>, vector<16xi32>], vector<16xf32>,
        %add3A_329 = arith.constant 1 : i32
        %add3A_330 = vector.broadcast %add3A_329 : i32 to vector<16xi32>
        %add3A_331 = arith.addi %add3A_245, %add3A_330 : vector<16xi32>
        %shift_right_arithmetic3A_332 = arith.constant 7 : i32
        %shift_right_arithmetic3A_333 = vector.broadcast %shift_right_arithmetic3A_332 : i32 to vector<16xi32>
        %shift_right_arithmetic3A_334 = arith.shrsi %add3A_331, %shift_right_arithmetic3A_333 : vector<16xi32>
        %and3A_335 = arith.constant 127 : i32
        %and3A_336 = vector.broadcast %and3A_335 : i32 to vector<16xi32>
        %and3A_337 = arith.andi %add3A_331, %and3A_336 : vector<16xi32>
        %gather3A_338 = tpu.vector_load_idx %arg7[%shift_right_arithmetic3A_334, %and3A_337] : memref<96x128xf32, #tpu.memory_space<vmem>>[vector<16xi32>, vector<16xi32>], vector<16xf32>,
        %add3A_339 = arith.constant 2 : i32
        %add3A_340 = vector.broadcast %add3A_339 : i32 to vector<16xi32>
        %add3A_341 = arith.addi %add3A_245, %add3A_340 : vector<16xi32>
        %shift_right_arithmetic3A_342 = arith.constant 7 : i32
        %shift_right_arithmetic3A_343 = vector.broadcast %shift_right_arithmetic3A_342 : i32 to vector<16xi32>
        %shift_right_arithmetic3A_344 = arith.shrsi %add3A_341, %shift_right_arithmetic3A_343 : vector<16xi32>
        %and3A_345 = arith.constant 127 : i32
        %and3A_346 = vector.broadcast %and3A_345 : i32 to vector<16xi32>
        %and3A_347 = arith.andi %add3A_341, %and3A_346 : vector<16xi32>
        %gather3A_348 = tpu.vector_load_idx %arg7[%shift_right_arithmetic3A_344, %and3A_347] : memref<96x128xf32, #tpu.memory_space<vmem>>[vector<16xi32>, vector<16xi32>], vector<16xf32>,
        %sub3A_349 = arith.subf %gather3A_328, %broadcast_in_dim3A_32 : vector<16xf32>
        %mul3A_350 = arith.mulf %sub3A_349, %mul3A_116 : vector<16xf32>
        %add3A_351 = arith.constant 1.600000e+01 : f32
        %add3A_352 = vector.broadcast %add3A_351 : f32 to vector<16xf32>
        %add3A_353 = arith.addf %mul3A_350, %add3A_352 : vector<16xf32>
        %max3A_354 = arith.constant 0.000000e+00 : f32
        %max3A_355 = vector.broadcast %max3A_354 : f32 to vector<16xf32>
        %max3A_356 = arith.maximumf %add3A_353, %max3A_355 : vector<16xf32>
        %min3A_357 = arith.constant 3.100000e+01 : f32
        %min3A_358 = vector.broadcast %min3A_357 : f32 to vector<16xf32>
        %min3A_359 = arith.minimumf %max3A_356, %min3A_358 : vector<16xf32>
        %add3A_360 = arith.constant 5.000000e-01 : f32
        %add3A_361 = vector.broadcast %add3A_360 : f32 to vector<16xf32>
        %add3A_362 = arith.addf %min3A_359, %add3A_361 : vector<16xf32>
        %convert_element_type3A_363 = arith.fptosi %add3A_362 : vector<16xf32> to vector<16xi32>
        %mul3A_364 = arith.constant 32 : i32
        %mul3A_365 = vector.broadcast %mul3A_364 : i32 to vector<16xi32>
        %mul3A_366 = arith.muli %convert_element_type3A_363, %mul3A_365 : vector<16xi32>
        %sub3A_367 = arith.subf %gather3A_338, %broadcast_in_dim3A_39 : vector<16xf32>
        %mul3A_368 = arith.mulf %sub3A_367, %mul3A_116 : vector<16xf32>
        %add3A_369 = arith.constant 1.600000e+01 : f32
        %add3A_370 = vector.broadcast %add3A_369 : f32 to vector<16xf32>
        %add3A_371 = arith.addf %mul3A_368, %add3A_370 : vector<16xf32>
        %max3A_372 = arith.constant 0.000000e+00 : f32
        %max3A_373 = vector.broadcast %max3A_372 : f32 to vector<16xf32>
        %max3A_374 = arith.maximumf %add3A_371, %max3A_373 : vector<16xf32>
        %min3A_375 = arith.constant 3.100000e+01 : f32
        %min3A_376 = vector.broadcast %min3A_375 : f32 to vector<16xf32>
        %min3A_377 = arith.minimumf %max3A_374, %min3A_376 : vector<16xf32>
        %add3A_378 = arith.constant 5.000000e-01 : f32
        %add3A_379 = vector.broadcast %add3A_378 : f32 to vector<16xf32>
        %add3A_380 = arith.addf %min3A_377, %add3A_379 : vector<16xf32>
        %convert_element_type3A_381 = arith.fptosi %add3A_380 : vector<16xf32> to vector<16xi32>
        %add3A_382 = arith.addi %mul3A_366, %convert_element_type3A_381 : vector<16xi32>
        %mul3A_383 = arith.constant 32 : i32
        %mul3A_384 = vector.broadcast %mul3A_383 : i32 to vector<16xi32>
        %mul3A_385 = arith.muli %add3A_382, %mul3A_384 : vector<16xi32>
        %sub3A_386 = arith.subf %gather3A_348, %broadcast_in_dim3A_46 : vector<16xf32>
        %mul3A_387 = arith.mulf %sub3A_386, %mul3A_116 : vector<16xf32>
        %add3A_388 = arith.constant 1.600000e+01 : f32
        %add3A_389 = vector.broadcast %add3A_388 : f32 to vector<16xf32>
        %add3A_390 = arith.addf %mul3A_387, %add3A_389 : vector<16xf32>
        %max3A_391 = arith.constant 0.000000e+00 : f32
        %max3A_392 = vector.broadcast %max3A_391 : f32 to vector<16xf32>
        %max3A_393 = arith.maximumf %add3A_390, %max3A_392 : vector<16xf32>
        %min3A_394 = arith.constant 3.100000e+01 : f32
        %min3A_395 = vector.broadcast %min3A_394 : f32 to vector<16xf32>
        %min3A_396 = arith.minimumf %max3A_393, %min3A_395 : vector<16xf32>
        %add3A_397 = arith.constant 5.000000e-01 : f32
        %add3A_398 = vector.broadcast %add3A_397 : f32 to vector<16xf32>
        %add3A_399 = arith.addf %min3A_396, %add3A_398 : vector<16xf32>
        %convert_element_type3A_400 = arith.fptosi %add3A_399 : vector<16xf32> to vector<16xi32>
        %add3A_401 = arith.addi %mul3A_385, %convert_element_type3A_400 : vector<16xi32>
        %add3A_402 = arith.constant 3 : i32
        %add3A_403 = vector.broadcast %add3A_402 : i32 to vector<16xi32>
        %add3A_404 = arith.addi %add3A_242, %add3A_403 : vector<16xi32>
        %shift_right_arithmetic3A_405 = arith.constant 7 : i32
        %shift_right_arithmetic3A_406 = vector.broadcast %shift_right_arithmetic3A_405 : i32 to vector<16xi32>
        %shift_right_arithmetic3A_407 = arith.shrsi %add3A_404, %shift_right_arithmetic3A_406 : vector<16xi32>
        %and3A_408 = arith.constant 127 : i32
        %and3A_409 = vector.broadcast %and3A_408 : i32 to vector<16xi32>
        %and3A_410 = arith.andi %add3A_404, %and3A_409 : vector<16xi32>
        %gather3A_411 = tpu.vector_load_idx %arg7[%shift_right_arithmetic3A_407, %and3A_410] : memref<96x128xf32, #tpu.memory_space<vmem>>[vector<16xi32>, vector<16xi32>], vector<16xf32>,
        %add3A_412 = arith.constant 3 : i32
        %add3A_413 = vector.broadcast %add3A_412 : i32 to vector<16xi32>
        %add3A_414 = arith.addi %add3A_245, %add3A_413 : vector<16xi32>
        %shift_right_arithmetic3A_415 = arith.constant 7 : i32
        %shift_right_arithmetic3A_416 = vector.broadcast %shift_right_arithmetic3A_415 : i32 to vector<16xi32>
        %shift_right_arithmetic3A_417 = arith.shrsi %add3A_414, %shift_right_arithmetic3A_416 : vector<16xi32>
        %and3A_418 = arith.constant 127 : i32
        %and3A_419 = vector.broadcast %and3A_418 : i32 to vector<16xi32>
        %and3A_420 = arith.andi %add3A_414, %and3A_419 : vector<16xi32>
        %gather3A_421 = tpu.vector_load_idx %arg7[%shift_right_arithmetic3A_417, %and3A_420] : memref<96x128xf32, #tpu.memory_space<vmem>>[vector<16xi32>, vector<16xi32>], vector<16xf32>,
        tpu.vector_store_idx %arg4[%add3A_321], %broadcast_in_dim3A_4 {add = true} : memref<32768xf32, #tpu.memory_space<vmem>>[vector<16xi32>], vector<16xf32>,
        tpu.vector_store_idx %arg4[%add3A_401], %broadcast_in_dim3A_4 {add = true} : memref<32768xf32, #tpu.memory_space<vmem>>[vector<16xi32>], vector<16xf32>,
        tpu.vector_store_idx %arg5[%add3A_321], %gather3A_411 {add = true} : memref<32768xf32, #tpu.memory_space<vmem>>[vector<16xi32>], vector<16xf32>,
        tpu.vector_store_idx %arg5[%add3A_401], %gather3A_421 {add = true} : memref<32768xf32, #tpu.memory_space<vmem>>[vector<16xi32>], vector<16xf32>,
        %scan3A_422 = arith.constant 0 : i32
        scf.yield %scan3A_422 : i32
      }
      %scan3A_208 = arith.constant 64 : i32
      %add3A_209 = arith.constant 2 : i32
      %add3A_210 = arith.addi %mul3A_194, %add3A_209 : i32
      %lt3A = arith.constant 32 : i32
      %lt3A_211 = arith.cmpi slt, %add3A_210, %lt3A : i32
      %convert_element_type3A = arith.extui %lt3A_211 : i1 to i32
      %cond3A = arith.constant 0 : i32
      %cond3A_212 = arith.cmpi ne, %convert_element_type3A, %cond3A : i32
      scf.if %cond3A_212 {
        %add3A_237 = arith.constant 2 : i32
        %add3A_238 = arith.addi %mul3A_194, %add3A_237 : i32
        %mul3A_239 = arith.constant 96 : i32
        %mul3A_240 = arith.muli %add3A_238, %mul3A_239 : i32
        %dma_start3A_241 = arith.constant 0 : i32
        %dma_start3A_242 = tpu.memref_slice %arg2[%add3A, %mul3A_240, %dma_start3A_241] : memref<32x3072x128xf32, #tpu.memory_space<hbm>> -> memref<1x96x128xf32, #tpu.memory_space<hbm>>
        %dma_start3A_243 = tpu.memref_squeeze %dma_start3A_242 : memref<1x96x128xf32, #tpu.memory_space<hbm>> -> memref<96x128xf32, #tpu.memory_space<hbm>>
        %dma_start3A_244 = arith.constant 0 : i32
        %dma_start3A_245 = tpu.memref_slice %arg2[%add3A, %mul3A_240, %dma_start3A_244] : memref<32x3072x128xf32, #tpu.memory_space<hbm>> -> memref<1x96x128xf32, #tpu.memory_space<hbm>>
        %dma_start3A_246 = tpu.memref_squeeze %dma_start3A_245 : memref<1x96x128xf32, #tpu.memory_space<hbm>> -> memref<96x128xf32, #tpu.memory_space<hbm>>
        tpu.enqueue_dma source(%dma_start3A_246 : memref<96x128xf32, #tpu.memory_space<hbm>>) target(%arg7 : memref<96x128xf32, #tpu.memory_space<vmem>>) target_semaphore(%arg9 : memref<!tpu.dma_semaphore, #tpu.memory_space<semaphore_mem>>)
      } else {
      }
      %add3A_213 = arith.constant 1 : i32
      %add3A_214 = arith.addi %mul3A_194, %add3A_213 : i32
      %mul3A_215 = arith.constant 96 : i32
      %mul3A_216 = arith.muli %add3A_214, %mul3A_215 : i32
      %dma_wait3A_217 = arith.constant 0 : i32
      %dma_wait3A_218 = tpu.memref_slice %arg2[%add3A, %mul3A_216, %dma_wait3A_217] : memref<32x3072x128xf32, #tpu.memory_space<hbm>> -> memref<1x96x128xf32, #tpu.memory_space<hbm>>
      %dma_wait3A_219 = tpu.memref_squeeze %dma_wait3A_218 : memref<1x96x128xf32, #tpu.memory_space<hbm>> -> memref<96x128xf32, #tpu.memory_space<hbm>>
      %dma_wait3A_220 = arith.constant 0 : i32
      %dma_wait3A_221 = tpu.memref_slice %arg2[%add3A, %mul3A_216, %dma_wait3A_220] : memref<32x3072x128xf32, #tpu.memory_space<hbm>> -> memref<1x96x128xf32, #tpu.memory_space<hbm>>
      %dma_wait3A_222 = tpu.memref_squeeze %dma_wait3A_221 : memref<1x96x128xf32, #tpu.memory_space<hbm>> -> memref<96x128xf32, #tpu.memory_space<hbm>>
      tpu.wait_dma2 semaphore(%arg10 : memref<!tpu.dma_semaphore, #tpu.memory_space<semaphore_mem>>) src(%dma_wait3A_222 : memref<96x128xf32, #tpu.memory_space<hbm>>) dst(%arg8 : memref<96x128xf32, #tpu.memory_space<vmem>>)
      %scan3A_223 = arith.constant 0 : i32
      %scan3A_224 = arith.constant 0 : i32
      %scan3A_225 = arith.constant 64 : i32
      %scan3A_226 = arith.addi %scan3A_224, %scan3A_225 : i32
      %scan3A_227 = arith.constant 1 : i32
      %scan3A_228 = scf.for %scan3A_237 = %scan3A_224 to %scan3A_226 step %scan3A_227 iter_args(%scan3A_238 = %scan3A_223) -> (i32)  : i32 {
        %mul3A_239 = arith.constant 192 : i32
        %mul3A_240 = arith.muli %scan3A_237, %mul3A_239 : i32
        %add3A_241 = vector.broadcast %mul3A_240 : i32 to vector<16xi32>
        %add3A_242 = arith.addi %mul3A_3, %add3A_241 : vector<16xi32>
        %add3A_243 = arith.constant 96 : i32
        %add3A_244 = vector.broadcast %add3A_243 : i32 to vector<16xi32>
        %add3A_245 = arith.addi %add3A_242, %add3A_244 : vector<16xi32>
        %shift_right_arithmetic3A_246 = arith.constant 7 : i32
        %shift_right_arithmetic3A_247 = vector.broadcast %shift_right_arithmetic3A_246 : i32 to vector<16xi32>
        %shift_right_arithmetic3A_248 = arith.shrsi %add3A_242, %shift_right_arithmetic3A_247 : vector<16xi32>
        %and3A = arith.constant 127 : i32
        %and3A_249 = vector.broadcast %and3A : i32 to vector<16xi32>
        %and3A_250 = arith.andi %add3A_242, %and3A_249 : vector<16xi32>
        %gather3A = tpu.vector_load_idx %arg8[%shift_right_arithmetic3A_248, %and3A_250] : memref<96x128xf32, #tpu.memory_space<vmem>>[vector<16xi32>, vector<16xi32>], vector<16xf32>,
        %add3A_251 = arith.constant 1 : i32
        %add3A_252 = vector.broadcast %add3A_251 : i32 to vector<16xi32>
        %add3A_253 = arith.addi %add3A_242, %add3A_252 : vector<16xi32>
        %shift_right_arithmetic3A_254 = arith.constant 7 : i32
        %shift_right_arithmetic3A_255 = vector.broadcast %shift_right_arithmetic3A_254 : i32 to vector<16xi32>
        %shift_right_arithmetic3A_256 = arith.shrsi %add3A_253, %shift_right_arithmetic3A_255 : vector<16xi32>
        %and3A_257 = arith.constant 127 : i32
        %and3A_258 = vector.broadcast %and3A_257 : i32 to vector<16xi32>
        %and3A_259 = arith.andi %add3A_253, %and3A_258 : vector<16xi32>
        %gather3A_260 = tpu.vector_load_idx %arg8[%shift_right_arithmetic3A_256, %and3A_259] : memref<96x128xf32, #tpu.memory_space<vmem>>[vector<16xi32>, vector<16xi32>], vector<16xf32>,
        %add3A_261 = arith.constant 2 : i32
        %add3A_262 = vector.broadcast %add3A_261 : i32 to vector<16xi32>
        %add3A_263 = arith.addi %add3A_242, %add3A_262 : vector<16xi32>
        %shift_right_arithmetic3A_264 = arith.constant 7 : i32
        %shift_right_arithmetic3A_265 = vector.broadcast %shift_right_arithmetic3A_264 : i32 to vector<16xi32>
        %shift_right_arithmetic3A_266 = arith.shrsi %add3A_263, %shift_right_arithmetic3A_265 : vector<16xi32>
        %and3A_267 = arith.constant 127 : i32
        %and3A_268 = vector.broadcast %and3A_267 : i32 to vector<16xi32>
        %and3A_269 = arith.andi %add3A_263, %and3A_268 : vector<16xi32>
        %gather3A_270 = tpu.vector_load_idx %arg8[%shift_right_arithmetic3A_266, %and3A_269] : memref<96x128xf32, #tpu.memory_space<vmem>>[vector<16xi32>, vector<16xi32>], vector<16xf32>,
        %sub3A_271 = arith.subf %gather3A, %broadcast_in_dim3A_32 : vector<16xf32>
        %mul3A_272 = arith.mulf %sub3A_271, %mul3A_116 : vector<16xf32>
        %add3A_273 = arith.constant 1.600000e+01 : f32
        %add3A_274 = vector.broadcast %add3A_273 : f32 to vector<16xf32>
        %add3A_275 = arith.addf %mul3A_272, %add3A_274 : vector<16xf32>
        %max3A = arith.constant 0.000000e+00 : f32
        %max3A_276 = vector.broadcast %max3A : f32 to vector<16xf32>
        %max3A_277 = arith.maximumf %add3A_275, %max3A_276 : vector<16xf32>
        %min3A = arith.constant 3.100000e+01 : f32
        %min3A_278 = vector.broadcast %min3A : f32 to vector<16xf32>
        %min3A_279 = arith.minimumf %max3A_277, %min3A_278 : vector<16xf32>
        %add3A_280 = arith.constant 5.000000e-01 : f32
        %add3A_281 = vector.broadcast %add3A_280 : f32 to vector<16xf32>
        %add3A_282 = arith.addf %min3A_279, %add3A_281 : vector<16xf32>
        %convert_element_type3A_283 = arith.fptosi %add3A_282 : vector<16xf32> to vector<16xi32>
        %mul3A_284 = arith.constant 32 : i32
        %mul3A_285 = vector.broadcast %mul3A_284 : i32 to vector<16xi32>
        %mul3A_286 = arith.muli %convert_element_type3A_283, %mul3A_285 : vector<16xi32>
        %sub3A_287 = arith.subf %gather3A_260, %broadcast_in_dim3A_39 : vector<16xf32>
        %mul3A_288 = arith.mulf %sub3A_287, %mul3A_116 : vector<16xf32>
        %add3A_289 = arith.constant 1.600000e+01 : f32
        %add3A_290 = vector.broadcast %add3A_289 : f32 to vector<16xf32>
        %add3A_291 = arith.addf %mul3A_288, %add3A_290 : vector<16xf32>
        %max3A_292 = arith.constant 0.000000e+00 : f32
        %max3A_293 = vector.broadcast %max3A_292 : f32 to vector<16xf32>
        %max3A_294 = arith.maximumf %add3A_291, %max3A_293 : vector<16xf32>
        %min3A_295 = arith.constant 3.100000e+01 : f32
        %min3A_296 = vector.broadcast %min3A_295 : f32 to vector<16xf32>
        %min3A_297 = arith.minimumf %max3A_294, %min3A_296 : vector<16xf32>
        %add3A_298 = arith.constant 5.000000e-01 : f32
        %add3A_299 = vector.broadcast %add3A_298 : f32 to vector<16xf32>
        %add3A_300 = arith.addf %min3A_297, %add3A_299 : vector<16xf32>
        %convert_element_type3A_301 = arith.fptosi %add3A_300 : vector<16xf32> to vector<16xi32>
        %add3A_302 = arith.addi %mul3A_286, %convert_element_type3A_301 : vector<16xi32>
        %mul3A_303 = arith.constant 32 : i32
        %mul3A_304 = vector.broadcast %mul3A_303 : i32 to vector<16xi32>
        %mul3A_305 = arith.muli %add3A_302, %mul3A_304 : vector<16xi32>
        %sub3A_306 = arith.subf %gather3A_270, %broadcast_in_dim3A_46 : vector<16xf32>
        %mul3A_307 = arith.mulf %sub3A_306, %mul3A_116 : vector<16xf32>
        %add3A_308 = arith.constant 1.600000e+01 : f32
        %add3A_309 = vector.broadcast %add3A_308 : f32 to vector<16xf32>
        %add3A_310 = arith.addf %mul3A_307, %add3A_309 : vector<16xf32>
        %max3A_311 = arith.constant 0.000000e+00 : f32
        %max3A_312 = vector.broadcast %max3A_311 : f32 to vector<16xf32>
        %max3A_313 = arith.maximumf %add3A_310, %max3A_312 : vector<16xf32>
        %min3A_314 = arith.constant 3.100000e+01 : f32
        %min3A_315 = vector.broadcast %min3A_314 : f32 to vector<16xf32>
        %min3A_316 = arith.minimumf %max3A_313, %min3A_315 : vector<16xf32>
        %add3A_317 = arith.constant 5.000000e-01 : f32
        %add3A_318 = vector.broadcast %add3A_317 : f32 to vector<16xf32>
        %add3A_319 = arith.addf %min3A_316, %add3A_318 : vector<16xf32>
        %convert_element_type3A_320 = arith.fptosi %add3A_319 : vector<16xf32> to vector<16xi32>
        %add3A_321 = arith.addi %mul3A_305, %convert_element_type3A_320 : vector<16xi32>
        %shift_right_arithmetic3A_322 = arith.constant 7 : i32
        %shift_right_arithmetic3A_323 = vector.broadcast %shift_right_arithmetic3A_322 : i32 to vector<16xi32>
        %shift_right_arithmetic3A_324 = arith.shrsi %add3A_245, %shift_right_arithmetic3A_323 : vector<16xi32>
        %and3A_325 = arith.constant 127 : i32
        %and3A_326 = vector.broadcast %and3A_325 : i32 to vector<16xi32>
        %and3A_327 = arith.andi %add3A_245, %and3A_326 : vector<16xi32>
        %gather3A_328 = tpu.vector_load_idx %arg8[%shift_right_arithmetic3A_324, %and3A_327] : memref<96x128xf32, #tpu.memory_space<vmem>>[vector<16xi32>, vector<16xi32>], vector<16xf32>,
        %add3A_329 = arith.constant 1 : i32
        %add3A_330 = vector.broadcast %add3A_329 : i32 to vector<16xi32>
        %add3A_331 = arith.addi %add3A_245, %add3A_330 : vector<16xi32>
        %shift_right_arithmetic3A_332 = arith.constant 7 : i32
        %shift_right_arithmetic3A_333 = vector.broadcast %shift_right_arithmetic3A_332 : i32 to vector<16xi32>
        %shift_right_arithmetic3A_334 = arith.shrsi %add3A_331, %shift_right_arithmetic3A_333 : vector<16xi32>
        %and3A_335 = arith.constant 127 : i32
        %and3A_336 = vector.broadcast %and3A_335 : i32 to vector<16xi32>
        %and3A_337 = arith.andi %add3A_331, %and3A_336 : vector<16xi32>
        %gather3A_338 = tpu.vector_load_idx %arg8[%shift_right_arithmetic3A_334, %and3A_337] : memref<96x128xf32, #tpu.memory_space<vmem>>[vector<16xi32>, vector<16xi32>], vector<16xf32>,
        %add3A_339 = arith.constant 2 : i32
        %add3A_340 = vector.broadcast %add3A_339 : i32 to vector<16xi32>
        %add3A_341 = arith.addi %add3A_245, %add3A_340 : vector<16xi32>
        %shift_right_arithmetic3A_342 = arith.constant 7 : i32
        %shift_right_arithmetic3A_343 = vector.broadcast %shift_right_arithmetic3A_342 : i32 to vector<16xi32>
        %shift_right_arithmetic3A_344 = arith.shrsi %add3A_341, %shift_right_arithmetic3A_343 : vector<16xi32>
        %and3A_345 = arith.constant 127 : i32
        %and3A_346 = vector.broadcast %and3A_345 : i32 to vector<16xi32>
        %and3A_347 = arith.andi %add3A_341, %and3A_346 : vector<16xi32>
        %gather3A_348 = tpu.vector_load_idx %arg8[%shift_right_arithmetic3A_344, %and3A_347] : memref<96x128xf32, #tpu.memory_space<vmem>>[vector<16xi32>, vector<16xi32>], vector<16xf32>,
        %sub3A_349 = arith.subf %gather3A_328, %broadcast_in_dim3A_32 : vector<16xf32>
        %mul3A_350 = arith.mulf %sub3A_349, %mul3A_116 : vector<16xf32>
        %add3A_351 = arith.constant 1.600000e+01 : f32
        %add3A_352 = vector.broadcast %add3A_351 : f32 to vector<16xf32>
        %add3A_353 = arith.addf %mul3A_350, %add3A_352 : vector<16xf32>
        %max3A_354 = arith.constant 0.000000e+00 : f32
        %max3A_355 = vector.broadcast %max3A_354 : f32 to vector<16xf32>
        %max3A_356 = arith.maximumf %add3A_353, %max3A_355 : vector<16xf32>
        %min3A_357 = arith.constant 3.100000e+01 : f32
        %min3A_358 = vector.broadcast %min3A_357 : f32 to vector<16xf32>
        %min3A_359 = arith.minimumf %max3A_356, %min3A_358 : vector<16xf32>
        %add3A_360 = arith.constant 5.000000e-01 : f32
        %add3A_361 = vector.broadcast %add3A_360 : f32 to vector<16xf32>
        %add3A_362 = arith.addf %min3A_359, %add3A_361 : vector<16xf32>
        %convert_element_type3A_363 = arith.fptosi %add3A_362 : vector<16xf32> to vector<16xi32>
        %mul3A_364 = arith.constant 32 : i32
        %mul3A_365 = vector.broadcast %mul3A_364 : i32 to vector<16xi32>
        %mul3A_366 = arith.muli %convert_element_type3A_363, %mul3A_365 : vector<16xi32>
        %sub3A_367 = arith.subf %gather3A_338, %broadcast_in_dim3A_39 : vector<16xf32>
        %mul3A_368 = arith.mulf %sub3A_367, %mul3A_116 : vector<16xf32>
        %add3A_369 = arith.constant 1.600000e+01 : f32
        %add3A_370 = vector.broadcast %add3A_369 : f32 to vector<16xf32>
        %add3A_371 = arith.addf %mul3A_368, %add3A_370 : vector<16xf32>
        %max3A_372 = arith.constant 0.000000e+00 : f32
        %max3A_373 = vector.broadcast %max3A_372 : f32 to vector<16xf32>
        %max3A_374 = arith.maximumf %add3A_371, %max3A_373 : vector<16xf32>
        %min3A_375 = arith.constant 3.100000e+01 : f32
        %min3A_376 = vector.broadcast %min3A_375 : f32 to vector<16xf32>
        %min3A_377 = arith.minimumf %max3A_374, %min3A_376 : vector<16xf32>
        %add3A_378 = arith.constant 5.000000e-01 : f32
        %add3A_379 = vector.broadcast %add3A_378 : f32 to vector<16xf32>
        %add3A_380 = arith.addf %min3A_377, %add3A_379 : vector<16xf32>
        %convert_element_type3A_381 = arith.fptosi %add3A_380 : vector<16xf32> to vector<16xi32>
        %add3A_382 = arith.addi %mul3A_366, %convert_element_type3A_381 : vector<16xi32>
        %mul3A_383 = arith.constant 32 : i32
        %mul3A_384 = vector.broadcast %mul3A_383 : i32 to vector<16xi32>
        %mul3A_385 = arith.muli %add3A_382, %mul3A_384 : vector<16xi32>
        %sub3A_386 = arith.subf %gather3A_348, %broadcast_in_dim3A_46 : vector<16xf32>
        %mul3A_387 = arith.mulf %sub3A_386, %mul3A_116 : vector<16xf32>
        %add3A_388 = arith.constant 1.600000e+01 : f32
        %add3A_389 = vector.broadcast %add3A_388 : f32 to vector<16xf32>
        %add3A_390 = arith.addf %mul3A_387, %add3A_389 : vector<16xf32>
        %max3A_391 = arith.constant 0.000000e+00 : f32
        %max3A_392 = vector.broadcast %max3A_391 : f32 to vector<16xf32>
        %max3A_393 = arith.maximumf %add3A_390, %max3A_392 : vector<16xf32>
        %min3A_394 = arith.constant 3.100000e+01 : f32
        %min3A_395 = vector.broadcast %min3A_394 : f32 to vector<16xf32>
        %min3A_396 = arith.minimumf %max3A_393, %min3A_395 : vector<16xf32>
        %add3A_397 = arith.constant 5.000000e-01 : f32
        %add3A_398 = vector.broadcast %add3A_397 : f32 to vector<16xf32>
        %add3A_399 = arith.addf %min3A_396, %add3A_398 : vector<16xf32>
        %convert_element_type3A_400 = arith.fptosi %add3A_399 : vector<16xf32> to vector<16xi32>
        %add3A_401 = arith.addi %mul3A_385, %convert_element_type3A_400 : vector<16xi32>
        %add3A_402 = arith.constant 3 : i32
        %add3A_403 = vector.broadcast %add3A_402 : i32 to vector<16xi32>
        %add3A_404 = arith.addi %add3A_242, %add3A_403 : vector<16xi32>
        %shift_right_arithmetic3A_405 = arith.constant 7 : i32
        %shift_right_arithmetic3A_406 = vector.broadcast %shift_right_arithmetic3A_405 : i32 to vector<16xi32>
        %shift_right_arithmetic3A_407 = arith.shrsi %add3A_404, %shift_right_arithmetic3A_406 : vector<16xi32>
        %and3A_408 = arith.constant 127 : i32
        %and3A_409 = vector.broadcast %and3A_408 : i32 to vector<16xi32>
        %and3A_410 = arith.andi %add3A_404, %and3A_409 : vector<16xi32>
        %gather3A_411 = tpu.vector_load_idx %arg8[%shift_right_arithmetic3A_407, %and3A_410] : memref<96x128xf32, #tpu.memory_space<vmem>>[vector<16xi32>, vector<16xi32>], vector<16xf32>,
        %add3A_412 = arith.constant 3 : i32
        %add3A_413 = vector.broadcast %add3A_412 : i32 to vector<16xi32>
        %add3A_414 = arith.addi %add3A_245, %add3A_413 : vector<16xi32>
        %shift_right_arithmetic3A_415 = arith.constant 7 : i32
        %shift_right_arithmetic3A_416 = vector.broadcast %shift_right_arithmetic3A_415 : i32 to vector<16xi32>
        %shift_right_arithmetic3A_417 = arith.shrsi %add3A_414, %shift_right_arithmetic3A_416 : vector<16xi32>
        %and3A_418 = arith.constant 127 : i32
        %and3A_419 = vector.broadcast %and3A_418 : i32 to vector<16xi32>
        %and3A_420 = arith.andi %add3A_414, %and3A_419 : vector<16xi32>
        %gather3A_421 = tpu.vector_load_idx %arg8[%shift_right_arithmetic3A_417, %and3A_420] : memref<96x128xf32, #tpu.memory_space<vmem>>[vector<16xi32>, vector<16xi32>], vector<16xf32>,
        tpu.vector_store_idx %arg4[%add3A_321], %broadcast_in_dim3A_4 {add = true} : memref<32768xf32, #tpu.memory_space<vmem>>[vector<16xi32>], vector<16xf32>,
        tpu.vector_store_idx %arg4[%add3A_401], %broadcast_in_dim3A_4 {add = true} : memref<32768xf32, #tpu.memory_space<vmem>>[vector<16xi32>], vector<16xf32>,
        tpu.vector_store_idx %arg5[%add3A_321], %gather3A_411 {add = true} : memref<32768xf32, #tpu.memory_space<vmem>>[vector<16xi32>], vector<16xf32>,
        tpu.vector_store_idx %arg5[%add3A_401], %gather3A_421 {add = true} : memref<32768xf32, #tpu.memory_space<vmem>>[vector<16xi32>], vector<16xf32>,
        %scan3A_422 = arith.constant 0 : i32
        scf.yield %scan3A_422 : i32
      }
      %scan3A_229 = arith.constant 64 : i32
      %add3A_230 = arith.constant 2 : i32
      %add3A_231 = arith.addi %add3A_214, %add3A_230 : i32
      %lt3A_232 = arith.constant 32 : i32
      %lt3A_233 = arith.cmpi slt, %add3A_231, %lt3A_232 : i32
      %convert_element_type3A_234 = arith.extui %lt3A_233 : i1 to i32
      %cond3A_235 = arith.constant 0 : i32
      %cond3A_236 = arith.cmpi ne, %convert_element_type3A_234, %cond3A_235 : i32
      scf.if %cond3A_236 {
        %add3A_237 = arith.constant 2 : i32
        %add3A_238 = arith.addi %add3A_214, %add3A_237 : i32
        %mul3A_239 = arith.constant 96 : i32
        %mul3A_240 = arith.muli %add3A_238, %mul3A_239 : i32
        %dma_start3A_241 = arith.constant 0 : i32
        %dma_start3A_242 = tpu.memref_slice %arg2[%add3A, %mul3A_240, %dma_start3A_241] : memref<32x3072x128xf32, #tpu.memory_space<hbm>> -> memref<1x96x128xf32, #tpu.memory_space<hbm>>
        %dma_start3A_243 = tpu.memref_squeeze %dma_start3A_242 : memref<1x96x128xf32, #tpu.memory_space<hbm>> -> memref<96x128xf32, #tpu.memory_space<hbm>>
        %dma_start3A_244 = arith.constant 0 : i32
        %dma_start3A_245 = tpu.memref_slice %arg2[%add3A, %mul3A_240, %dma_start3A_244] : memref<32x3072x128xf32, #tpu.memory_space<hbm>> -> memref<1x96x128xf32, #tpu.memory_space<hbm>>
        %dma_start3A_246 = tpu.memref_squeeze %dma_start3A_245 : memref<1x96x128xf32, #tpu.memory_space<hbm>> -> memref<96x128xf32, #tpu.memory_space<hbm>>
        tpu.enqueue_dma source(%dma_start3A_246 : memref<96x128xf32, #tpu.memory_space<hbm>>) target(%arg8 : memref<96x128xf32, #tpu.memory_space<vmem>>) target_semaphore(%arg10 : memref<!tpu.dma_semaphore, #tpu.memory_space<semaphore_mem>>)
      } else {
      }
    }
    %scan3A_145 = arith.constant 16 : i32
    %scan3A_146 = arith.constant 0 : i32
    %scan3A_147 = arith.constant 0 : i32
    %scan3A_148 = arith.constant 2048 : i32
    %scan3A_149 = arith.addi %scan3A_147, %scan3A_148 : i32
    %scan3A_150 = arith.constant 1 : i32
    %scan3A_151 = scf.for %scan3A_192 = %scan3A_147 to %scan3A_149 step %scan3A_150 iter_args(%scan3A_193 = %scan3A_146) -> (i32)  : i32 {
      %mul3A_194 = arith.constant 16 : i32
      %mul3A_195 = arith.muli %scan3A_192, %mul3A_194 : i32
      %get3A = arith.index_cast %mul3A_195 : i32 to index
      %get3A_196 = tpu.vector_load %arg4[%get3A] {strides = array<i32>} : memref<32768xf32, #tpu.memory_space<vmem>>, vector<16xf32>,
      %max3A = arith.constant 1.000000e+00 : f32
      %max3A_197 = vector.broadcast %max3A : f32 to vector<16xf32>
      %max3A_198 = arith.maximumf %get3A_196, %max3A_197 : vector<16xf32>
      %div3A = arith.constant 1.000000e+00 : f32
      %div3A_199 = vector.broadcast %div3A : f32 to vector<16xf32>
      %div3A_200 = arith.divf %div3A_199, %max3A_198 : vector<16xf32>
      %get3A_201 = arith.index_cast %mul3A_195 : i32 to index
      %get3A_202 = tpu.vector_load %arg5[%get3A_201] {strides = array<i32>} : memref<32768xf32, #tpu.memory_space<vmem>>, vector<16xf32>,
      %mul3A_203 = arith.mulf %get3A_202, %div3A_200 : vector<16xf32>
      %swap3A = arith.index_cast %mul3A_195 : i32 to index
      %swap3A_204 = tpu.vector_load %arg5[%swap3A] {strides = array<i32>} : memref<32768xf32, #tpu.memory_space<vmem>>, vector<16xf32>,
      tpu.vector_store %arg5[%swap3A], %mul3A_203 {strides = array<i32>} : memref<32768xf32, #tpu.memory_space<vmem>>, vector<16xf32>,
      %scan3A_205 = arith.constant 0 : i32
      scf.yield %scan3A_205 : i32
    }
    %scan3A_152 = arith.constant 2048 : i32
    %run_scoped3A = arith.constant 1 : i32
    "tpu.region"() ({
      %run_scoped3A_192 = tpu.sem_alloc : memref<!tpu.dma_semaphore, #tpu.memory_space<semaphore_mem>>
      %dma_start3A_193 = arith.constant 0 : i32
      %dma_start3A_194 = tpu.memref_slice %arg3[%add3A, %run_scoped3A, %dma_start3A_193] : memref<32x4x32768xf32, #tpu.memory_space<hbm>> -> memref<1x1x32768xf32, #tpu.memory_space<hbm>>
      %dma_start3A_195 = tpu.memref_squeeze %dma_start3A_194 : memref<1x1x32768xf32, #tpu.memory_space<hbm>> -> memref<32768xf32, #tpu.memory_space<hbm>>
      %dma_start3A_196 = arith.constant 0 : i32
      %dma_start3A_197 = tpu.memref_slice %arg3[%add3A, %run_scoped3A, %dma_start3A_196] : memref<32x4x32768xf32, #tpu.memory_space<hbm>> -> memref<1x1x32768xf32, #tpu.memory_space<hbm>>
      %dma_start3A_198 = tpu.memref_squeeze %dma_start3A_197 : memref<1x1x32768xf32, #tpu.memory_space<hbm>> -> memref<32768xf32, #tpu.memory_space<hbm>>
      tpu.enqueue_dma source(%arg5 : memref<32768xf32, #tpu.memory_space<vmem>>) target(%dma_start3A_198 : memref<32768xf32, #tpu.memory_space<hbm>>) target_semaphore(%run_scoped3A_192 : memref<!tpu.dma_semaphore, #tpu.memory_space<semaphore_mem>>)
      %dma_wait3A = arith.constant 0 : i32
      %dma_wait3A_199 = tpu.memref_slice %arg3[%add3A, %run_scoped3A, %dma_wait3A] : memref<32x4x32768xf32, #tpu.memory_space<hbm>> -> memref<1x1x32768xf32, #tpu.memory_space<hbm>>
      %dma_wait3A_200 = tpu.memref_squeeze %dma_wait3A_199 : memref<1x1x32768xf32, #tpu.memory_space<hbm>> -> memref<32768xf32, #tpu.memory_space<hbm>>
      %dma_wait3A_201 = arith.constant 0 : i32
      %dma_wait3A_202 = tpu.memref_slice %arg3[%add3A, %run_scoped3A, %dma_wait3A_201] : memref<32x4x32768xf32, #tpu.memory_space<hbm>> -> memref<1x1x32768xf32, #tpu.memory_space<hbm>>
      %dma_wait3A_203 = tpu.memref_squeeze %dma_wait3A_202 : memref<1x1x32768xf32, #tpu.memory_space<hbm>> -> memref<32768xf32, #tpu.memory_space<hbm>>
      tpu.wait_dma2 semaphore(%run_scoped3A_192 : memref<!tpu.dma_semaphore, #tpu.memory_space<semaphore_mem>>) src(%arg5 : memref<32768xf32, #tpu.memory_space<vmem>>) dst(%dma_wait3A_203 : memref<32768xf32, #tpu.memory_space<hbm>>)
      tpu.yield
    }) : () -> ()
    %scan3A_153 = arith.constant 0 : i32
    %scan3A_154 = arith.constant 0 : i32
    %scan3A_155 = arith.constant 256 : i32
    %scan3A_156 = arith.addi %scan3A_154, %scan3A_155 : i32
    %scan3A_157 = arith.constant 1 : i32
    %scan3A_158 = scf.for %scan3A_192 = %scan3A_154 to %scan3A_156 step %scan3A_157 iter_args(%scan3A_193 = %scan3A_153) -> (i32)  : i32 {
      %mul3A_194 = arith.constant 128 : i32
      %mul3A_195 = arith.muli %scan3A_192, %mul3A_194 : i32
      %add3A_196 = arith.constant 0 : i32
      %add3A_197 = arith.addi %mul3A_195, %add3A_196 : i32
      %swap3A = arith.index_cast %add3A_197 : i32 to index
      %swap3A_198 = tpu.vector_load %arg5[%swap3A] {strides = array<i32>} : memref<32768xf32, #tpu.memory_space<vmem>>, vector<16xf32>,
      tpu.vector_store %arg5[%swap3A], %broadcast_in_dim3A_6 {strides = array<i32>} : memref<32768xf32, #tpu.memory_space<vmem>>, vector<16xf32>,
      %add3A_199 = arith.constant 0 : i32
      %add3A_200 = arith.addi %mul3A_195, %add3A_199 : i32
      %swap3A_201 = arith.index_cast %add3A_200 : i32 to index
      %swap3A_202 = tpu.vector_load %arg6[%swap3A_201] {strides = array<i32>} : memref<32768xf32, #tpu.memory_space<vmem>>, vector<16xf32>,
      tpu.vector_store %arg6[%swap3A_201], %broadcast_in_dim3A_6 {strides = array<i32>} : memref<32768xf32, #tpu.memory_space<vmem>>, vector<16xf32>,
      %add3A_203 = arith.constant 16 : i32
      %add3A_204 = arith.addi %mul3A_195, %add3A_203 : i32
      %swap3A_205 = arith.index_cast %add3A_204 : i32 to index
      %swap3A_206 = tpu.vector_load %arg5[%swap3A_205] {strides = array<i32>} : memref<32768xf32, #tpu.memory_space<vmem>>, vector<16xf32>,
      tpu.vector_store %arg5[%swap3A_205], %broadcast_in_dim3A_6 {strides = array<i32>} : memref<32768xf32, #tpu.memory_space<vmem>>, vector<16xf32>,
      %add3A_207 = arith.constant 16 : i32
      %add3A_208 = arith.addi %mul3A_195, %add3A_207 : i32
      %swap3A_209 = arith.index_cast %add3A_208 : i32 to index
      %swap3A_210 = tpu.vector_load %arg6[%swap3A_209] {strides = array<i32>} : memref<32768xf32, #tpu.memory_space<vmem>>, vector<16xf32>,
      tpu.vector_store %arg6[%swap3A_209], %broadcast_in_dim3A_6 {strides = array<i32>} : memref<32768xf32, #tpu.memory_space<vmem>>, vector<16xf32>,
      %add3A_211 = arith.constant 32 : i32
      %add3A_212 = arith.addi %mul3A_195, %add3A_211 : i32
      %swap3A_213 = arith.index_cast %add3A_212 : i32 to index
      %swap3A_214 = tpu.vector_load %arg5[%swap3A_213] {strides = array<i32>} : memref<32768xf32, #tpu.memory_space<vmem>>, vector<16xf32>,
      tpu.vector_store %arg5[%swap3A_213], %broadcast_in_dim3A_6 {strides = array<i32>} : memref<32768xf32, #tpu.memory_space<vmem>>, vector<16xf32>,
      %add3A_215 = arith.constant 32 : i32
      %add3A_216 = arith.addi %mul3A_195, %add3A_215 : i32
      %swap3A_217 = arith.index_cast %add3A_216 : i32 to index
      %swap3A_218 = tpu.vector_load %arg6[%swap3A_217] {strides = array<i32>} : memref<32768xf32, #tpu.memory_space<vmem>>, vector<16xf32>,
      tpu.vector_store %arg6[%swap3A_217], %broadcast_in_dim3A_6 {strides = array<i32>} : memref<32768xf32, #tpu.memory_space<vmem>>, vector<16xf32>,
      %add3A_219 = arith.constant 48 : i32
      %add3A_220 = arith.addi %mul3A_195, %add3A_219 : i32
      %swap3A_221 = arith.index_cast %add3A_220 : i32 to index
      %swap3A_222 = tpu.vector_load %arg5[%swap3A_221] {strides = array<i32>} : memref<32768xf32, #tpu.memory_space<vmem>>, vector<16xf32>,
      tpu.vector_store %arg5[%swap3A_221], %broadcast_in_dim3A_6 {strides = array<i32>} : memref<32768xf32, #tpu.memory_space<vmem>>, vector<16xf32>,
      %add3A_223 = arith.constant 48 : i32
      %add3A_224 = arith.addi %mul3A_195, %add3A_223 : i32
      %swap3A_225 = arith.index_cast %add3A_224 : i32 to index
      %swap3A_226 = tpu.vector_load %arg6[%swap3A_225] {strides = array<i32>} : memref<32768xf32, #tpu.memory_space<vmem>>, vector<16xf32>,
      tpu.vector_store %arg6[%swap3A_225], %broadcast_in_dim3A_6 {strides = array<i32>} : memref<32768xf32, #tpu.memory_space<vmem>>, vector<16xf32>,
      %add3A_227 = arith.constant 64 : i32
      %add3A_228 = arith.addi %mul3A_195, %add3A_227 : i32
      %swap3A_229 = arith.index_cast %add3A_228 : i32 to index
      %swap3A_230 = tpu.vector_load %arg5[%swap3A_229] {strides = array<i32>} : memref<32768xf32, #tpu.memory_space<vmem>>, vector<16xf32>,
      tpu.vector_store %arg5[%swap3A_229], %broadcast_in_dim3A_6 {strides = array<i32>} : memref<32768xf32, #tpu.memory_space<vmem>>, vector<16xf32>,
      %add3A_231 = arith.constant 64 : i32
      %add3A_232 = arith.addi %mul3A_195, %add3A_231 : i32
      %swap3A_233 = arith.index_cast %add3A_232 : i32 to index
      %swap3A_234 = tpu.vector_load %arg6[%swap3A_233] {strides = array<i32>} : memref<32768xf32, #tpu.memory_space<vmem>>, vector<16xf32>,
      tpu.vector_store %arg6[%swap3A_233], %broadcast_in_dim3A_6 {strides = array<i32>} : memref<32768xf32, #tpu.memory_space<vmem>>, vector<16xf32>,
      %add3A_235 = arith.constant 80 : i32
      %add3A_236 = arith.addi %mul3A_195, %add3A_235 : i32
      %swap3A_237 = arith.index_cast %add3A_236 : i32 to index
      %swap3A_238 = tpu.vector_load %arg5[%swap3A_237] {strides = array<i32>} : memref<32768xf32, #tpu.memory_space<vmem>>, vector<16xf32>,
      tpu.vector_store %arg5[%swap3A_237], %broadcast_in_dim3A_6 {strides = array<i32>} : memref<32768xf32, #tpu.memory_space<vmem>>, vector<16xf32>,
      %add3A_239 = arith.constant 80 : i32
      %add3A_240 = arith.addi %mul3A_195, %add3A_239 : i32
      %swap3A_241 = arith.index_cast %add3A_240 : i32 to index
      %swap3A_242 = tpu.vector_load %arg6[%swap3A_241] {strides = array<i32>} : memref<32768xf32, #tpu.memory_space<vmem>>, vector<16xf32>,
      tpu.vector_store %arg6[%swap3A_241], %broadcast_in_dim3A_6 {strides = array<i32>} : memref<32768xf32, #tpu.memory_space<vmem>>, vector<16xf32>,
      %add3A_243 = arith.constant 96 : i32
      %add3A_244 = arith.addi %mul3A_195, %add3A_243 : i32
      %swap3A_245 = arith.index_cast %add3A_244 : i32 to index
      %swap3A_246 = tpu.vector_load %arg5[%swap3A_245] {strides = array<i32>} : memref<32768xf32, #tpu.memory_space<vmem>>, vector<16xf32>,
      tpu.vector_store %arg5[%swap3A_245], %broadcast_in_dim3A_6 {strides = array<i32>} : memref<32768xf32, #tpu.memory_space<vmem>>, vector<16xf32>,
      %add3A_247 = arith.constant 96 : i32
      %add3A_248 = arith.addi %mul3A_195, %add3A_247 : i32
      %swap3A_249 = arith.index_cast %add3A_248 : i32 to index
      %swap3A_250 = tpu.vector_load %arg6[%swap3A_249] {strides = array<i32>} : memref<32768xf32, #tpu.memory_space<vmem>>, vector<16xf32>,
      tpu.vector_store %arg6[%swap3A_249], %broadcast_in_dim3A_6 {strides = array<i32>} : memref<32768xf32, #tpu.memory_space<vmem>>, vector<16xf32>,
      %add3A_251 = arith.constant 112 : i32
      %add3A_252 = arith.addi %mul3A_195, %add3A_251 : i32
      %swap3A_253 = arith.index_cast %add3A_252 : i32 to index
      %swap3A_254 = tpu.vector_load %arg5[%swap3A_253] {strides = array<i32>} : memref<32768xf32, #tpu.memory_space<vmem>>, vector<16xf32>,
      tpu.vector_store %arg5[%swap3A_253], %broadcast_in_dim3A_6 {strides = array<i32>} : memref<32768xf32, #tpu.memory_space<vmem>>, vector<16xf32>,
      %add3A_255 = arith.constant 112 : i32
      %add3A_256 = arith.addi %mul3A_195, %add3A_255 : i32
      %swap3A_257 = arith.index_cast %add3A_256 : i32 to index
      %swap3A_258 = tpu.vector_load %arg6[%swap3A_257] {strides = array<i32>} : memref<32768xf32, #tpu.memory_space<vmem>>, vector<16xf32>,
      tpu.vector_store %arg6[%swap3A_257], %broadcast_in_dim3A_6 {strides = array<i32>} : memref<32768xf32, #tpu.memory_space<vmem>>, vector<16xf32>,
      %scan3A_259 = arith.constant 0 : i32
      scf.yield %scan3A_259 : i32
    }
    %scan3A_159 = arith.constant 256 : i32
    %dma_start3A_160 = arith.constant 0 : i32
    %dma_start3A_161 = arith.constant 0 : i32
    %dma_start3A_162 = tpu.memref_slice %arg2[%add3A, %dma_start3A_160, %dma_start3A_161] : memref<32x3072x128xf32, #tpu.memory_space<hbm>> -> memref<1x96x128xf32, #tpu.memory_space<hbm>>
    %dma_start3A_163 = tpu.memref_squeeze %dma_start3A_162 : memref<1x96x128xf32, #tpu.memory_space<hbm>> -> memref<96x128xf32, #tpu.memory_space<hbm>>
    %dma_start3A_164 = arith.constant 0 : i32
    %dma_start3A_165 = arith.constant 0 : i32
    %dma_start3A_166 = tpu.memref_slice %arg2[%add3A, %dma_start3A_164, %dma_start3A_165] : memref<32x3072x128xf32, #tpu.memory_space<hbm>> -> memref<1x96x128xf32, #tpu.memory_space<hbm>>
    %dma_start3A_167 = tpu.memref_squeeze %dma_start3A_166 : memref<1x96x128xf32, #tpu.memory_space<hbm>> -> memref<96x128xf32, #tpu.memory_space<hbm>>
    tpu.enqueue_dma source(%dma_start3A_167 : memref<96x128xf32, #tpu.memory_space<hbm>>) target(%arg7 : memref<96x128xf32, #tpu.memory_space<vmem>>) target_semaphore(%arg9 : memref<!tpu.dma_semaphore, #tpu.memory_space<semaphore_mem>>)
    %dma_start3A_168 = arith.constant 96 : i32
    %dma_start3A_169 = arith.constant 0 : i32
    %dma_start3A_170 = tpu.memref_slice %arg2[%add3A, %dma_start3A_168, %dma_start3A_169] : memref<32x3072x128xf32, #tpu.memory_space<hbm>> -> memref<1x96x128xf32, #tpu.memory_space<hbm>>
    %dma_start3A_171 = tpu.memref_squeeze %dma_start3A_170 : memref<1x96x128xf32, #tpu.memory_space<hbm>> -> memref<96x128xf32, #tpu.memory_space<hbm>>
    %dma_start3A_172 = arith.constant 96 : i32
    %dma_start3A_173 = arith.constant 0 : i32
    %dma_start3A_174 = tpu.memref_slice %arg2[%add3A, %dma_start3A_172, %dma_start3A_173] : memref<32x3072x128xf32, #tpu.memory_space<hbm>> -> memref<1x96x128xf32, #tpu.memory_space<hbm>>
    %dma_start3A_175 = tpu.memref_squeeze %dma_start3A_174 : memref<1x96x128xf32, #tpu.memory_space<hbm>> -> memref<96x128xf32, #tpu.memory_space<hbm>>
    tpu.enqueue_dma source(%dma_start3A_175 : memref<96x128xf32, #tpu.memory_space<hbm>>) target(%arg8 : memref<96x128xf32, #tpu.memory_space<vmem>>) target_semaphore(%arg10 : memref<!tpu.dma_semaphore, #tpu.memory_space<semaphore_mem>>)
    %scan3A_176 = arith.constant 0 : i32
    %scan3A_177 = arith.constant 0 : i32
    %scan3A_178 = arith.constant 16 : i32
    %scan3A_179 = arith.addi %scan3A_177, %scan3A_178 : i32
    %scan3A_180 = arith.constant 1 : i32
    scf.for %scan3A_192 = %scan3A_177 to %scan3A_179 step %scan3A_180  : i32 {
      %mul3A_193 = arith.constant 2 : i32
      %mul3A_194 = arith.muli %mul3A_193, %scan3A_192 : i32
      %mul3A_195 = arith.constant 96 : i32
      %mul3A_196 = arith.muli %mul3A_194, %mul3A_195 : i32
      %dma_wait3A = arith.constant 0 : i32
      %dma_wait3A_197 = tpu.memref_slice %arg2[%add3A, %mul3A_196, %dma_wait3A] : memref<32x3072x128xf32, #tpu.memory_space<hbm>> -> memref<1x96x128xf32, #tpu.memory_space<hbm>>
      %dma_wait3A_198 = tpu.memref_squeeze %dma_wait3A_197 : memref<1x96x128xf32, #tpu.memory_space<hbm>> -> memref<96x128xf32, #tpu.memory_space<hbm>>
      %dma_wait3A_199 = arith.constant 0 : i32
      %dma_wait3A_200 = tpu.memref_slice %arg2[%add3A, %mul3A_196, %dma_wait3A_199] : memref<32x3072x128xf32, #tpu.memory_space<hbm>> -> memref<1x96x128xf32, #tpu.memory_space<hbm>>
      %dma_wait3A_201 = tpu.memref_squeeze %dma_wait3A_200 : memref<1x96x128xf32, #tpu.memory_space<hbm>> -> memref<96x128xf32, #tpu.memory_space<hbm>>
      tpu.wait_dma2 semaphore(%arg9 : memref<!tpu.dma_semaphore, #tpu.memory_space<semaphore_mem>>) src(%dma_wait3A_201 : memref<96x128xf32, #tpu.memory_space<hbm>>) dst(%arg7 : memref<96x128xf32, #tpu.memory_space<vmem>>)
      %scan3A_202 = arith.constant 0 : i32
      %scan3A_203 = arith.constant 0 : i32
      %scan3A_204 = arith.constant 64 : i32
      %scan3A_205 = arith.addi %scan3A_203, %scan3A_204 : i32
      %scan3A_206 = arith.constant 1 : i32
      %scan3A_207 = scf.for %scan3A_237 = %scan3A_203 to %scan3A_205 step %scan3A_206 iter_args(%scan3A_238 = %scan3A_202) -> (i32)  : i32 {
        %mul3A_239 = arith.constant 192 : i32
        %mul3A_240 = arith.muli %scan3A_237, %mul3A_239 : i32
        %add3A_241 = vector.broadcast %mul3A_240 : i32 to vector<16xi32>
        %add3A_242 = arith.addi %mul3A_3, %add3A_241 : vector<16xi32>
        %add3A_243 = arith.constant 96 : i32
        %add3A_244 = vector.broadcast %add3A_243 : i32 to vector<16xi32>
        %add3A_245 = arith.addi %add3A_242, %add3A_244 : vector<16xi32>
        %shift_right_arithmetic3A_246 = arith.constant 7 : i32
        %shift_right_arithmetic3A_247 = vector.broadcast %shift_right_arithmetic3A_246 : i32 to vector<16xi32>
        %shift_right_arithmetic3A_248 = arith.shrsi %add3A_242, %shift_right_arithmetic3A_247 : vector<16xi32>
        %and3A = arith.constant 127 : i32
        %and3A_249 = vector.broadcast %and3A : i32 to vector<16xi32>
        %and3A_250 = arith.andi %add3A_242, %and3A_249 : vector<16xi32>
        %gather3A = tpu.vector_load_idx %arg7[%shift_right_arithmetic3A_248, %and3A_250] : memref<96x128xf32, #tpu.memory_space<vmem>>[vector<16xi32>, vector<16xi32>], vector<16xf32>,
        %add3A_251 = arith.constant 1 : i32
        %add3A_252 = vector.broadcast %add3A_251 : i32 to vector<16xi32>
        %add3A_253 = arith.addi %add3A_242, %add3A_252 : vector<16xi32>
        %shift_right_arithmetic3A_254 = arith.constant 7 : i32
        %shift_right_arithmetic3A_255 = vector.broadcast %shift_right_arithmetic3A_254 : i32 to vector<16xi32>
        %shift_right_arithmetic3A_256 = arith.shrsi %add3A_253, %shift_right_arithmetic3A_255 : vector<16xi32>
        %and3A_257 = arith.constant 127 : i32
        %and3A_258 = vector.broadcast %and3A_257 : i32 to vector<16xi32>
        %and3A_259 = arith.andi %add3A_253, %and3A_258 : vector<16xi32>
        %gather3A_260 = tpu.vector_load_idx %arg7[%shift_right_arithmetic3A_256, %and3A_259] : memref<96x128xf32, #tpu.memory_space<vmem>>[vector<16xi32>, vector<16xi32>], vector<16xf32>,
        %add3A_261 = arith.constant 2 : i32
        %add3A_262 = vector.broadcast %add3A_261 : i32 to vector<16xi32>
        %add3A_263 = arith.addi %add3A_242, %add3A_262 : vector<16xi32>
        %shift_right_arithmetic3A_264 = arith.constant 7 : i32
        %shift_right_arithmetic3A_265 = vector.broadcast %shift_right_arithmetic3A_264 : i32 to vector<16xi32>
        %shift_right_arithmetic3A_266 = arith.shrsi %add3A_263, %shift_right_arithmetic3A_265 : vector<16xi32>
        %and3A_267 = arith.constant 127 : i32
        %and3A_268 = vector.broadcast %and3A_267 : i32 to vector<16xi32>
        %and3A_269 = arith.andi %add3A_263, %and3A_268 : vector<16xi32>
        %gather3A_270 = tpu.vector_load_idx %arg7[%shift_right_arithmetic3A_266, %and3A_269] : memref<96x128xf32, #tpu.memory_space<vmem>>[vector<16xi32>, vector<16xi32>], vector<16xf32>,
        %sub3A_271 = arith.subf %gather3A, %broadcast_in_dim3A_32 : vector<16xf32>
        %mul3A_272 = arith.mulf %sub3A_271, %mul3A_116 : vector<16xf32>
        %add3A_273 = arith.constant 1.600000e+01 : f32
        %add3A_274 = vector.broadcast %add3A_273 : f32 to vector<16xf32>
        %add3A_275 = arith.addf %mul3A_272, %add3A_274 : vector<16xf32>
        %max3A = arith.constant 0.000000e+00 : f32
        %max3A_276 = vector.broadcast %max3A : f32 to vector<16xf32>
        %max3A_277 = arith.maximumf %add3A_275, %max3A_276 : vector<16xf32>
        %min3A = arith.constant 3.100000e+01 : f32
        %min3A_278 = vector.broadcast %min3A : f32 to vector<16xf32>
        %min3A_279 = arith.minimumf %max3A_277, %min3A_278 : vector<16xf32>
        %add3A_280 = arith.constant 5.000000e-01 : f32
        %add3A_281 = vector.broadcast %add3A_280 : f32 to vector<16xf32>
        %add3A_282 = arith.addf %min3A_279, %add3A_281 : vector<16xf32>
        %convert_element_type3A_283 = arith.fptosi %add3A_282 : vector<16xf32> to vector<16xi32>
        %mul3A_284 = arith.constant 32 : i32
        %mul3A_285 = vector.broadcast %mul3A_284 : i32 to vector<16xi32>
        %mul3A_286 = arith.muli %convert_element_type3A_283, %mul3A_285 : vector<16xi32>
        %sub3A_287 = arith.subf %gather3A_260, %broadcast_in_dim3A_39 : vector<16xf32>
        %mul3A_288 = arith.mulf %sub3A_287, %mul3A_116 : vector<16xf32>
        %add3A_289 = arith.constant 1.600000e+01 : f32
        %add3A_290 = vector.broadcast %add3A_289 : f32 to vector<16xf32>
        %add3A_291 = arith.addf %mul3A_288, %add3A_290 : vector<16xf32>
        %max3A_292 = arith.constant 0.000000e+00 : f32
        %max3A_293 = vector.broadcast %max3A_292 : f32 to vector<16xf32>
        %max3A_294 = arith.maximumf %add3A_291, %max3A_293 : vector<16xf32>
        %min3A_295 = arith.constant 3.100000e+01 : f32
        %min3A_296 = vector.broadcast %min3A_295 : f32 to vector<16xf32>
        %min3A_297 = arith.minimumf %max3A_294, %min3A_296 : vector<16xf32>
        %add3A_298 = arith.constant 5.000000e-01 : f32
        %add3A_299 = vector.broadcast %add3A_298 : f32 to vector<16xf32>
        %add3A_300 = arith.addf %min3A_297, %add3A_299 : vector<16xf32>
        %convert_element_type3A_301 = arith.fptosi %add3A_300 : vector<16xf32> to vector<16xi32>
        %add3A_302 = arith.addi %mul3A_286, %convert_element_type3A_301 : vector<16xi32>
        %mul3A_303 = arith.constant 32 : i32
        %mul3A_304 = vector.broadcast %mul3A_303 : i32 to vector<16xi32>
        %mul3A_305 = arith.muli %add3A_302, %mul3A_304 : vector<16xi32>
        %sub3A_306 = arith.subf %gather3A_270, %broadcast_in_dim3A_46 : vector<16xf32>
        %mul3A_307 = arith.mulf %sub3A_306, %mul3A_116 : vector<16xf32>
        %add3A_308 = arith.constant 1.600000e+01 : f32
        %add3A_309 = vector.broadcast %add3A_308 : f32 to vector<16xf32>
        %add3A_310 = arith.addf %mul3A_307, %add3A_309 : vector<16xf32>
        %max3A_311 = arith.constant 0.000000e+00 : f32
        %max3A_312 = vector.broadcast %max3A_311 : f32 to vector<16xf32>
        %max3A_313 = arith.maximumf %add3A_310, %max3A_312 : vector<16xf32>
        %min3A_314 = arith.constant 3.100000e+01 : f32
        %min3A_315 = vector.broadcast %min3A_314 : f32 to vector<16xf32>
        %min3A_316 = arith.minimumf %max3A_313, %min3A_315 : vector<16xf32>
        %add3A_317 = arith.constant 5.000000e-01 : f32
        %add3A_318 = vector.broadcast %add3A_317 : f32 to vector<16xf32>
        %add3A_319 = arith.addf %min3A_316, %add3A_318 : vector<16xf32>
        %convert_element_type3A_320 = arith.fptosi %add3A_319 : vector<16xf32> to vector<16xi32>
        %add3A_321 = arith.addi %mul3A_305, %convert_element_type3A_320 : vector<16xi32>
        %shift_right_arithmetic3A_322 = arith.constant 7 : i32
        %shift_right_arithmetic3A_323 = vector.broadcast %shift_right_arithmetic3A_322 : i32 to vector<16xi32>
        %shift_right_arithmetic3A_324 = arith.shrsi %add3A_245, %shift_right_arithmetic3A_323 : vector<16xi32>
        %and3A_325 = arith.constant 127 : i32
        %and3A_326 = vector.broadcast %and3A_325 : i32 to vector<16xi32>
        %and3A_327 = arith.andi %add3A_245, %and3A_326 : vector<16xi32>
        %gather3A_328 = tpu.vector_load_idx %arg7[%shift_right_arithmetic3A_324, %and3A_327] : memref<96x128xf32, #tpu.memory_space<vmem>>[vector<16xi32>, vector<16xi32>], vector<16xf32>,
        %add3A_329 = arith.constant 1 : i32
        %add3A_330 = vector.broadcast %add3A_329 : i32 to vector<16xi32>
        %add3A_331 = arith.addi %add3A_245, %add3A_330 : vector<16xi32>
        %shift_right_arithmetic3A_332 = arith.constant 7 : i32
        %shift_right_arithmetic3A_333 = vector.broadcast %shift_right_arithmetic3A_332 : i32 to vector<16xi32>
        %shift_right_arithmetic3A_334 = arith.shrsi %add3A_331, %shift_right_arithmetic3A_333 : vector<16xi32>
        %and3A_335 = arith.constant 127 : i32
        %and3A_336 = vector.broadcast %and3A_335 : i32 to vector<16xi32>
        %and3A_337 = arith.andi %add3A_331, %and3A_336 : vector<16xi32>
        %gather3A_338 = tpu.vector_load_idx %arg7[%shift_right_arithmetic3A_334, %and3A_337] : memref<96x128xf32, #tpu.memory_space<vmem>>[vector<16xi32>, vector<16xi32>], vector<16xf32>,
        %add3A_339 = arith.constant 2 : i32
        %add3A_340 = vector.broadcast %add3A_339 : i32 to vector<16xi32>
        %add3A_341 = arith.addi %add3A_245, %add3A_340 : vector<16xi32>
        %shift_right_arithmetic3A_342 = arith.constant 7 : i32
        %shift_right_arithmetic3A_343 = vector.broadcast %shift_right_arithmetic3A_342 : i32 to vector<16xi32>
        %shift_right_arithmetic3A_344 = arith.shrsi %add3A_341, %shift_right_arithmetic3A_343 : vector<16xi32>
        %and3A_345 = arith.constant 127 : i32
        %and3A_346 = vector.broadcast %and3A_345 : i32 to vector<16xi32>
        %and3A_347 = arith.andi %add3A_341, %and3A_346 : vector<16xi32>
        %gather3A_348 = tpu.vector_load_idx %arg7[%shift_right_arithmetic3A_344, %and3A_347] : memref<96x128xf32, #tpu.memory_space<vmem>>[vector<16xi32>, vector<16xi32>], vector<16xf32>,
        %sub3A_349 = arith.subf %gather3A_328, %broadcast_in_dim3A_32 : vector<16xf32>
        %mul3A_350 = arith.mulf %sub3A_349, %mul3A_116 : vector<16xf32>
        %add3A_351 = arith.constant 1.600000e+01 : f32
        %add3A_352 = vector.broadcast %add3A_351 : f32 to vector<16xf32>
        %add3A_353 = arith.addf %mul3A_350, %add3A_352 : vector<16xf32>
        %max3A_354 = arith.constant 0.000000e+00 : f32
        %max3A_355 = vector.broadcast %max3A_354 : f32 to vector<16xf32>
        %max3A_356 = arith.maximumf %add3A_353, %max3A_355 : vector<16xf32>
        %min3A_357 = arith.constant 3.100000e+01 : f32
        %min3A_358 = vector.broadcast %min3A_357 : f32 to vector<16xf32>
        %min3A_359 = arith.minimumf %max3A_356, %min3A_358 : vector<16xf32>
        %add3A_360 = arith.constant 5.000000e-01 : f32
        %add3A_361 = vector.broadcast %add3A_360 : f32 to vector<16xf32>
        %add3A_362 = arith.addf %min3A_359, %add3A_361 : vector<16xf32>
        %convert_element_type3A_363 = arith.fptosi %add3A_362 : vector<16xf32> to vector<16xi32>
        %mul3A_364 = arith.constant 32 : i32
        %mul3A_365 = vector.broadcast %mul3A_364 : i32 to vector<16xi32>
        %mul3A_366 = arith.muli %convert_element_type3A_363, %mul3A_365 : vector<16xi32>
        %sub3A_367 = arith.subf %gather3A_338, %broadcast_in_dim3A_39 : vector<16xf32>
        %mul3A_368 = arith.mulf %sub3A_367, %mul3A_116 : vector<16xf32>
        %add3A_369 = arith.constant 1.600000e+01 : f32
        %add3A_370 = vector.broadcast %add3A_369 : f32 to vector<16xf32>
        %add3A_371 = arith.addf %mul3A_368, %add3A_370 : vector<16xf32>
        %max3A_372 = arith.constant 0.000000e+00 : f32
        %max3A_373 = vector.broadcast %max3A_372 : f32 to vector<16xf32>
        %max3A_374 = arith.maximumf %add3A_371, %max3A_373 : vector<16xf32>
        %min3A_375 = arith.constant 3.100000e+01 : f32
        %min3A_376 = vector.broadcast %min3A_375 : f32 to vector<16xf32>
        %min3A_377 = arith.minimumf %max3A_374, %min3A_376 : vector<16xf32>
        %add3A_378 = arith.constant 5.000000e-01 : f32
        %add3A_379 = vector.broadcast %add3A_378 : f32 to vector<16xf32>
        %add3A_380 = arith.addf %min3A_377, %add3A_379 : vector<16xf32>
        %convert_element_type3A_381 = arith.fptosi %add3A_380 : vector<16xf32> to vector<16xi32>
        %add3A_382 = arith.addi %mul3A_366, %convert_element_type3A_381 : vector<16xi32>
        %mul3A_383 = arith.constant 32 : i32
        %mul3A_384 = vector.broadcast %mul3A_383 : i32 to vector<16xi32>
        %mul3A_385 = arith.muli %add3A_382, %mul3A_384 : vector<16xi32>
        %sub3A_386 = arith.subf %gather3A_348, %broadcast_in_dim3A_46 : vector<16xf32>
        %mul3A_387 = arith.mulf %sub3A_386, %mul3A_116 : vector<16xf32>
        %add3A_388 = arith.constant 1.600000e+01 : f32
        %add3A_389 = vector.broadcast %add3A_388 : f32 to vector<16xf32>
        %add3A_390 = arith.addf %mul3A_387, %add3A_389 : vector<16xf32>
        %max3A_391 = arith.constant 0.000000e+00 : f32
        %max3A_392 = vector.broadcast %max3A_391 : f32 to vector<16xf32>
        %max3A_393 = arith.maximumf %add3A_390, %max3A_392 : vector<16xf32>
        %min3A_394 = arith.constant 3.100000e+01 : f32
        %min3A_395 = vector.broadcast %min3A_394 : f32 to vector<16xf32>
        %min3A_396 = arith.minimumf %max3A_393, %min3A_395 : vector<16xf32>
        %add3A_397 = arith.constant 5.000000e-01 : f32
        %add3A_398 = vector.broadcast %add3A_397 : f32 to vector<16xf32>
        %add3A_399 = arith.addf %min3A_396, %add3A_398 : vector<16xf32>
        %convert_element_type3A_400 = arith.fptosi %add3A_399 : vector<16xf32> to vector<16xi32>
        %add3A_401 = arith.addi %mul3A_385, %convert_element_type3A_400 : vector<16xi32>
        %add3A_402 = arith.constant 4 : i32
        %add3A_403 = vector.broadcast %add3A_402 : i32 to vector<16xi32>
        %add3A_404 = arith.addi %add3A_242, %add3A_403 : vector<16xi32>
        %shift_right_arithmetic3A_405 = arith.constant 7 : i32
        %shift_right_arithmetic3A_406 = vector.broadcast %shift_right_arithmetic3A_405 : i32 to vector<16xi32>
        %shift_right_arithmetic3A_407 = arith.shrsi %add3A_404, %shift_right_arithmetic3A_406 : vector<16xi32>
        %and3A_408 = arith.constant 127 : i32
        %and3A_409 = vector.broadcast %and3A_408 : i32 to vector<16xi32>
        %and3A_410 = arith.andi %add3A_404, %and3A_409 : vector<16xi32>
        %gather3A_411 = tpu.vector_load_idx %arg7[%shift_right_arithmetic3A_407, %and3A_410] : memref<96x128xf32, #tpu.memory_space<vmem>>[vector<16xi32>, vector<16xi32>], vector<16xf32>,
        %add3A_412 = arith.constant 4 : i32
        %add3A_413 = vector.broadcast %add3A_412 : i32 to vector<16xi32>
        %add3A_414 = arith.addi %add3A_245, %add3A_413 : vector<16xi32>
        %shift_right_arithmetic3A_415 = arith.constant 7 : i32
        %shift_right_arithmetic3A_416 = vector.broadcast %shift_right_arithmetic3A_415 : i32 to vector<16xi32>
        %shift_right_arithmetic3A_417 = arith.shrsi %add3A_414, %shift_right_arithmetic3A_416 : vector<16xi32>
        %and3A_418 = arith.constant 127 : i32
        %and3A_419 = vector.broadcast %and3A_418 : i32 to vector<16xi32>
        %and3A_420 = arith.andi %add3A_414, %and3A_419 : vector<16xi32>
        %gather3A_421 = tpu.vector_load_idx %arg7[%shift_right_arithmetic3A_417, %and3A_420] : memref<96x128xf32, #tpu.memory_space<vmem>>[vector<16xi32>, vector<16xi32>], vector<16xf32>,
        %add3A_422 = arith.constant 5 : i32
        %add3A_423 = vector.broadcast %add3A_422 : i32 to vector<16xi32>
        %add3A_424 = arith.addi %add3A_242, %add3A_423 : vector<16xi32>
        %shift_right_arithmetic3A_425 = arith.constant 7 : i32
        %shift_right_arithmetic3A_426 = vector.broadcast %shift_right_arithmetic3A_425 : i32 to vector<16xi32>
        %shift_right_arithmetic3A_427 = arith.shrsi %add3A_424, %shift_right_arithmetic3A_426 : vector<16xi32>
        %and3A_428 = arith.constant 127 : i32
        %and3A_429 = vector.broadcast %and3A_428 : i32 to vector<16xi32>
        %and3A_430 = arith.andi %add3A_424, %and3A_429 : vector<16xi32>
        %gather3A_431 = tpu.vector_load_idx %arg7[%shift_right_arithmetic3A_427, %and3A_430] : memref<96x128xf32, #tpu.memory_space<vmem>>[vector<16xi32>, vector<16xi32>], vector<16xf32>,
        %add3A_432 = arith.constant 5 : i32
        %add3A_433 = vector.broadcast %add3A_432 : i32 to vector<16xi32>
        %add3A_434 = arith.addi %add3A_245, %add3A_433 : vector<16xi32>
        %shift_right_arithmetic3A_435 = arith.constant 7 : i32
        %shift_right_arithmetic3A_436 = vector.broadcast %shift_right_arithmetic3A_435 : i32 to vector<16xi32>
        %shift_right_arithmetic3A_437 = arith.shrsi %add3A_434, %shift_right_arithmetic3A_436 : vector<16xi32>
        %and3A_438 = arith.constant 127 : i32
        %and3A_439 = vector.broadcast %and3A_438 : i32 to vector<16xi32>
        %and3A_440 = arith.andi %add3A_434, %and3A_439 : vector<16xi32>
        %gather3A_441 = tpu.vector_load_idx %arg7[%shift_right_arithmetic3A_437, %and3A_440] : memref<96x128xf32, #tpu.memory_space<vmem>>[vector<16xi32>, vector<16xi32>], vector<16xf32>,
        tpu.vector_store_idx %arg5[%add3A_321], %gather3A_411 {add = true} : memref<32768xf32, #tpu.memory_space<vmem>>[vector<16xi32>], vector<16xf32>,
        tpu.vector_store_idx %arg5[%add3A_401], %gather3A_421 {add = true} : memref<32768xf32, #tpu.memory_space<vmem>>[vector<16xi32>], vector<16xf32>,
        tpu.vector_store_idx %arg6[%add3A_321], %gather3A_431 {add = true} : memref<32768xf32, #tpu.memory_space<vmem>>[vector<16xi32>], vector<16xf32>,
        tpu.vector_store_idx %arg6[%add3A_401], %gather3A_441 {add = true} : memref<32768xf32, #tpu.memory_space<vmem>>[vector<16xi32>], vector<16xf32>,
        %scan3A_442 = arith.constant 0 : i32
        scf.yield %scan3A_442 : i32
      }
      %scan3A_208 = arith.constant 64 : i32
      %add3A_209 = arith.constant 2 : i32
      %add3A_210 = arith.addi %mul3A_194, %add3A_209 : i32
      %lt3A = arith.constant 32 : i32
      %lt3A_211 = arith.cmpi slt, %add3A_210, %lt3A : i32
      %convert_element_type3A = arith.extui %lt3A_211 : i1 to i32
      %cond3A = arith.constant 0 : i32
      %cond3A_212 = arith.cmpi ne, %convert_element_type3A, %cond3A : i32
      scf.if %cond3A_212 {
        %add3A_237 = arith.constant 2 : i32
        %add3A_238 = arith.addi %mul3A_194, %add3A_237 : i32
        %mul3A_239 = arith.constant 96 : i32
        %mul3A_240 = arith.muli %add3A_238, %mul3A_239 : i32
        %dma_start3A_241 = arith.constant 0 : i32
        %dma_start3A_242 = tpu.memref_slice %arg2[%add3A, %mul3A_240, %dma_start3A_241] : memref<32x3072x128xf32, #tpu.memory_space<hbm>> -> memref<1x96x128xf32, #tpu.memory_space<hbm>>
        %dma_start3A_243 = tpu.memref_squeeze %dma_start3A_242 : memref<1x96x128xf32, #tpu.memory_space<hbm>> -> memref<96x128xf32, #tpu.memory_space<hbm>>
        %dma_start3A_244 = arith.constant 0 : i32
        %dma_start3A_245 = tpu.memref_slice %arg2[%add3A, %mul3A_240, %dma_start3A_244] : memref<32x3072x128xf32, #tpu.memory_space<hbm>> -> memref<1x96x128xf32, #tpu.memory_space<hbm>>
        %dma_start3A_246 = tpu.memref_squeeze %dma_start3A_245 : memref<1x96x128xf32, #tpu.memory_space<hbm>> -> memref<96x128xf32, #tpu.memory_space<hbm>>
        tpu.enqueue_dma source(%dma_start3A_246 : memref<96x128xf32, #tpu.memory_space<hbm>>) target(%arg7 : memref<96x128xf32, #tpu.memory_space<vmem>>) target_semaphore(%arg9 : memref<!tpu.dma_semaphore, #tpu.memory_space<semaphore_mem>>)
      } else {
      }
      %add3A_213 = arith.constant 1 : i32
      %add3A_214 = arith.addi %mul3A_194, %add3A_213 : i32
      %mul3A_215 = arith.constant 96 : i32
      %mul3A_216 = arith.muli %add3A_214, %mul3A_215 : i32
      %dma_wait3A_217 = arith.constant 0 : i32
      %dma_wait3A_218 = tpu.memref_slice %arg2[%add3A, %mul3A_216, %dma_wait3A_217] : memref<32x3072x128xf32, #tpu.memory_space<hbm>> -> memref<1x96x128xf32, #tpu.memory_space<hbm>>
      %dma_wait3A_219 = tpu.memref_squeeze %dma_wait3A_218 : memref<1x96x128xf32, #tpu.memory_space<hbm>> -> memref<96x128xf32, #tpu.memory_space<hbm>>
      %dma_wait3A_220 = arith.constant 0 : i32
      %dma_wait3A_221 = tpu.memref_slice %arg2[%add3A, %mul3A_216, %dma_wait3A_220] : memref<32x3072x128xf32, #tpu.memory_space<hbm>> -> memref<1x96x128xf32, #tpu.memory_space<hbm>>
      %dma_wait3A_222 = tpu.memref_squeeze %dma_wait3A_221 : memref<1x96x128xf32, #tpu.memory_space<hbm>> -> memref<96x128xf32, #tpu.memory_space<hbm>>
      tpu.wait_dma2 semaphore(%arg10 : memref<!tpu.dma_semaphore, #tpu.memory_space<semaphore_mem>>) src(%dma_wait3A_222 : memref<96x128xf32, #tpu.memory_space<hbm>>) dst(%arg8 : memref<96x128xf32, #tpu.memory_space<vmem>>)
      %scan3A_223 = arith.constant 0 : i32
      %scan3A_224 = arith.constant 0 : i32
      %scan3A_225 = arith.constant 64 : i32
      %scan3A_226 = arith.addi %scan3A_224, %scan3A_225 : i32
      %scan3A_227 = arith.constant 1 : i32
      %scan3A_228 = scf.for %scan3A_237 = %scan3A_224 to %scan3A_226 step %scan3A_227 iter_args(%scan3A_238 = %scan3A_223) -> (i32)  : i32 {
        %mul3A_239 = arith.constant 192 : i32
        %mul3A_240 = arith.muli %scan3A_237, %mul3A_239 : i32
        %add3A_241 = vector.broadcast %mul3A_240 : i32 to vector<16xi32>
        %add3A_242 = arith.addi %mul3A_3, %add3A_241 : vector<16xi32>
        %add3A_243 = arith.constant 96 : i32
        %add3A_244 = vector.broadcast %add3A_243 : i32 to vector<16xi32>
        %add3A_245 = arith.addi %add3A_242, %add3A_244 : vector<16xi32>
        %shift_right_arithmetic3A_246 = arith.constant 7 : i32
        %shift_right_arithmetic3A_247 = vector.broadcast %shift_right_arithmetic3A_246 : i32 to vector<16xi32>
        %shift_right_arithmetic3A_248 = arith.shrsi %add3A_242, %shift_right_arithmetic3A_247 : vector<16xi32>
        %and3A = arith.constant 127 : i32
        %and3A_249 = vector.broadcast %and3A : i32 to vector<16xi32>
        %and3A_250 = arith.andi %add3A_242, %and3A_249 : vector<16xi32>
        %gather3A = tpu.vector_load_idx %arg8[%shift_right_arithmetic3A_248, %and3A_250] : memref<96x128xf32, #tpu.memory_space<vmem>>[vector<16xi32>, vector<16xi32>], vector<16xf32>,
        %add3A_251 = arith.constant 1 : i32
        %add3A_252 = vector.broadcast %add3A_251 : i32 to vector<16xi32>
        %add3A_253 = arith.addi %add3A_242, %add3A_252 : vector<16xi32>
        %shift_right_arithmetic3A_254 = arith.constant 7 : i32
        %shift_right_arithmetic3A_255 = vector.broadcast %shift_right_arithmetic3A_254 : i32 to vector<16xi32>
        %shift_right_arithmetic3A_256 = arith.shrsi %add3A_253, %shift_right_arithmetic3A_255 : vector<16xi32>
        %and3A_257 = arith.constant 127 : i32
        %and3A_258 = vector.broadcast %and3A_257 : i32 to vector<16xi32>
        %and3A_259 = arith.andi %add3A_253, %and3A_258 : vector<16xi32>
        %gather3A_260 = tpu.vector_load_idx %arg8[%shift_right_arithmetic3A_256, %and3A_259] : memref<96x128xf32, #tpu.memory_space<vmem>>[vector<16xi32>, vector<16xi32>], vector<16xf32>,
        %add3A_261 = arith.constant 2 : i32
        %add3A_262 = vector.broadcast %add3A_261 : i32 to vector<16xi32>
        %add3A_263 = arith.addi %add3A_242, %add3A_262 : vector<16xi32>
        %shift_right_arithmetic3A_264 = arith.constant 7 : i32
        %shift_right_arithmetic3A_265 = vector.broadcast %shift_right_arithmetic3A_264 : i32 to vector<16xi32>
        %shift_right_arithmetic3A_266 = arith.shrsi %add3A_263, %shift_right_arithmetic3A_265 : vector<16xi32>
        %and3A_267 = arith.constant 127 : i32
        %and3A_268 = vector.broadcast %and3A_267 : i32 to vector<16xi32>
        %and3A_269 = arith.andi %add3A_263, %and3A_268 : vector<16xi32>
        %gather3A_270 = tpu.vector_load_idx %arg8[%shift_right_arithmetic3A_266, %and3A_269] : memref<96x128xf32, #tpu.memory_space<vmem>>[vector<16xi32>, vector<16xi32>], vector<16xf32>,
        %sub3A_271 = arith.subf %gather3A, %broadcast_in_dim3A_32 : vector<16xf32>
        %mul3A_272 = arith.mulf %sub3A_271, %mul3A_116 : vector<16xf32>
        %add3A_273 = arith.constant 1.600000e+01 : f32
        %add3A_274 = vector.broadcast %add3A_273 : f32 to vector<16xf32>
        %add3A_275 = arith.addf %mul3A_272, %add3A_274 : vector<16xf32>
        %max3A = arith.constant 0.000000e+00 : f32
        %max3A_276 = vector.broadcast %max3A : f32 to vector<16xf32>
        %max3A_277 = arith.maximumf %add3A_275, %max3A_276 : vector<16xf32>
        %min3A = arith.constant 3.100000e+01 : f32
        %min3A_278 = vector.broadcast %min3A : f32 to vector<16xf32>
        %min3A_279 = arith.minimumf %max3A_277, %min3A_278 : vector<16xf32>
        %add3A_280 = arith.constant 5.000000e-01 : f32
        %add3A_281 = vector.broadcast %add3A_280 : f32 to vector<16xf32>
        %add3A_282 = arith.addf %min3A_279, %add3A_281 : vector<16xf32>
        %convert_element_type3A_283 = arith.fptosi %add3A_282 : vector<16xf32> to vector<16xi32>
        %mul3A_284 = arith.constant 32 : i32
        %mul3A_285 = vector.broadcast %mul3A_284 : i32 to vector<16xi32>
        %mul3A_286 = arith.muli %convert_element_type3A_283, %mul3A_285 : vector<16xi32>
        %sub3A_287 = arith.subf %gather3A_260, %broadcast_in_dim3A_39 : vector<16xf32>
        %mul3A_288 = arith.mulf %sub3A_287, %mul3A_116 : vector<16xf32>
        %add3A_289 = arith.constant 1.600000e+01 : f32
        %add3A_290 = vector.broadcast %add3A_289 : f32 to vector<16xf32>
        %add3A_291 = arith.addf %mul3A_288, %add3A_290 : vector<16xf32>
        %max3A_292 = arith.constant 0.000000e+00 : f32
        %max3A_293 = vector.broadcast %max3A_292 : f32 to vector<16xf32>
        %max3A_294 = arith.maximumf %add3A_291, %max3A_293 : vector<16xf32>
        %min3A_295 = arith.constant 3.100000e+01 : f32
        %min3A_296 = vector.broadcast %min3A_295 : f32 to vector<16xf32>
        %min3A_297 = arith.minimumf %max3A_294, %min3A_296 : vector<16xf32>
        %add3A_298 = arith.constant 5.000000e-01 : f32
        %add3A_299 = vector.broadcast %add3A_298 : f32 to vector<16xf32>
        %add3A_300 = arith.addf %min3A_297, %add3A_299 : vector<16xf32>
        %convert_element_type3A_301 = arith.fptosi %add3A_300 : vector<16xf32> to vector<16xi32>
        %add3A_302 = arith.addi %mul3A_286, %convert_element_type3A_301 : vector<16xi32>
        %mul3A_303 = arith.constant 32 : i32
        %mul3A_304 = vector.broadcast %mul3A_303 : i32 to vector<16xi32>
        %mul3A_305 = arith.muli %add3A_302, %mul3A_304 : vector<16xi32>
        %sub3A_306 = arith.subf %gather3A_270, %broadcast_in_dim3A_46 : vector<16xf32>
        %mul3A_307 = arith.mulf %sub3A_306, %mul3A_116 : vector<16xf32>
        %add3A_308 = arith.constant 1.600000e+01 : f32
        %add3A_309 = vector.broadcast %add3A_308 : f32 to vector<16xf32>
        %add3A_310 = arith.addf %mul3A_307, %add3A_309 : vector<16xf32>
        %max3A_311 = arith.constant 0.000000e+00 : f32
        %max3A_312 = vector.broadcast %max3A_311 : f32 to vector<16xf32>
        %max3A_313 = arith.maximumf %add3A_310, %max3A_312 : vector<16xf32>
        %min3A_314 = arith.constant 3.100000e+01 : f32
        %min3A_315 = vector.broadcast %min3A_314 : f32 to vector<16xf32>
        %min3A_316 = arith.minimumf %max3A_313, %min3A_315 : vector<16xf32>
        %add3A_317 = arith.constant 5.000000e-01 : f32
        %add3A_318 = vector.broadcast %add3A_317 : f32 to vector<16xf32>
        %add3A_319 = arith.addf %min3A_316, %add3A_318 : vector<16xf32>
        %convert_element_type3A_320 = arith.fptosi %add3A_319 : vector<16xf32> to vector<16xi32>
        %add3A_321 = arith.addi %mul3A_305, %convert_element_type3A_320 : vector<16xi32>
        %shift_right_arithmetic3A_322 = arith.constant 7 : i32
        %shift_right_arithmetic3A_323 = vector.broadcast %shift_right_arithmetic3A_322 : i32 to vector<16xi32>
        %shift_right_arithmetic3A_324 = arith.shrsi %add3A_245, %shift_right_arithmetic3A_323 : vector<16xi32>
        %and3A_325 = arith.constant 127 : i32
        %and3A_326 = vector.broadcast %and3A_325 : i32 to vector<16xi32>
        %and3A_327 = arith.andi %add3A_245, %and3A_326 : vector<16xi32>
        %gather3A_328 = tpu.vector_load_idx %arg8[%shift_right_arithmetic3A_324, %and3A_327] : memref<96x128xf32, #tpu.memory_space<vmem>>[vector<16xi32>, vector<16xi32>], vector<16xf32>,
        %add3A_329 = arith.constant 1 : i32
        %add3A_330 = vector.broadcast %add3A_329 : i32 to vector<16xi32>
        %add3A_331 = arith.addi %add3A_245, %add3A_330 : vector<16xi32>
        %shift_right_arithmetic3A_332 = arith.constant 7 : i32
        %shift_right_arithmetic3A_333 = vector.broadcast %shift_right_arithmetic3A_332 : i32 to vector<16xi32>
        %shift_right_arithmetic3A_334 = arith.shrsi %add3A_331, %shift_right_arithmetic3A_333 : vector<16xi32>
        %and3A_335 = arith.constant 127 : i32
        %and3A_336 = vector.broadcast %and3A_335 : i32 to vector<16xi32>
        %and3A_337 = arith.andi %add3A_331, %and3A_336 : vector<16xi32>
        %gather3A_338 = tpu.vector_load_idx %arg8[%shift_right_arithmetic3A_334, %and3A_337] : memref<96x128xf32, #tpu.memory_space<vmem>>[vector<16xi32>, vector<16xi32>], vector<16xf32>,
        %add3A_339 = arith.constant 2 : i32
        %add3A_340 = vector.broadcast %add3A_339 : i32 to vector<16xi32>
        %add3A_341 = arith.addi %add3A_245, %add3A_340 : vector<16xi32>
        %shift_right_arithmetic3A_342 = arith.constant 7 : i32
        %shift_right_arithmetic3A_343 = vector.broadcast %shift_right_arithmetic3A_342 : i32 to vector<16xi32>
        %shift_right_arithmetic3A_344 = arith.shrsi %add3A_341, %shift_right_arithmetic3A_343 : vector<16xi32>
        %and3A_345 = arith.constant 127 : i32
        %and3A_346 = vector.broadcast %and3A_345 : i32 to vector<16xi32>
        %and3A_347 = arith.andi %add3A_341, %and3A_346 : vector<16xi32>
        %gather3A_348 = tpu.vector_load_idx %arg8[%shift_right_arithmetic3A_344, %and3A_347] : memref<96x128xf32, #tpu.memory_space<vmem>>[vector<16xi32>, vector<16xi32>], vector<16xf32>,
        %sub3A_349 = arith.subf %gather3A_328, %broadcast_in_dim3A_32 : vector<16xf32>
        %mul3A_350 = arith.mulf %sub3A_349, %mul3A_116 : vector<16xf32>
        %add3A_351 = arith.constant 1.600000e+01 : f32
        %add3A_352 = vector.broadcast %add3A_351 : f32 to vector<16xf32>
        %add3A_353 = arith.addf %mul3A_350, %add3A_352 : vector<16xf32>
        %max3A_354 = arith.constant 0.000000e+00 : f32
        %max3A_355 = vector.broadcast %max3A_354 : f32 to vector<16xf32>
        %max3A_356 = arith.maximumf %add3A_353, %max3A_355 : vector<16xf32>
        %min3A_357 = arith.constant 3.100000e+01 : f32
        %min3A_358 = vector.broadcast %min3A_357 : f32 to vector<16xf32>
        %min3A_359 = arith.minimumf %max3A_356, %min3A_358 : vector<16xf32>
        %add3A_360 = arith.constant 5.000000e-01 : f32
        %add3A_361 = vector.broadcast %add3A_360 : f32 to vector<16xf32>
        %add3A_362 = arith.addf %min3A_359, %add3A_361 : vector<16xf32>
        %convert_element_type3A_363 = arith.fptosi %add3A_362 : vector<16xf32> to vector<16xi32>
        %mul3A_364 = arith.constant 32 : i32
        %mul3A_365 = vector.broadcast %mul3A_364 : i32 to vector<16xi32>
        %mul3A_366 = arith.muli %convert_element_type3A_363, %mul3A_365 : vector<16xi32>
        %sub3A_367 = arith.subf %gather3A_338, %broadcast_in_dim3A_39 : vector<16xf32>
        %mul3A_368 = arith.mulf %sub3A_367, %mul3A_116 : vector<16xf32>
        %add3A_369 = arith.constant 1.600000e+01 : f32
        %add3A_370 = vector.broadcast %add3A_369 : f32 to vector<16xf32>
        %add3A_371 = arith.addf %mul3A_368, %add3A_370 : vector<16xf32>
        %max3A_372 = arith.constant 0.000000e+00 : f32
        %max3A_373 = vector.broadcast %max3A_372 : f32 to vector<16xf32>
        %max3A_374 = arith.maximumf %add3A_371, %max3A_373 : vector<16xf32>
        %min3A_375 = arith.constant 3.100000e+01 : f32
        %min3A_376 = vector.broadcast %min3A_375 : f32 to vector<16xf32>
        %min3A_377 = arith.minimumf %max3A_374, %min3A_376 : vector<16xf32>
        %add3A_378 = arith.constant 5.000000e-01 : f32
        %add3A_379 = vector.broadcast %add3A_378 : f32 to vector<16xf32>
        %add3A_380 = arith.addf %min3A_377, %add3A_379 : vector<16xf32>
        %convert_element_type3A_381 = arith.fptosi %add3A_380 : vector<16xf32> to vector<16xi32>
        %add3A_382 = arith.addi %mul3A_366, %convert_element_type3A_381 : vector<16xi32>
        %mul3A_383 = arith.constant 32 : i32
        %mul3A_384 = vector.broadcast %mul3A_383 : i32 to vector<16xi32>
        %mul3A_385 = arith.muli %add3A_382, %mul3A_384 : vector<16xi32>
        %sub3A_386 = arith.subf %gather3A_348, %broadcast_in_dim3A_46 : vector<16xf32>
        %mul3A_387 = arith.mulf %sub3A_386, %mul3A_116 : vector<16xf32>
        %add3A_388 = arith.constant 1.600000e+01 : f32
        %add3A_389 = vector.broadcast %add3A_388 : f32 to vector<16xf32>
        %add3A_390 = arith.addf %mul3A_387, %add3A_389 : vector<16xf32>
        %max3A_391 = arith.constant 0.000000e+00 : f32
        %max3A_392 = vector.broadcast %max3A_391 : f32 to vector<16xf32>
        %max3A_393 = arith.maximumf %add3A_390, %max3A_392 : vector<16xf32>
        %min3A_394 = arith.constant 3.100000e+01 : f32
        %min3A_395 = vector.broadcast %min3A_394 : f32 to vector<16xf32>
        %min3A_396 = arith.minimumf %max3A_393, %min3A_395 : vector<16xf32>
        %add3A_397 = arith.constant 5.000000e-01 : f32
        %add3A_398 = vector.broadcast %add3A_397 : f32 to vector<16xf32>
        %add3A_399 = arith.addf %min3A_396, %add3A_398 : vector<16xf32>
        %convert_element_type3A_400 = arith.fptosi %add3A_399 : vector<16xf32> to vector<16xi32>
        %add3A_401 = arith.addi %mul3A_385, %convert_element_type3A_400 : vector<16xi32>
        %add3A_402 = arith.constant 4 : i32
        %add3A_403 = vector.broadcast %add3A_402 : i32 to vector<16xi32>
        %add3A_404 = arith.addi %add3A_242, %add3A_403 : vector<16xi32>
        %shift_right_arithmetic3A_405 = arith.constant 7 : i32
        %shift_right_arithmetic3A_406 = vector.broadcast %shift_right_arithmetic3A_405 : i32 to vector<16xi32>
        %shift_right_arithmetic3A_407 = arith.shrsi %add3A_404, %shift_right_arithmetic3A_406 : vector<16xi32>
        %and3A_408 = arith.constant 127 : i32
        %and3A_409 = vector.broadcast %and3A_408 : i32 to vector<16xi32>
        %and3A_410 = arith.andi %add3A_404, %and3A_409 : vector<16xi32>
        %gather3A_411 = tpu.vector_load_idx %arg8[%shift_right_arithmetic3A_407, %and3A_410] : memref<96x128xf32, #tpu.memory_space<vmem>>[vector<16xi32>, vector<16xi32>], vector<16xf32>,
        %add3A_412 = arith.constant 4 : i32
        %add3A_413 = vector.broadcast %add3A_412 : i32 to vector<16xi32>
        %add3A_414 = arith.addi %add3A_245, %add3A_413 : vector<16xi32>
        %shift_right_arithmetic3A_415 = arith.constant 7 : i32
        %shift_right_arithmetic3A_416 = vector.broadcast %shift_right_arithmetic3A_415 : i32 to vector<16xi32>
        %shift_right_arithmetic3A_417 = arith.shrsi %add3A_414, %shift_right_arithmetic3A_416 : vector<16xi32>
        %and3A_418 = arith.constant 127 : i32
        %and3A_419 = vector.broadcast %and3A_418 : i32 to vector<16xi32>
        %and3A_420 = arith.andi %add3A_414, %and3A_419 : vector<16xi32>
        %gather3A_421 = tpu.vector_load_idx %arg8[%shift_right_arithmetic3A_417, %and3A_420] : memref<96x128xf32, #tpu.memory_space<vmem>>[vector<16xi32>, vector<16xi32>], vector<16xf32>,
        %add3A_422 = arith.constant 5 : i32
        %add3A_423 = vector.broadcast %add3A_422 : i32 to vector<16xi32>
        %add3A_424 = arith.addi %add3A_242, %add3A_423 : vector<16xi32>
        %shift_right_arithmetic3A_425 = arith.constant 7 : i32
        %shift_right_arithmetic3A_426 = vector.broadcast %shift_right_arithmetic3A_425 : i32 to vector<16xi32>
        %shift_right_arithmetic3A_427 = arith.shrsi %add3A_424, %shift_right_arithmetic3A_426 : vector<16xi32>
        %and3A_428 = arith.constant 127 : i32
        %and3A_429 = vector.broadcast %and3A_428 : i32 to vector<16xi32>
        %and3A_430 = arith.andi %add3A_424, %and3A_429 : vector<16xi32>
        %gather3A_431 = tpu.vector_load_idx %arg8[%shift_right_arithmetic3A_427, %and3A_430] : memref<96x128xf32, #tpu.memory_space<vmem>>[vector<16xi32>, vector<16xi32>], vector<16xf32>,
        %add3A_432 = arith.constant 5 : i32
        %add3A_433 = vector.broadcast %add3A_432 : i32 to vector<16xi32>
        %add3A_434 = arith.addi %add3A_245, %add3A_433 : vector<16xi32>
        %shift_right_arithmetic3A_435 = arith.constant 7 : i32
        %shift_right_arithmetic3A_436 = vector.broadcast %shift_right_arithmetic3A_435 : i32 to vector<16xi32>
        %shift_right_arithmetic3A_437 = arith.shrsi %add3A_434, %shift_right_arithmetic3A_436 : vector<16xi32>
        %and3A_438 = arith.constant 127 : i32
        %and3A_439 = vector.broadcast %and3A_438 : i32 to vector<16xi32>
        %and3A_440 = arith.andi %add3A_434, %and3A_439 : vector<16xi32>
        %gather3A_441 = tpu.vector_load_idx %arg8[%shift_right_arithmetic3A_437, %and3A_440] : memref<96x128xf32, #tpu.memory_space<vmem>>[vector<16xi32>, vector<16xi32>], vector<16xf32>,
        tpu.vector_store_idx %arg5[%add3A_321], %gather3A_411 {add = true} : memref<32768xf32, #tpu.memory_space<vmem>>[vector<16xi32>], vector<16xf32>,
        tpu.vector_store_idx %arg5[%add3A_401], %gather3A_421 {add = true} : memref<32768xf32, #tpu.memory_space<vmem>>[vector<16xi32>], vector<16xf32>,
        tpu.vector_store_idx %arg6[%add3A_321], %gather3A_431 {add = true} : memref<32768xf32, #tpu.memory_space<vmem>>[vector<16xi32>], vector<16xf32>,
        tpu.vector_store_idx %arg6[%add3A_401], %gather3A_441 {add = true} : memref<32768xf32, #tpu.memory_space<vmem>>[vector<16xi32>], vector<16xf32>,
        %scan3A_442 = arith.constant 0 : i32
        scf.yield %scan3A_442 : i32
      }
      %scan3A_229 = arith.constant 64 : i32
      %add3A_230 = arith.constant 2 : i32
      %add3A_231 = arith.addi %add3A_214, %add3A_230 : i32
      %lt3A_232 = arith.constant 32 : i32
      %lt3A_233 = arith.cmpi slt, %add3A_231, %lt3A_232 : i32
      %convert_element_type3A_234 = arith.extui %lt3A_233 : i1 to i32
      %cond3A_235 = arith.constant 0 : i32
      %cond3A_236 = arith.cmpi ne, %convert_element_type3A_234, %cond3A_235 : i32
      scf.if %cond3A_236 {
        %add3A_237 = arith.constant 2 : i32
        %add3A_238 = arith.addi %add3A_214, %add3A_237 : i32
        %mul3A_239 = arith.constant 96 : i32
        %mul3A_240 = arith.muli %add3A_238, %mul3A_239 : i32
        %dma_start3A_241 = arith.constant 0 : i32
        %dma_start3A_242 = tpu.memref_slice %arg2[%add3A, %mul3A_240, %dma_start3A_241] : memref<32x3072x128xf32, #tpu.memory_space<hbm>> -> memref<1x96x128xf32, #tpu.memory_space<hbm>>
        %dma_start3A_243 = tpu.memref_squeeze %dma_start3A_242 : memref<1x96x128xf32, #tpu.memory_space<hbm>> -> memref<96x128xf32, #tpu.memory_space<hbm>>
        %dma_start3A_244 = arith.constant 0 : i32
        %dma_start3A_245 = tpu.memref_slice %arg2[%add3A, %mul3A_240, %dma_start3A_244] : memref<32x3072x128xf32, #tpu.memory_space<hbm>> -> memref<1x96x128xf32, #tpu.memory_space<hbm>>
        %dma_start3A_246 = tpu.memref_squeeze %dma_start3A_245 : memref<1x96x128xf32, #tpu.memory_space<hbm>> -> memref<96x128xf32, #tpu.memory_space<hbm>>
        tpu.enqueue_dma source(%dma_start3A_246 : memref<96x128xf32, #tpu.memory_space<hbm>>) target(%arg8 : memref<96x128xf32, #tpu.memory_space<vmem>>) target_semaphore(%arg10 : memref<!tpu.dma_semaphore, #tpu.memory_space<semaphore_mem>>)
      } else {
      }
    }
    %scan3A_181 = arith.constant 16 : i32
    %scan3A_182 = arith.constant 0 : i32
    %scan3A_183 = arith.constant 0 : i32
    %scan3A_184 = arith.constant 2048 : i32
    %scan3A_185 = arith.addi %scan3A_183, %scan3A_184 : i32
    %scan3A_186 = arith.constant 1 : i32
    %scan3A_187 = scf.for %scan3A_192 = %scan3A_183 to %scan3A_185 step %scan3A_186 iter_args(%scan3A_193 = %scan3A_182) -> (i32)  : i32 {
      %mul3A_194 = arith.constant 16 : i32
      %mul3A_195 = arith.muli %scan3A_192, %mul3A_194 : i32
      %get3A = arith.index_cast %mul3A_195 : i32 to index
      %get3A_196 = tpu.vector_load %arg4[%get3A] {strides = array<i32>} : memref<32768xf32, #tpu.memory_space<vmem>>, vector<16xf32>,
      %max3A = arith.constant 1.000000e+00 : f32
      %max3A_197 = vector.broadcast %max3A : f32 to vector<16xf32>
      %max3A_198 = arith.maximumf %get3A_196, %max3A_197 : vector<16xf32>
      %div3A = arith.constant 1.000000e+00 : f32
      %div3A_199 = vector.broadcast %div3A : f32 to vector<16xf32>
      %div3A_200 = arith.divf %div3A_199, %max3A_198 : vector<16xf32>
      %get3A_201 = arith.index_cast %mul3A_195 : i32 to index
      %get3A_202 = tpu.vector_load %arg5[%get3A_201] {strides = array<i32>} : memref<32768xf32, #tpu.memory_space<vmem>>, vector<16xf32>,
      %mul3A_203 = arith.mulf %get3A_202, %div3A_200 : vector<16xf32>
      %swap3A = arith.index_cast %mul3A_195 : i32 to index
      %swap3A_204 = tpu.vector_load %arg5[%swap3A] {strides = array<i32>} : memref<32768xf32, #tpu.memory_space<vmem>>, vector<16xf32>,
      tpu.vector_store %arg5[%swap3A], %mul3A_203 {strides = array<i32>} : memref<32768xf32, #tpu.memory_space<vmem>>, vector<16xf32>,
      %get3A_205 = arith.index_cast %mul3A_195 : i32 to index
      %get3A_206 = tpu.vector_load %arg6[%get3A_205] {strides = array<i32>} : memref<32768xf32, #tpu.memory_space<vmem>>, vector<16xf32>,
      %mul3A_207 = arith.mulf %get3A_206, %div3A_200 : vector<16xf32>
      %swap3A_208 = arith.index_cast %mul3A_195 : i32 to index
      %swap3A_209 = tpu.vector_load %arg6[%swap3A_208] {strides = array<i32>} : memref<32768xf32, #tpu.memory_space<vmem>>, vector<16xf32>,
      tpu.vector_store %arg6[%swap3A_208], %mul3A_207 {strides = array<i32>} : memref<32768xf32, #tpu.memory_space<vmem>>, vector<16xf32>,
      %gt3A = arith.constant 0.000000e+00 : f32
      %gt3A_210 = vector.broadcast %gt3A : f32 to vector<16xf32>
      %gt3A_211 = arith.cmpf ogt, %get3A_196, %gt3A_210 : vector<16xf32>
      %select_n3A = arith.select %gt3A_211, %broadcast_in_dim3A_4, %broadcast_in_dim3A_6 : vector<16xi1>, vector<16xf32>
      %swap3A_212 = arith.index_cast %mul3A_195 : i32 to index
      %swap3A_213 = tpu.vector_load %arg4[%swap3A_212] {strides = array<i32>} : memref<32768xf32, #tpu.memory_space<vmem>>, vector<16xf32>,
      tpu.vector_store %arg4[%swap3A_212], %select_n3A {strides = array<i32>} : memref<32768xf32, #tpu.memory_space<vmem>>, vector<16xf32>,
      %scan3A_214 = arith.constant 0 : i32
      scf.yield %scan3A_214 : i32
    }
    %scan3A_188 = arith.constant 2048 : i32
    %run_scoped3A_189 = arith.constant 0 : i32
    "tpu.region"() ({
      %run_scoped3A_192 = tpu.sem_alloc : memref<!tpu.dma_semaphore, #tpu.memory_space<semaphore_mem>>
      %dma_start3A_193 = arith.constant 0 : i32
      %dma_start3A_194 = tpu.memref_slice %arg3[%add3A, %run_scoped3A_189, %dma_start3A_193] : memref<32x4x32768xf32, #tpu.memory_space<hbm>> -> memref<1x1x32768xf32, #tpu.memory_space<hbm>>
      %dma_start3A_195 = tpu.memref_squeeze %dma_start3A_194 : memref<1x1x32768xf32, #tpu.memory_space<hbm>> -> memref<32768xf32, #tpu.memory_space<hbm>>
      %dma_start3A_196 = arith.constant 0 : i32
      %dma_start3A_197 = tpu.memref_slice %arg3[%add3A, %run_scoped3A_189, %dma_start3A_196] : memref<32x4x32768xf32, #tpu.memory_space<hbm>> -> memref<1x1x32768xf32, #tpu.memory_space<hbm>>
      %dma_start3A_198 = tpu.memref_squeeze %dma_start3A_197 : memref<1x1x32768xf32, #tpu.memory_space<hbm>> -> memref<32768xf32, #tpu.memory_space<hbm>>
      tpu.enqueue_dma source(%arg4 : memref<32768xf32, #tpu.memory_space<vmem>>) target(%dma_start3A_198 : memref<32768xf32, #tpu.memory_space<hbm>>) target_semaphore(%run_scoped3A_192 : memref<!tpu.dma_semaphore, #tpu.memory_space<semaphore_mem>>)
      %dma_wait3A = arith.constant 0 : i32
      %dma_wait3A_199 = tpu.memref_slice %arg3[%add3A, %run_scoped3A_189, %dma_wait3A] : memref<32x4x32768xf32, #tpu.memory_space<hbm>> -> memref<1x1x32768xf32, #tpu.memory_space<hbm>>
      %dma_wait3A_200 = tpu.memref_squeeze %dma_wait3A_199 : memref<1x1x32768xf32, #tpu.memory_space<hbm>> -> memref<32768xf32, #tpu.memory_space<hbm>>
      %dma_wait3A_201 = arith.constant 0 : i32
      %dma_wait3A_202 = tpu.memref_slice %arg3[%add3A, %run_scoped3A_189, %dma_wait3A_201] : memref<32x4x32768xf32, #tpu.memory_space<hbm>> -> memref<1x1x32768xf32, #tpu.memory_space<hbm>>
      %dma_wait3A_203 = tpu.memref_squeeze %dma_wait3A_202 : memref<1x1x32768xf32, #tpu.memory_space<hbm>> -> memref<32768xf32, #tpu.memory_space<hbm>>
      tpu.wait_dma2 semaphore(%run_scoped3A_192 : memref<!tpu.dma_semaphore, #tpu.memory_space<semaphore_mem>>) src(%arg4 : memref<32768xf32, #tpu.memory_space<vmem>>) dst(%dma_wait3A_203 : memref<32768xf32, #tpu.memory_space<hbm>>)
      tpu.yield
    }) : () -> ()
    %run_scoped3A_190 = arith.constant 2 : i32
    "tpu.region"() ({
      %run_scoped3A_192 = tpu.sem_alloc : memref<!tpu.dma_semaphore, #tpu.memory_space<semaphore_mem>>
      %dma_start3A_193 = arith.constant 0 : i32
      %dma_start3A_194 = tpu.memref_slice %arg3[%add3A, %run_scoped3A_190, %dma_start3A_193] : memref<32x4x32768xf32, #tpu.memory_space<hbm>> -> memref<1x1x32768xf32, #tpu.memory_space<hbm>>
      %dma_start3A_195 = tpu.memref_squeeze %dma_start3A_194 : memref<1x1x32768xf32, #tpu.memory_space<hbm>> -> memref<32768xf32, #tpu.memory_space<hbm>>
      %dma_start3A_196 = arith.constant 0 : i32
      %dma_start3A_197 = tpu.memref_slice %arg3[%add3A, %run_scoped3A_190, %dma_start3A_196] : memref<32x4x32768xf32, #tpu.memory_space<hbm>> -> memref<1x1x32768xf32, #tpu.memory_space<hbm>>
      %dma_start3A_198 = tpu.memref_squeeze %dma_start3A_197 : memref<1x1x32768xf32, #tpu.memory_space<hbm>> -> memref<32768xf32, #tpu.memory_space<hbm>>
      tpu.enqueue_dma source(%arg5 : memref<32768xf32, #tpu.memory_space<vmem>>) target(%dma_start3A_198 : memref<32768xf32, #tpu.memory_space<hbm>>) target_semaphore(%run_scoped3A_192 : memref<!tpu.dma_semaphore, #tpu.memory_space<semaphore_mem>>)
      %dma_wait3A = arith.constant 0 : i32
      %dma_wait3A_199 = tpu.memref_slice %arg3[%add3A, %run_scoped3A_190, %dma_wait3A] : memref<32x4x32768xf32, #tpu.memory_space<hbm>> -> memref<1x1x32768xf32, #tpu.memory_space<hbm>>
      %dma_wait3A_200 = tpu.memref_squeeze %dma_wait3A_199 : memref<1x1x32768xf32, #tpu.memory_space<hbm>> -> memref<32768xf32, #tpu.memory_space<hbm>>
      %dma_wait3A_201 = arith.constant 0 : i32
      %dma_wait3A_202 = tpu.memref_slice %arg3[%add3A, %run_scoped3A_190, %dma_wait3A_201] : memref<32x4x32768xf32, #tpu.memory_space<hbm>> -> memref<1x1x32768xf32, #tpu.memory_space<hbm>>
      %dma_wait3A_203 = tpu.memref_squeeze %dma_wait3A_202 : memref<1x1x32768xf32, #tpu.memory_space<hbm>> -> memref<32768xf32, #tpu.memory_space<hbm>>
      tpu.wait_dma2 semaphore(%run_scoped3A_192 : memref<!tpu.dma_semaphore, #tpu.memory_space<semaphore_mem>>) src(%arg5 : memref<32768xf32, #tpu.memory_space<vmem>>) dst(%dma_wait3A_203 : memref<32768xf32, #tpu.memory_space<hbm>>)
      tpu.yield
    }) : () -> ()
    %run_scoped3A_191 = arith.constant 3 : i32
    "tpu.region"() ({
      %run_scoped3A_192 = tpu.sem_alloc : memref<!tpu.dma_semaphore, #tpu.memory_space<semaphore_mem>>
      %dma_start3A_193 = arith.constant 0 : i32
      %dma_start3A_194 = tpu.memref_slice %arg3[%add3A, %run_scoped3A_191, %dma_start3A_193] : memref<32x4x32768xf32, #tpu.memory_space<hbm>> -> memref<1x1x32768xf32, #tpu.memory_space<hbm>>
      %dma_start3A_195 = tpu.memref_squeeze %dma_start3A_194 : memref<1x1x32768xf32, #tpu.memory_space<hbm>> -> memref<32768xf32, #tpu.memory_space<hbm>>
      %dma_start3A_196 = arith.constant 0 : i32
      %dma_start3A_197 = tpu.memref_slice %arg3[%add3A, %run_scoped3A_191, %dma_start3A_196] : memref<32x4x32768xf32, #tpu.memory_space<hbm>> -> memref<1x1x32768xf32, #tpu.memory_space<hbm>>
      %dma_start3A_198 = tpu.memref_squeeze %dma_start3A_197 : memref<1x1x32768xf32, #tpu.memory_space<hbm>> -> memref<32768xf32, #tpu.memory_space<hbm>>
      tpu.enqueue_dma source(%arg6 : memref<32768xf32, #tpu.memory_space<vmem>>) target(%dma_start3A_198 : memref<32768xf32, #tpu.memory_space<hbm>>) target_semaphore(%run_scoped3A_192 : memref<!tpu.dma_semaphore, #tpu.memory_space<semaphore_mem>>)
      %dma_wait3A = arith.constant 0 : i32
      %dma_wait3A_199 = tpu.memref_slice %arg3[%add3A, %run_scoped3A_191, %dma_wait3A] : memref<32x4x32768xf32, #tpu.memory_space<hbm>> -> memref<1x1x32768xf32, #tpu.memory_space<hbm>>
      %dma_wait3A_200 = tpu.memref_squeeze %dma_wait3A_199 : memref<1x1x32768xf32, #tpu.memory_space<hbm>> -> memref<32768xf32, #tpu.memory_space<hbm>>
      %dma_wait3A_201 = arith.constant 0 : i32
      %dma_wait3A_202 = tpu.memref_slice %arg3[%add3A, %run_scoped3A_191, %dma_wait3A_201] : memref<32x4x32768xf32, #tpu.memory_space<hbm>> -> memref<1x1x32768xf32, #tpu.memory_space<hbm>>
      %dma_wait3A_203 = tpu.memref_squeeze %dma_wait3A_202 : memref<1x1x32768xf32, #tpu.memory_space<hbm>> -> memref<32768xf32, #tpu.memory_space<hbm>>
      tpu.wait_dma2 semaphore(%run_scoped3A_192 : memref<!tpu.dma_semaphore, #tpu.memory_space<semaphore_mem>>) src(%arg6 : memref<32768xf32, #tpu.memory_space<vmem>>) dst(%dma_wait3A_203 : memref<32768xf32, #tpu.memory_space<hbm>>)
      tpu.yield
    }) : () -> ()
    return
  }
}

</mosaic_0001>

<sc_bundles>
// kernel: kernel.3.cloned.1.call-start
scs
__scs_entry_jumppad:
0x0: {  	(pc) =	sbr.rel $0x88, $3  }
0x1: {  	(tag) =	ssettag $0x0;
	lr =	simm.s32 $0x1  }
0x2: {  	[smem:$0x3FA0] =	sst lr;
	_ =	strace $0xD0000000  }
0x3: {  	_ = 	snop  }
0x4: {  	_ = 	snop  }
0x5: {  	_ = 	snop  }
0x6: {  	_ = 	snop  }
0x7: {  	_ = 	snop  }
__scs_overlays_trampoline_lowered:
0x8: {  	[smem:$0x3FAF] =	sst s0  }
0x9: {  	[smem:$0x3FB0] =	sst s1  }
0xa: {  	[smem:$0x3FB1] =	sst s2  }
0xb: {  	[smem:$0x3FB2] =	sst s3  }
0xc: {  	[smem:$0x3FB3] =	sst s4  }
0xd: {  	[smem:$0x3FB4] =	sst s5  }
0xe: {  	[smem:$0x3FB5] =	sst s6  }
0xf: {  	[smem:$0x3FB6] =	sst s7  }
0x10: {  	[smem:$0x3FB7] =	sst s8  }
0x11: {  	[smem:$0x3FB8] =	sst s9;
	s0 =	simm.s32 @!p0 $0x0  }
0x12: {  	s1 =	sld [smem:$0x3F9E];
	s0 =	simm.s32 @p0 $0x1  }
0x13: {  	[smem:$0x3FB9] =	sst s0;
	s0 =	simm.s32 @!p1 $0x0  }
0x14: {  	s2 =	sld [smem:$0x3F9D];
	s0 =	simm.s32 @p1 $0x1  }
0x15: {  	[smem:$0x3FBA] =	sst s0;
	s0 =	simm.s32 @!p2 $0x0  }
0x16: {  	s3 =	sld [smem:$0x3FDB];
	s0 =	simm.s32 @p2 $0x1  }
0x17: {  	s4 =	simm.s32 $0x1BF5;
	[smem:$0x3FBC] =	sst s0  }
0x18: {  	s0 =	sld [smem:$0x3F9F];
	_ =	swait.ge [sflag:s4], $0x0  }
0x19: {  	s7 =	sld [smem:$0x3FA0]  }
0x1a: {  	s8 =	sadd.s32 $0xFFFFE003, lr  }
0x1b: {  	s9 =	sadd.s32 $0xFFFFFEF7, lr;
	s5 =	simm.s32 $0xFFFFFFFF;
	p2 =	slt.u32 s8, $0xFFFFF086  }
0x1c: {  	p1 =	slt.u32 s9, $0xF7A;
	s5 =	simm.s32 @!p2 $0x0  }
0x1d: {  	s5 =	simm.s32 @p1 $0x1;
	p0 =	seq.s32 s7, s2  }
0x1e: {  	s7 =	smul.u32 @!p0 $0xF7A, s2;
	p2 =	seq.s32 @!p0 s5, $0x0  }
0x1f: {  	s9 =	smul.u32 $0xF7A, s1;
	s8 =	simm.s32 @!p0 $0x1BF5;
	p2 =	por !p2, p0  }
0x20: {  	[sflag:s8] =	ssyncset.s32 @!p0 $0xFFFFF086;
	s6 =	sadd.s32 @!p0 s3, s7;
	s7 =	simm.s32 @!p0 $0x108  }
0x21: {  	s3 =	sadd.s32 s3, s9;
	s6 =	sadd.s32 @!p0 $0x88, s6;
	s7 =	simm.s32 @p2 $0x1082  }
0x22: {  	[simem:s7], [sflag:s8] =	dma.local @!p0 [hbm:s6], $0xF7A  }
0x23: {  	s9 =	sor.u32 $0xD0000000, s2;
	s6 =	simm.s32 $0x108;
	_ =	swait.ge @!p0 [sflag:s8], $0x0  }
0x24: {  	s3 =	sadd.s32 $0x88, s3;
	s6 =	simm.s32 @!p1 $0x1082;
	[sflag:s4] =	ssyncset.s32 $0xFFFFF086  }
0x25: {  	[simem:s6], [sflag:s4] =	dma.local [hbm:s3], $0xF7A  }
0x26: {  	[smem:$0x3FA0] =	sst s1;
	(tag) =	ssettag s2;
	_ =	strace s9  }
0x27: {  	s1 =	sld [smem:$0x3FB0]  }
0x28: {  	s2 =	sld [smem:$0x3FB1]  }
0x29: {  	s4 =	sld [smem:$0x3FB3]  }
0x2a: {  	p0 =	seq.s32 s5, $0x0;
	s5 =	sld [smem:$0x3FB4]  }
0x2b: {  	s6 =	sld [smem:$0x3FB5]  }
0x2c: {  	s7 =	sld [smem:$0x3FB6]  }
0x2d: {  	s3 =	simm.s32 $0x108;
	s8 =	sld [smem:$0x3FB7]  }
0x2e: {  	s3 =	simm.s32 @!p0 $0x1082;
	s9 =	sld [smem:$0x3FB8]  }
0x2f: {  	lr =	sadd.s32 s0, s3;
	s0 =	sld [smem:$0x3FAF]  }
0x30: {  	s3 =	sld [smem:$0x3FB2]  }
0x31: {  	[smem:$0x3FBB] =	sst s10  }
0x32: {  	s10 =	sld [smem:$0x3FB9];
	_ =	sdelay $0x3  }
0x33: {  	p0 =	seq.s32 s10, $0x1;
	s10 =	sld [smem:$0x3FBB];
	_ =	sdelay $0x3  }
0x34: {  	[smem:$0x3FBB] =	sst s10  }
0x35: {  	s10 =	sld [smem:$0x3FBA];
	_ =	sdelay $0x3  }
0x36: {  	p1 =	seq.s32 s10, $0x1;
	s10 =	sld [smem:$0x3FBB];
	_ =	sdelay $0x3  }
0x37: {  	[smem:$0x3FBB] =	sst s10  }
0x38: {  	s10 =	sld [smem:$0x3FBC]  }
0x39: {  	_ = 	snop;
	(pc) =	sbr.ind lr, $3  }
0x3a: {  	_ = 	snop  }
0x3b: {  	_ = 	snop  }
0x3c: {  	p2 =	seq.s32 s10, $0x1;
	s10 =	sld [smem:$0x3FBB]  }
0x3d: {  	_ =	shalt  }
0x3e: {  	_ =	shalt  }
0x3f: {  	_ =	shalt  }
0x40: {  	_ =	shalt  }
0x41: {  	_ =	shalt  }
0x42: {  	_ =	shalt  }
0x43: {  	_ =	shalt  }
0x44: {  	_ =	shalt  }
0x45: {  	_ =	shalt  }
0x46: {  	_ =	shalt  }
0x47: {  	_ =	shalt  }
0x48: {  	_ =	shalt  }
0x49: {  	_ =	shalt  }
0x4a: {  	_ =	shalt  }
0x4b: {  	_ =	shalt  }
0x4c: {  	_ =	shalt  }
0x4d: {  	_ =	shalt  }
0x4e: {  	_ =	shalt  }
0x4f: {  	_ =	shalt  }
0x50: {  	_ =	shalt  }
0x51: {  	_ =	shalt  }
0x52: {  	_ =	shalt  }
0x53: {  	_ =	shalt  }
0x54: {  	_ =	shalt  }
0x55: {  	_ =	shalt  }
0x56: {  	_ =	shalt  }
0x57: {  	_ =	shalt  }
0x58: {  	_ =	shalt  }
0x59: {  	_ =	shalt  }
0x5a: {  	_ =	shalt  }
0x5b: {  	_ =	shalt  }
0x5c: {  	_ =	shalt  }
0x5d: {  	_ =	shalt  }
0x5e: {  	_ =	shalt  }
0x5f: {  	_ =	shalt  }
0x60: {  	_ =	shalt  }
0x61: {  	_ =	shalt  }
0x62: {  	_ =	shalt  }
0x63: {  	_ =	shalt  }
0x64: {  	_ =	shalt  }
0x65: {  	_ =	shalt  }
0x66: {  	_ =	shalt  }
0x67: {  	_ =	shalt  }
0x68: {  	_ =	shalt  }
0x69: {  	_ =	shalt  }
0x6a: {  	_ =	shalt  }
0x6b: {  	_ =	shalt  }
0x6c: {  	_ =	shalt  }
0x6d: {  	_ =	shalt  }
0x6e: {  	_ =	shalt  }
0x6f: {  	_ =	shalt  }
0x70: {  	_ =	shalt  }
0x71: {  	_ =	shalt  }
0x72: {  	_ =	shalt  }
0x73: {  	_ =	shalt  }
0x74: {  	_ =	shalt  }
0x75: {  	_ =	shalt  }
0x76: {  	_ =	shalt  }
0x77: {  	_ =	shalt  }
0x78: {  	_ =	shalt  }
0x79: {  	_ =	shalt  }
0x7a: {  	_ =	shalt  }
0x7b: {  	_ =	shalt  }
0x7c: {  	_ =	shalt  }
0x7d: {  	_ =	shalt  }
0x7e: {  	_ =	shalt  }
0x7f: {  	_ =	shalt  }
0x80: {  	_ =	shalt  }
0x81: {  	_ =	shalt  }
0x82: {  	_ =	shalt  }
0x83: {  	_ =	shalt  }
0x84: {  	_ =	shalt  }
0x85: {  	_ =	shalt  }
0x86: {  	_ =	shalt  }
0x87: {  	_ =	shalt  }
.Lfunc_end0:
.L_simem_size_0:
called_computation.1_lowered:
.L_overlay_start_0:
0x88: {  	s2 =	sld [smem:$0x3FD9]  }
0x89: {  	s3 =	sld [smem:$0x3FFE];
	_ =	sdelay $0x1  }
0x8a: {  	s1 =	srdreg.scid  }
0x8b: {  	s0 =	sand.u32 $0x1, s1  }
0x8c: {  	s17 =	sshll.u32 s0, $0xA;
	s2 =	sadd.s32 s3, s2  }
0x8d: {  	s2 =	sadd.s32 s2, s17  }
0x8e: {  	[smem:$0x3FC7] =	sst s2  }
0x8f: {  	_ = 	snop  }
0x90: {  	s2 =	sld [smem:$0x3FD0];
	(tm) =	ssettm $0x1  }
0x91: {  	s18 =	sld [smem:$0x3FFB];
	_ =	sdelay $0x3  }
0x92: {  	_ =	strace s18  }
0x93: {  	s3 =	sld [smem:$0x3FFC];
	_ =	sdelay $0x3  }
0x94: {  	_ =	strace s3  }
0x95: {  	s3 =	sld [smem:$0x3FFD];
	_ =	sdelay $0x3  }
0x96: {  	_ =	strace s3  }
0x97: {  	_ =	strace $0x8FFFFFFF  }
0x98: {  	s19 =	sld [smem:$0x3FDB];
	_ =	sdelay $0x1  }
0x99: {  	s4 =	simm.s32 $_scs_section_size  }
0x9a: {  	s5 =	simm.s32 $_size__tile_overlayer_lowered;
	s6 =	simm.s32 $_tile_overlayer_lowered  }
0x9b: {  	s22 =	simm.s32 $0x1BFF;
	s21 =	sshll.u32 s6, $0x1;
	s3 =	sadd.s32 s4, s19  }
0x9c: {  	s7 =	simm.s32 $0x0;
	s20 =	sshll.u32 s5, $0x1;
	s5 =	sadd.s32 s21, s3  }
0x9d: {  	[timem:s7], [sflag:s22] =	dma.local [hbm:s5], s20  }
0x9e: {  	_ =	swait.ge [sflag:s22], s20  }
0x9f: {  	s4 =	ssub.s32 $0x0, s20;
	[sflag:s22] =	ssyncset.done $0x0  }
0xa0: {  	[sflag:s22] =	ssyncadd.s32 s4;
	_ =	sdelay $0x1  }
0xa1: {  	s23 =	simm.s32 $0x1B8B  }
0xa2: {  	_ =	swait.ge [sflag:s23], $0x1  }
0xa3: {  	[sflag:s23] =	ssyncset.done $0x0  }
0xa4: {  	s25 =	simm.s32 $0x1B8E;
	s24 =	sld [smem:$0x3FFE];
	[sflag:s23] =	ssyncadd.s32 $0xFFFFFFFF  }
0xa5: {  	s26 =	simm.s32 $execute0_lowered;
	[smem:$0x3FD2] =	sst s25  }
0xa6: {  	s5 =	sshll.u32 s26, $0x1;
	_ =	strace $0x80000049;
	[dreg:$0x1] =	wrdreg $0xFFFFFFFF  }
0xa7: {  	s28 =	simm.s32 $_size_execute0_lowered;
	s3 =	sadd.s32 s3, s5;
	[dreg:$0x0] =	wrdreg $0x0  }
0xa8: {  	s5 =	sshll.u32 s28, $0x1;
	[dreg:$0x2] =	wrdreg s3  }
0xa9: {  	[dreg:$0x3] =	wrdreg s5  }
0xaa: {  	[dreg:$0x4] =	wrdreg $0xC0  }
0xab: {  	_ =	task [dreg:s7], $0x5FFFF  }
0xac: {  	[dreg:$0x1] =	wrdreg $0xFFFFFFFF  }
0xad: {  	[dreg:$0x0] =	wrdreg $0x60  }
0xae: {  	[dreg:$0x2] =	wrdreg s2  }
0xaf: {  	[dreg:$0x3] =	wrdreg s24  }
0xb0: {  	[dreg:$0x4] =	wrdreg $0x9  }
0xb1: {  	_ =	task.clear_ibuf [dreg:s7], $0x5FFFF;
	_ =	strace $0x90000049  }
0xb2: {  	s29 =	simm.s32 $0x9;
	_ =	strace $0x8000004B  }
0xb3: {  	_ =	swait.ge [sflag:s29], $0x1  }
0xb4: {  	[sflag:s29] =	ssyncadd.s32 $0xFFFFFFFF  }
0xb5: {  	_ =	strace $0x9000004B  }
0xb6: {  	_ =	sfence  }
0xb7: {  	s30 =	sld [smem:$0x0];
	_ =	sdelay $0x2  }
0xb8: {  	s31 =	sshll.u32 s1, $0xD;
	s1 =	sshrl.u32 s1, $0x2  }
0xb9: {  	s3 =	sand.u32 $0x4000, s31;
	s1 =	sadd.s32 s1, s30  }
0xba: {  	s0 =	sor.u32 s3, s0;
	s1 =	sshll.u32 s1, $0x11  }
0xbb: {  	s0 =	sor.u32 s1, s0  }
0xbc: {  	s0 =	sadd.s32 $0x8F2B, s0  }
0xbd: {  	[sflag:s0] =	ssyncadd.remote.s32 $0x1  }
0xbe: {  	_ =	sfence.sel $0xFFFF  }
0xbf: {  	[dreg:$0x0] =	wrdreg $0xFFFFFFFF;
	(pc) =	sbr.abs _section_cstart, $3  }
0xc0: {  	[dreg:$0x1] =	wrdreg $0xFFFFFFFF  }
0xc1: {  	_ =	task.clear_ibuf [dreg:s7], $0x2FFFF;
	_ =	strace $0x9FFFFFFF  }
0xc2: {  	(tm) =	ssettm $0x7FFFFFFF  }
0xc3: {  	_ =	shalt  }
tec
execute0_lowered:
.L_overlay_start_1:
0x0: {  	(tag) =	ssettag $0x1  }
0x1: {  	s1 =	srdreg.scid;
	s2 =	rddreg [dreg:$0x0]  }
0x2: {  	s0 =	stileid.u32;
	s5 =	rddreg [dreg:$0x1];
	s3 =	simm.s32 $0x0  }
0x3: {  	s13 =	simm.s32 $0x18000;
	s14 =	simm.s32 $0x1B000;
	s15 =	simm.s32 $0x1  }
0x4: {  	v0 =	vlaneseq.u32;
	v2 =	vimm.s32 $0x2040600;
	v4 =	vimm.s32 $0x3050701;
	s16 =	simm.s32 $0x2;
	s17 =	simm.s32 $0x8000;
	s18 =	simm.s32 $0x3  }
0x5: {  	v6 =	vimm.s32 $0x4060002;
	v9 =	vimm.f32 $0.0e+00;
	v11 =	vimm.s32 $0x5070103;
	s19 =	simm.s32 $0x10000;
	s4 =	sand.u32 $0x1, s1;
	s30 =	sshll.u32 s0, $0x1  }
0x6: {  	v13 =	vimm.f32 $1.000000000e+00;
	v15 =	vimm.s32 $0x6000204;
	v18 =	vimm.s32 $0x7010305;
	s20 =	simm.s32 $0x0;
	s1 =	rddreg [dreg:$0x2];
	s6 =	sor.u32 s4, s30  }
0x7: {  	v0 =	vmul.u32 $0x6, v0;
	[smem:$0x7FF] =	sst s3;
	v2 =	vunpack.c.0.s8.s32 v2;
	v4 =	vunpack.c.0.s8.s32 v4;
	s8 =	ssub.s32 $0x2, s4;
	s7 =	smul.u32 $0x60000, s6  }
0x8: {  	v6 =	vunpack.c.0.s8.s32 v6;
	v11 =	vunpack.c.0.s8.s32 v11;
	v15 =	vunpack.c.0.s8.s32 v15;
	_ =	strace $0x8000004A;
	s6 =	sshll.u32 s6, $0xE;
	s9 =	sshrl.u32 s8, $0x1  }
0x9: {  	v18 =	vunpack.c.0.s8.s32 v18;
	v1 =	vadd.s32 $0x60, v0;
	v3 =	vor.u32 $0x1, v0;
	s11 =	sadd.s32 s6, s5;
	s12 =	ssub.s32 s8, s9;
	s31 =	sshrl.u32 s7, $0x3  }
0xa: {  	v5 =	vadd.s32 $0x2, v0;
	v7 =	vadd.s32 $0x61, v0;
	v8 =	vadd.s32 $0x62, v0;
	s6 =	sor.u32 $0x6000, s7;
	s7 =	sor.u32 $0x9000, s7;
	s8 =	sadd.s32 $0x1800, s11  }
0xb: {  	v10 =	vadd.s32 $0x3, v0;
	v12 =	vadd.s32 $0x63, v0;
	v14 =	vadd.s32 $0x4, v0;
	s9 =	sadd.s32 $0x800, s11;
	s10 =	sadd.s32 $0x2800, s11;
	s4 =	sadd.s32 s2, s31  }
0xc: {  	v16 =	vadd.s32 $0x64, v0;
	v17 =	vadd.s32 $0x5, v0;
	v19 =	vadd.s32 $0x65, v0;
	s11 =	sadd.s32 $0x3800, s11;
	s12 =	smax.u32 s12, $0x1;
	s5 =	sadd.s32 $0x600, s4  }
.LBB2_1:
0xd: {  	[tilespmem:s13], [sflag:$0x1] =	stream.linear.gather [hbm4b:s4+s3], $0x3000, $0x38;
	[tilespmem:$0x1E000] =	vst v63  }
0xe: {  	s21 =	simm.s32 $0x0  }
0xf: {  	v20 =	vimm.f32 $0.0e+00;
	v21 =	vimm.f32 $0.0e+00;
	v22 =	vimm.f32 $0.0e+00;
	[tilespmem:s14], [sflag:$0x2] =	stream.linear.gather [hbm4b:s5+s3], $0x3000, $0x38;
	[tilespmem:$0x1E000] =	vst v63  }
.LBB2_2:
0x10: {  	s23 =	simm.s32 $0x0  }
0x11: {  	v23 =	vadd.s32 s23, v8;
	v24 =	vadd.s32 s23, v5  }
0x12: {  	v25 =	vadd.s32 s23, v0;
	v26 =	vadd.s32 s23, v3;
	v23 =	vand.u32 $0x7FF8, v23  }
0x13: {  	v27 =	vadd.s32 s23, v1;
	v24 =	vand.u32 $0x7FF8, v24;
	v23 =	vor.u32 v6, v23  }
0x14: {  	v25 =	vand.u32 $0x7FF8, v25;
	v26 =	vand.u32 $0x7FF8, v26;
	v24 =	vor.u32 v6, v24  }
0x15: {  	_ =	swait.ge [sflag:s15], $0x3000;
	v25 =	vor.u32 v2, v25;
	v28 =	vor.u32 v4, v26;
	v26 =	vand.u32 $0x7FF8, v27  }
0x16: {  	[sflag:s15] =	ssyncset.done $0x0;
	v33 =	vor.u32 v2, v26;
	v26 =	vadd.s32 s23, v7  }
0x17: {  	[sflag:s15] =	ssyncadd.s32 $0xFFFFD000;
	v26 =	vand.u32 $0x7FF8, v26  }
0x18: {  	s22 =	simm.s32 $0xC0;
	v30 =	vor.u32 v4, v26;
	v23 =	vld.idx.msk [tilespmem:v23+s13+$0x0], $0xffff  }
0x19: {  	v27 =	vadd.s32 s22, v8;
	v24 =	vld.idx.msk [tilespmem:v24+s13+$0x0], $0xffff  }
0x1a: {  	v29 =	vadd.s32 s22, v5;
	v27 =	vand.u32 $0x7FF8, v27;
	v26 =	vld.idx.msk [tilespmem:v25+s13+$0x0], $0xffff  }
0x1b: {  	v31 =	vadd.s32 s22, v0;
	v29 =	vand.u32 $0x7FF8, v29;
	v25 =	vor.u32 v6, v27;
	v27 =	vld.idx.msk [tilespmem:v28+s13+$0x0], $0xffff  }
0x1c: {  	v32 =	vand.u32 $0x7FF8, v31;
	v31 =	vadd.s32 s22, v3;
	v29 =	vor.u32 v6, v29;
	s23 =	simm.s32 $0x180;
	v28 =	vld.idx.msk [tilespmem:v33+s13+$0x0], $0xffff  }
.LBB2_3:
0x1d: {  	p0 =	sne.s32 s23, $0x2F40;
	v33 =	vadd.s32 s22, v1;
	v32 =	vor.u32 v2, v32;
	v31 =	vand.u32 $0x7FF8, v31;
	v34 =	vld.idx.msk [tilespmem:v30+s13+$0x0], $0xffff  }
0x1e: {  	v35 =	vmovc v23;
	v31 =	vor.u32 v4, v31;
	v30 =	vand.u32 $0x7FF8, v33;
	v33 =	vadd.s32 s22, v7;
	s22 =	smov.u32 s23  }
0x1f: {  	v36 =	vadd.s32 s23, v8;
	v37 =	vor.u32 v2, v30;
	v23 =	vand.u32 $0x7FF8, v33  }
.Ltmp0:
0x20: {  	v33 =	vadd.s32 s23, v5;
	v22 =	vadd.f32 v26, v22;
	v30 =	vor.u32 v4, v23;
	v23 =	vld.idx.msk [tilespmem:v25+s13+$0x0], $0xffff;
	(pc) =	sbr.rel @p0 .LBB2_3-.Ltmp0, $4  }
0x21: {  	v20 =	vadd.f32 v24, v20;
	v25 =	vand.u32 $0x7FF8, v36;
	v21 =	vadd.f32 v27, v21;
	v24 =	vld.idx.msk [tilespmem:v29+s13+$0x0], $0xffff  }
0x22: {  	v29 =	vand.u32 $0x7FF8, v33;
	v25 =	vor.u32 v6, v25;
	v22 =	vadd.f32 v28, v22;
	v26 =	vld.idx.msk [tilespmem:v32+s13+$0x0], $0xffff  }
0x23: {  	v20 =	vadd.f32 v35, v20;
	v28 =	vadd.s32 s23, v0;
	v21 =	vadd.f32 v34, v21;
	v27 =	vld.idx.msk [tilespmem:v31+s13+$0x0], $0xffff  }
0x24: {  	s23 =	sadd.s32 $0xC0, s23;
	v32 =	vand.u32 $0x7FF8, v28;
	v29 =	vor.u32 v6, v29;
	v31 =	vadd.s32 s22, v3;
	v28 =	vld.idx.msk [tilespmem:v37+s13+$0x0], $0xffff  }
0x25: {  	_ = 	snop  }
0x26: {  	v31 =	vand.u32 $0x7FF8, v31  }
0x27: {  	v34 =	vadd.s32 s22, v7;
	v31 =	vor.u32 v4, v31  }
0x28: {  	v32 =	vor.u32 v2, v32;
	v33 =	vadd.s32 s22, v1;
	v34 =	vand.u32 $0x7FF8, v34  }
0x29: {  	v30 =	vld.idx.msk [tilespmem:v30+s13+$0x0], $0xffff;
	v33 =	vand.u32 $0x7FF8, v33;
	v34 =	vor.u32 v4, v34  }
0x2a: {  	v33 =	vor.u32 v2, v33  }
0x2b: {  	p0 =	seq.s32 s21, $0xF;
	s23 =	simm.s32 $0x0;
	v20 =	vadd.f32 v24, v20;
	v24 =	vld.idx.msk [tilespmem:v29+s13+$0x0], $0xffff;
	v22 =	vadd.f32 v26, v22  }
0x2c: {  	s22 =	smul.u32 @!p0 $0x6000, s21;
	v61 =	vadd.s32 s23, v1;
	v21 =	vadd.f32 v27, v21;
	v26 =	vld.idx.msk [tilespmem:v31+s13+$0x0], $0xffff  }
0x2d: {  	v20 =	vadd.f32 v23, v20;
	v23 =	vadd.s32 s23, v8;
	v22 =	vadd.f32 v28, v22;
	v32 =	vld.idx.msk [tilespmem:v32+s13+$0x0], $0xffff  }
0x2e: {  	s22 =	sadd.s32 @!p0 s22, s6;
	v28 =	vadd.s32 s23, v5;
	v23 =	vand.u32 $0x7FF8, v23;
	v21 =	vadd.f32 v30, v21;
	v29 =	vld.idx.msk [tilespmem:v34+s13+$0x0], $0xffff  }
0x2f: {  	s22 =	sshrl.u32 @!p0 s22, $0x3;
	v28 =	vand.u32 $0x7FF8, v28;
	v30 =	vor.u32 v6, v23;
	v23 =	vadd.s32 s23, v0;
	v27 =	vld.idx.msk [tilespmem:v33+s13+$0x0], $0xffff  }
0x30: {  	s24 =	simm.s32 @!p0 $0x0;
	s25 =	simm.s32 @!p0 $0x18000;
	s22 =	sadd.s32 @!p0 s2, s22;
	v23 =	vand.u32 $0x7FF8, v23;
	v31 =	vadd.s32 s23, v3;
	v28 =	vor.u32 v6, v28  }
0x31: {  	v25 =	vld.idx.msk [tilespmem:v25+s13+$0x0], $0xffff;
	[tilespmem:s25], [sflag:$0x1] =	stream.linear.gather @!p0 [hbm4b:s22+s24], $0x3000, $0x38;
	v62 =	vor.u32 v2, v23;
	v23 =	vand.u32 $0x7FF8, v31;
	v21 =	vadd.f32 v26, v21  }
0x32: {  	_ =	swait.ge [sflag:s16], $0x3000;
	v22 =	vadd.f32 v32, v22;
	v26 =	vor.u32 v4, v23;
	v23 =	vand.u32 $0x7FF8, v61  }
0x33: {  	[sflag:s16] =	ssyncset.done $0x0;
	v63 =	vor.u32 v2, v23;
	v23 =	vadd.f32 v29, v21;
	v21 =	vadd.s32 s23, v7  }
0x34: {  	v24 =	vadd.f32 v24, v20;
	[sflag:s16] =	ssyncadd.s32 $0xFFFFD000;
	v22 =	vadd.f32 v27, v22;
	v27 =	vand.u32 $0x7FF8, v21  }
0x35: {  	s22 =	simm.s32 $0xC0;
	v20 =	vld.idx.msk [tilespmem:v30+s14+$0x0], $0xffff;
	v29 =	vor.u32 v4, v27  }
0x36: {  	v24 =	vadd.f32 v25, v24;
	v25 =	vadd.s32 s22, v8;
	v21 =	vld.idx.msk [tilespmem:v28+s14+$0x0], $0xffff  }
0x37: {  	v28 =	vadd.s32 s22, v5;
	v27 =	vand.u32 $0x7FF8, v25;
	v25 =	vld.idx.msk [tilespmem:v62+s14+$0x0], $0xffff  }
0x38: {  	v30 =	vadd.s32 s22, v0;
	v28 =	vand.u32 $0x7FF8, v28;
	v27 =	vor.u32 v6, v27;
	v26 =	vld.idx.msk [tilespmem:v26+s14+$0x0], $0xffff  }
0x39: {  	v32 =	vadd.s32 s22, v3;
	v31 =	vand.u32 $0x7FF8, v30;
	s23 =	simm.s32 $0x180;
	v30 =	vor.u32 v6, v28;
	v28 =	vld.idx.msk [tilespmem:v63+s14+$0x0], $0xffff  }
.LBB2_5:
0x3a: {  	p1 =	sne.s32 s23, $0x2F40;
	v33 =	vadd.s32 s22, v1;
	v31 =	vor.u32 v2, v31;
	v32 =	vand.u32 $0x7FF8, v32;
	v34 =	vld.idx.msk [tilespmem:v29+s14+$0x0], $0xffff  }
0x3b: {  	v35 =	vmovc v20;
	v32 =	vor.u32 v4, v32;
	v29 =	vand.u32 $0x7FF8, v33;
	v33 =	vadd.s32 s22, v7;
	s22 =	smov.u32 s23  }
0x3c: {  	v36 =	vadd.s32 s23, v8;
	v37 =	vor.u32 v2, v29;
	v20 =	vand.u32 $0x7FF8, v33  }
.Ltmp1:
0x3d: {  	v33 =	vadd.s32 s23, v5;
	v22 =	vadd.f32 v25, v22;
	v29 =	vor.u32 v4, v20;
	v20 =	vld.idx.msk [tilespmem:v27+s14+$0x0], $0xffff;
	(pc) =	sbr.rel @p1 .LBB2_5-.Ltmp1, $4  }
0x3e: {  	v24 =	vadd.f32 v21, v24;
	v25 =	vand.u32 $0x7FF8, v36;
	v23 =	vadd.f32 v26, v23;
	v21 =	vld.idx.msk [tilespmem:v30+s14+$0x0], $0xffff  }
0x3f: {  	v27 =	vor.u32 v6, v25;
	v30 =	vand.u32 $0x7FF8, v33;
	v22 =	vadd.f32 v28, v22;
	v25 =	vld.idx.msk [tilespmem:v31+s14+$0x0], $0xffff  }
0x40: {  	v24 =	vadd.f32 v35, v24;
	v28 =	vadd.s32 s23, v0;
	v23 =	vadd.f32 v34, v23;
	v26 =	vld.idx.msk [tilespmem:v32+s14+$0x0], $0xffff  }
0x41: {  	s23 =	sadd.s32 $0xC0, s23;
	v31 =	vand.u32 $0x7FF8, v28;
	v30 =	vor.u32 v6, v30;
	v32 =	vadd.s32 s22, v3;
	v28 =	vld.idx.msk [tilespmem:v37+s14+$0x0], $0xffff  }
0x42: {  	_ =	sdelay $0x1  }
0x43: {  	v33 =	vadd.s32 s22, v1;
	v31 =	vor.u32 v2, v31;
	v32 =	vand.u32 $0x7FF8, v32  }
0x44: {  	v34 =	vadd.s32 s22, v7;
	v32 =	vor.u32 v4, v32;
	v33 =	vand.u32 $0x7FF8, v33  }
0x45: {  	v29 =	vld.idx.msk [tilespmem:v29+s14+$0x0], $0xffff;
	v34 =	vand.u32 $0x7FF8, v34;
	v33 =	vor.u32 v2, v33  }
0x46: {  	v27 =	vld.idx.msk [tilespmem:v27+s14+$0x0], $0xffff;
	v34 =	vor.u32 v4, v34  }
0x47: {  	v30 =	vld.idx.msk [tilespmem:v30+s14+$0x0], $0xffff  }
0x48: {  	v31 =	vld.idx.msk [tilespmem:v31+s14+$0x0], $0xffff  }
0x49: {  	v21 =	vadd.f32 v21, v24;
	v61 =	vld.idx.msk [tilespmem:v32+s14+$0x0], $0xffff  }
0x4a: {  	v22 =	vadd.f32 v25, v22;
	v23 =	vadd.f32 v26, v23;
	v62 =	vld.idx.msk [tilespmem:v33+s14+$0x0], $0xffff  }
0x4b: {  	v20 =	vadd.f32 v20, v21;
	v63 =	vld.idx.msk [tilespmem:v34+s14+$0x0], $0xffff  }
.Ltmp2:
0x4c: {  	v22 =	vadd.f32 v28, v22;
	v23 =	vadd.f32 v29, v23;
	(pc) =	sbr.rel @p0 .LBB2_8-.Ltmp2, $4  }
0x4d: {  	v20 =	vadd.f32 v30, v20  }
0x4e: {  	v21 =	vadd.f32 v31, v22;
	v23 =	vadd.f32 v61, v23  }
0x4f: {  	v20 =	vadd.f32 v27, v20  }
0x50: {  	v22 =	vadd.f32 v62, v21;
	v21 =	vadd.f32 v63, v23  }
0x51: {  	s22 =	smul.u32 $0x6000, s21  }
.Ltmp3:
0x52: {  	_ = 	snop;
	(pc) =	sbr.rel .LBB2_2-.Ltmp3, $4  }
0x53: {  	s22 =	sadd.s32 s22, s7  }
0x54: {  	s22 =	sshrl.u32 s22, $0x3  }
0x55: {  	s21 =	sadd.s32 $0x1, s21;
	s22 =	sadd.s32 s2, s22  }
0x56: {  	[tilespmem:s14], [sflag:$0x2] =	stream.linear.gather [hbm4b:s22+s3], $0x3000, $0x38;
	[tilespmem:$0x1E000] =	vst v63  }
.LBB2_8:
0x57: {  	_ = 	snop  }
0x58: {  	(xrf2) =	vadd.scan.msk.f32 $0xffff, v22  }
0x59: {  	(xrf2) =	vadd.scan.msk.f32 $0xffff, v21  }
0x5a: {  	(xrf2) =	vadd.scan.msk.f32 $0xffff, v20;
	_ =	sdelay $0x7  }
0x5b: {  	v20, _, _ =	vpop (xrf2)  }
0x5c: {  	v21, _, _ =	vpop (xrf2);
	(v2sf) =	vpush v20, $0xF  }
0x5d: {  	(v2sf) =	vpush v21, $0xF;
	v20, _, _ =	vpop (xrf2)  }
0x5e: {  	(v2sf) =	vpush v20, $0xF;
	_ =	sdelay $0xc  }
0x5f: {  	s21 =	spop (v2sf)  }
0x60: {  	s22 =	spop (v2sf);
	s23 =	smul.f32 $1.525878910e-05, s21  }
0x61: {  	s21 =	simm.s32 $0x0;
	s22 =	smul.f32 $1.525878910e-05, s22;
	s24 =	spop (v2sf)  }
0x62: {  	[tilespmem:s13], [sflag:$0x1] =	stream.linear.gather [hbm4b:s4+s21], $0x3000, $0x38;
	[tilespmem:$0x1E000] =	vst v63  }
0x63: {  	s24 =	smul.f32 $1.525878910e-05, s24  }
0x64: {  	v23 =	vimm.f32 $0.0e+00;
	[tilespmem:s14], [sflag:$0x2] =	stream.linear.gather [hbm4b:s5+s21], $0x3000, $0x38;
	[tilespmem:$0x1E000] =	vst v63  }
0x65: {  	v20 =	vmov s23;
	v21 =	vmov s22;
	s22 =	simm.s32 $0x0;
	v22 =	vmov s24  }
.LBB2_9:
0x66: {  	v24 =	vadd.s32 s21, v1  }
0x67: {  	v25 =	vadd.s32 s21, v0;
	v24 =	vand.u32 $0x7FF8, v24  }
0x68: {  	v26 =	vadd.s32 s21, v3;
	v25 =	vand.u32 $0x7FF8, v25;
	v24 =	vor.u32 v2, v24  }
0x69: {  	v27 =	vadd.s32 s21, v7;
	v26 =	vand.u32 $0x7FF8, v26;
	v25 =	vor.u32 v2, v25  }
0x6a: {  	_ =	swait.ge [sflag:s15], $0x3000;
	v28 =	vadd.s32 s21, v5;
	v27 =	vand.u32 $0x7FF8, v27;
	v29 =	vor.u32 v4, v26  }
0x6b: {  	[sflag:s15] =	ssyncset.done $0x0;
	v28 =	vand.u32 $0x7FF8, v28;
	v26 =	vadd.s32 s21, v8;
	v27 =	vor.u32 v4, v27  }
0x6c: {  	[sflag:s15] =	ssyncadd.s32 $0xFFFFD000;
	v28 =	vor.u32 v6, v28;
	v26 =	vand.u32 $0x7FF8, v26  }
0x6d: {  	v31 =	vor.u32 v6, v26;
	v24 =	vld.idx.msk [tilespmem:v24+s13+$0x0], $0xffff  }
0x6e: {  	s23 =	simm.s32 $0xC0;
	v26 =	vld.idx.msk [tilespmem:v25+s13+$0x0], $0xffff  }
0x6f: {  	v32 =	vadd.s32 s23, v8;
	v33 =	vadd.s32 s23, v5;
	v34 =	vadd.s32 s23, v0;
	v29 =	vld.idx.msk [tilespmem:v29+s13+$0x0], $0xffff  }
0x70: {  	v36 =	vadd.s32 s23, v7;
	v37 =	vadd.s32 s23, v3;
	v33 =	vand.u32 $0x7FF8, v33;
	v30 =	vld.idx.msk [tilespmem:v27+s13+$0x0], $0xffff  }
0x71: {  	v35 =	vand.u32 $0x7FF8, v34;
	v25 =	vadd.s32 s23, v1;
	v27 =	vand.u32 $0x7FF8, v32;
	v32 =	vld.idx.msk [tilespmem:v28+s13+$0x0], $0xffff  }
0x72: {  	v34 =	vand.u32 $0x7FF8, v37;
	v28 =	vand.u32 $0x7FF8, v36;
	v38 =	vand.u32 $0x7FF8, v25;
	v31 =	vld.idx.msk [tilespmem:v31+s13+$0x0], $0xffff  }
0x73: {  	s23 =	simm.s32 $0x180;
	v25 =	vor.u32 v6, v33;
	v28 =	vor.u32 v4, v28;
	v33 =	vor.u32 v2, v38  }
.LBB2_10:
0x74: {  	p0 =	sne.s32 s23, $0x2F40;
	v35 =	vor.u32 v2, v35;
	v26 =	vsub.f32 v26, v20;
	v29 =	vsub.f32 v29, v21  }
0x75: {  	v34 =	vor.u32 v4, v34;
	v24 =	vsub.f32 v24, v20;
	v30 =	vsub.f32 v30, v21  }
0x76: {  	v32 =	vsub.f32 v32, v22;
	v26 =	vmul.f32 v26, v26;
	v29 =	vmul.f32 v29, v29  }
0x77: {  	v31 =	vsub.f32 v31, v22;
	v36 =	vmul.f32 v24, v24;
	v30 =	vmul.f32 v30, v30  }
0x78: {  	v32 =	vmul.f32 v32, v32;
	v24 =	vld.idx.msk [tilespmem:v33+s13+$0x0], $0xffff;
	v33 =	vor.u32 v6, v27;
	v27 =	vadd.f32 v29, v26  }
0x79: {  	v37 =	vadd.s32 s23, v8;
	v31 =	vmul.f32 v31, v31;
	v26 =	vld.idx.msk [tilespmem:v35+s13+$0x0], $0xffff;
	v35 =	vadd.f32 v30, v36  }
0x7a: {  	v38 =	vadd.s32 s23, v5;
	v36 =	vadd.s32 s23, v1;
	v29 =	vld.idx.msk [tilespmem:v34+s13+$0x0], $0xffff;
	v34 =	vadd.f32 v32, v27  }
.Ltmp4:
0x7b: {  	v39 =	vadd.s32 s23, v0;
	v40 =	vadd.s32 s23, v7;
	v30 =	vld.idx.msk [tilespmem:v28+s13+$0x0], $0xffff;
	v28 =	vadd.f32 v31, v35;
	(pc) =	sbr.rel @p0 .LBB2_10-.Ltmp4, $4  }
0x7c: {  	v41 =	vadd.s32 s23, v3;
	v27 =	vand.u32 $0x7FF8, v37;
	v32 =	vld.idx.msk [tilespmem:v25+s13+$0x0], $0xffff;
	v23 =	vmax.f32 v23, v34  }
0x7d: {  	v36 =	vand.u32 $0x7FF8, v36;
	v25 =	vand.u32 $0x7FF8, v38;
	v31 =	vld.idx.msk [tilespmem:v33+s13+$0x0], $0xffff;
	v23 =	vmax.f32 v23, v28  }
0x7e: {  	v35 =	vand.u32 $0x7FF8, v39;
	v34 =	vand.u32 $0x7FF8, v41;
	v28 =	vand.u32 $0x7FF8, v40  }
0x7f: {  	s23 =	sadd.s32 $0xC0, s23;
	v25 =	vor.u32 v6, v25;
	v33 =	vor.u32 v2, v36;
	v28 =	vor.u32 v4, v28  }
0x80: {  	v35 =	vor.u32 v2, v35  }
0x81: {  	v34 =	vor.u32 v4, v34;
	_ =	sdelay $0x2  }
0x82: {  	v26 =	vsub.f32 v26, v20;
	v29 =	vsub.f32 v29, v21;
	v33 =	vld.idx.msk [tilespmem:v33+s13+$0x0], $0xffff;
	v27 =	vor.u32 v6, v27  }
0x83: {  	v24 =	vsub.f32 v24, v20;
	v30 =	vsub.f32 v30, v21;
	v35 =	vld.idx.msk [tilespmem:v35+s13+$0x0], $0xffff  }
0x84: {  	v32 =	vsub.f32 v32, v22;
	v26 =	vmul.f32 v26, v26;
	v29 =	vmul.f32 v29, v29;
	v34 =	vld.idx.msk [tilespmem:v34+s13+$0x0], $0xffff  }
0x85: {  	v28 =	vld.idx.msk [tilespmem:v28+s13+$0x0], $0xffff;
	v24 =	vmul.f32 v24, v24  }
0x86: {  	v25 =	vld.idx.msk [tilespmem:v25+s13+$0x0], $0xffff;
	v30 =	vmul.f32 v30, v30;
	v26 =	vadd.f32 v29, v26;
	v29 =	vmul.f32 v32, v32  }
0x87: {  	v31 =	vsub.f32 v31, v22;
	v27 =	vld.idx.msk [tilespmem:v27+s13+$0x0], $0xffff  }
0x88: {  	v24 =	vadd.f32 v30, v24;
	v26 =	vadd.f32 v29, v26  }
0x89: {  	v29 =	vsub.f32 v35, v20;
	v30 =	vsub.f32 v34, v21  }
0x8a: {  	v31 =	vmul.f32 v31, v31;
	v59 =	vsub.f32 v33, v20;
	v28 =	vsub.f32 v28, v21  }
0x8b: {  	v25 =	vsub.f32 v25, v22;
	v29 =	vmul.f32 v29, v29;
	v30 =	vmul.f32 v30, v30  }
0x8c: {  	p0 =	seq.s32 s22, $0xF;
	v32 =	vmul.f32 v59, v59;
	v28 =	vmul.f32 v28, v28;
	v27 =	vsub.f32 v27, v22  }
0x8d: {  	s23 =	smul.u32 @!p0 $0x6000, s22;
	v24 =	vadd.f32 v31, v24;
	v25 =	vmul.f32 v25, v25;
	v29 =	vadd.f32 v30, v29  }
0x8e: {  	s24 =	simm.s32 $0x0;
	v23 =	vmax.f32 v23, v26;
	v26 =	vadd.f32 v28, v32;
	v27 =	vmul.f32 v27, v27  }
0x8f: {  	s23 =	sadd.s32 @!p0 s23, s6;
	v23 =	vmax.f32 v23, v24;
	v24 =	vadd.f32 v25, v29;
	v25 =	vadd.s32 s24, v1  }
0x90: {  	s23 =	sshrl.u32 @!p0 s23, $0x3;
	v26 =	vadd.f32 v27, v26;
	v27 =	vadd.s32 s24, v0;
	v25 =	vand.u32 $0x7FF8, v25  }
0x91: {  	s25 =	simm.s32 @!p0 $0x0;
	s26 =	simm.s32 @!p0 $0x18000;
	s23 =	sadd.s32 @!p0 s2, s23;
	v28 =	vadd.s32 s24, v3;
	v27 =	vand.u32 $0x7FF8, v27;
	v25 =	vor.u32 v2, v25  }
0x92: {  	[tilespmem:s26], [sflag:$0x1] =	stream.linear.gather @!p0 [hbm4b:s23+s25], $0x3000, $0x38;
	v28 =	vand.u32 $0x7FF8, v28;
	v29 =	vadd.s32 s24, v7;
	v27 =	vor.u32 v2, v27;
	[tilespmem:$0x1E000] =	vst v63  }
0x93: {  	_ =	swait.ge [sflag:s16], $0x3000;
	v28 =	vor.u32 v4, v28;
	v30 =	vadd.s32 s24, v5;
	v29 =	vand.u32 $0x7FF8, v29  }
0x94: {  	v31 =	vadd.s32 s24, v8;
	[sflag:s16] =	ssyncset.done $0x0;
	v30 =	vand.u32 $0x7FF8, v30;
	v29 =	vor.u32 v4, v29  }
0x95: {  	v31 =	vand.u32 $0x7FF8, v31;
	[sflag:s16] =	ssyncadd.s32 $0xFFFFD000;
	v30 =	vor.u32 v6, v30  }
0x96: {  	v23 =	vmax.f32 v23, v24;
	v24 =	vld.idx.msk [tilespmem:v25+s14+$0x0], $0xffff;
	v25 =	vor.u32 v6, v31  }
0x97: {  	s31 =	simm.s32 $0xC0;
	v23 =	vmax.f32 v23, v26;
	v26 =	vld.idx.msk [tilespmem:v27+s14+$0x0], $0xffff  }
0x98: {  	v60 =	vadd.s32 s31, v8;
	v61 =	vadd.s32 s31, v1;
	v62 =	vadd.s32 s31, v5;
	v27 =	vld.idx.msk [tilespmem:v28+s14+$0x0], $0xffff  }
0x99: {  	v63 =	vadd.s32 s31, v0;
	v36 =	vadd.s32 s31, v7;
	v33 =	vand.u32 $0x7FF8, v61;
	v31 =	vld.idx.msk [tilespmem:v29+s14+$0x0], $0xffff  }
0x9a: {  	v37 =	vadd.s32 s31, v3;
	v38 =	vand.u32 $0x7FF8, v62;
	v33 =	vor.u32 v2, v33;
	v28 =	vld.idx.msk [tilespmem:v30+s14+$0x0], $0xffff  }
0x9b: {  	v35 =	vand.u32 $0x7FF8, v63;
	v34 =	vand.u32 $0x7FF8, v37;
	v30 =	vand.u32 $0x7FF8, v36;
	v32 =	vld.idx.msk [tilespmem:v25+s14+$0x0], $0xffff  }
0x9c: {  	s23 =	simm.s32 $0x180;
	v30 =	vor.u32 v4, v30;
	v29 =	vand.u32 $0x7FF8, v60;
	v25 =	vor.u32 v6, v38  }
.LBB2_12:
0x9d: {  	p1 =	sne.s32 s23, $0x2F40;
	v35 =	vor.u32 v2, v35;
	v26 =	vsub.f32 v26, v20;
	v27 =	vsub.f32 v27, v21  }
0x9e: {  	v34 =	vor.u32 v4, v34;
	v24 =	vsub.f32 v24, v20;
	v31 =	vsub.f32 v31, v21  }
0x9f: {  	v28 =	vsub.f32 v28, v22;
	v26 =	vmul.f32 v26, v26;
	v27 =	vmul.f32 v27, v27  }
0xa0: {  	v32 =	vsub.f32 v32, v22;
	v36 =	vmul.f32 v24, v24;
	v31 =	vmul.f32 v31, v31  }
0xa1: {  	v28 =	vmul.f32 v28, v28;
	v24 =	vld.idx.msk [tilespmem:v33+s14+$0x0], $0xffff;
	v33 =	vor.u32 v6, v29;
	v29 =	vadd.f32 v27, v26  }
0xa2: {  	v37 =	vadd.s32 s23, v8;
	v32 =	vmul.f32 v32, v32;
	v26 =	vld.idx.msk [tilespmem:v35+s14+$0x0], $0xffff;
	v35 =	vadd.f32 v31, v36  }
0xa3: {  	v38 =	vadd.s32 s23, v5;
	v36 =	vadd.s32 s23, v1;
	v27 =	vld.idx.msk [tilespmem:v34+s14+$0x0], $0xffff;
	v34 =	vadd.f32 v28, v29  }
.Ltmp5:
0xa4: {  	v39 =	vadd.s32 s23, v0;
	v40 =	vadd.s32 s23, v7;
	v31 =	vld.idx.msk [tilespmem:v30+s14+$0x0], $0xffff;
	v30 =	vadd.f32 v32, v35;
	(pc) =	sbr.rel @p1 .LBB2_12-.Ltmp5, $4  }
0xa5: {  	v41 =	vadd.s32 s23, v3;
	v29 =	vand.u32 $0x7FF8, v37;
	v28 =	vld.idx.msk [tilespmem:v25+s14+$0x0], $0xffff;
	v23 =	vmax.f32 v23, v34  }
0xa6: {  	v36 =	vand.u32 $0x7FF8, v36;
	v25 =	vand.u32 $0x7FF8, v38;
	v32 =	vld.idx.msk [tilespmem:v33+s14+$0x0], $0xffff;
	v23 =	vmax.f32 v23, v30  }
0xa7: {  	v35 =	vand.u32 $0x7FF8, v39;
	v34 =	vand.u32 $0x7FF8, v41;
	v30 =	vand.u32 $0x7FF8, v40  }
0xa8: {  	s23 =	sadd.s32 $0xC0, s23;
	v25 =	vor.u32 v6, v25;
	v33 =	vor.u32 v2, v36;
	v30 =	vor.u32 v4, v30  }
0xa9: {  	v35 =	vor.u32 v2, v35  }
0xaa: {  	v34 =	vor.u32 v4, v34;
	_ =	sdelay $0x2  }
0xab: {  	v33 =	vld.idx.msk [tilespmem:v33+s14+$0x0], $0xffff;
	v29 =	vor.u32 v6, v29  }
0xac: {  	v26 =	vsub.f32 v26, v20;
	v27 =	vsub.f32 v27, v21;
	v35 =	vld.idx.msk [tilespmem:v35+s14+$0x0], $0xffff  }
0xad: {  	v24 =	vsub.f32 v24, v20;
	v31 =	vsub.f32 v31, v21;
	v34 =	vld.idx.msk [tilespmem:v34+s14+$0x0], $0xffff  }
0xae: {  	v30 =	vld.idx.msk [tilespmem:v30+s14+$0x0], $0xffff;
	v26 =	vmul.f32 v26, v26;
	v27 =	vmul.f32 v27, v27  }
0xaf: {  	v25 =	vld.idx.msk [tilespmem:v25+s14+$0x0], $0xffff;
	v24 =	vmul.f32 v24, v24;
	v31 =	vmul.f32 v31, v31  }
0xb0: {  	v28 =	vsub.f32 v28, v22;
	v32 =	vsub.f32 v32, v22;
	v29 =	vld.idx.msk [tilespmem:v29+s14+$0x0], $0xffff  }
0xb1: {  	v26 =	vadd.f32 v27, v26;
	v24 =	vadd.f32 v31, v24  }
0xb2: {  	v58 =	vmul.f32 v28, v28;
	v59 =	vsub.f32 v35, v20;
	v60 =	vsub.f32 v34, v21  }
0xb3: {  	v32 =	vmul.f32 v32, v32;
	v33 =	vsub.f32 v33, v20;
	v30 =	vsub.f32 v30, v21  }
0xb4: {  	v25 =	vsub.f32 v25, v22;
	v28 =	vmul.f32 v59, v59;
	v31 =	vmul.f32 v60, v60  }
0xb5: {  	v33 =	vmul.f32 v33, v33;
	v30 =	vmul.f32 v30, v30;
	v29 =	vsub.f32 v29, v22  }
0xb6: {  	v26 =	vadd.f32 v58, v26;
	v25 =	vmul.f32 v25, v25;
	v61 =	vadd.f32 v31, v28  }
.Ltmp6:
0xb7: {  	v24 =	vadd.f32 v32, v24;
	v62 =	vadd.f32 v30, v33;
	v29 =	vmul.f32 v29, v29;
	(pc) =	sbr.rel @p0 .LBB2_15-.Ltmp6, $4  }
0xb8: {  	v23 =	vmax.f32 v23, v26;
	v25 =	vadd.f32 v25, v61  }
0xb9: {  	v23 =	vmax.f32 v23, v24;
	v63 =	vadd.f32 v29, v62  }
0xba: {  	v23 =	vmax.f32 v23, v25  }
0xbb: {  	v23 =	vmax.f32 v23, v63  }
0xbc: {  	s23 =	smul.u32 $0x6000, s22  }
.Ltmp7:
0xbd: {  	_ = 	snop;
	(pc) =	sbr.rel .LBB2_9-.Ltmp7, $4  }
0xbe: {  	s23 =	sadd.s32 s23, s7  }
0xbf: {  	s23 =	sshrl.u32 s23, $0x3  }
0xc0: {  	s22 =	sadd.s32 $0x1, s22;
	s23 =	sadd.s32 s2, s23  }
0xc1: {  	[tilespmem:s14], [sflag:$0x2] =	stream.linear.gather [hbm4b:s23+s3], $0x3000, $0x38;
	[tilespmem:$0x1E000] =	vst v63  }
.LBB2_15:
0xc2: {  	s21 =	simm.s32 $0x0;
	s22 =	simm.s32 $0x200  }
.LBB2_16:
0xc3: {  	p0 =	sne.s32 s22, $0x1FE00;
	[tilespmem:s21+$0x8070] =	vst v9  }
0xc4: {  	[tilespmem:s21+$0x0] =	vst v9  }
0xc5: {  	[tilespmem:s21+$0x8000] =	vst v9  }
0xc6: {  	[tilespmem:s21+$0x10] =	vst v9  }
0xc7: {  	[tilespmem:s21+$0x8010] =	vst v9  }
0xc8: {  	[tilespmem:s21+$0x20] =	vst v9  }
0xc9: {  	[tilespmem:s21+$0x8020] =	vst v9  }
0xca: {  	[tilespmem:s21+$0x30] =	vst v9  }
0xcb: {  	[tilespmem:s21+$0x8030] =	vst v9  }
0xcc: {  	[tilespmem:s21+$0x40] =	vst v9  }
0xcd: {  	[tilespmem:s21+$0x8040] =	vst v9  }
.Ltmp8:
0xce: {  	[tilespmem:s21+$0x50] =	vst v9;
	(pc) =	sbr.rel @p0 .LBB2_16-.Ltmp8, $4  }
0xcf: {  	[tilespmem:s21+$0x8050] =	vst v9  }
0xd0: {  	[tilespmem:s21+$0x60] =	vst v9  }
0xd1: {  	[tilespmem:s21+$0x8060] =	vst v9  }
0xd2: {  	[tilespmem:s21+$0x70] =	vst v9;
	s21 =	sshra.s32 s22, $0x2;
	s22 =	sadd.s32 $0x200, s22  }
0xd3: {  	(xrf0) =	vmax.scan.msk.f32 $0xffff, v23;
	_ =	sdelay $0x5  }
0xd4: {  	v23, _, _ =	vpop (xrf0)  }
0xd5: {  	v23 =	vbroadcast v23, $0xF;
	_ =	sdelay $0x1  }
0xd6: {  	v24 =	vshra.s32 v23, $0x1;
	v23 =	vmul.f32 $5.000000000e-01, v23  }
0xd7: {  	v24 =	vsub.s32 $0x5F3759DF, v24  }
0xd8: {  	v25 =	vmul.f32 v24, v23;
	_ =	sdelay $0x1  }
0xd9: {  	v25 =	vmul.f32 v24, v25;
	_ =	sdelay $0x1  }
0xda: {  	v25 =	vsub.f32 $1.500000000e+00, v25;
	_ =	sdelay $0x1  }
0xdb: {  	v24 =	vmul.f32 v24, v25;
	_ =	sdelay $0x1  }
0xdc: {  	v25 =	vmul.f32 v24, v23;
	_ =	sdelay $0x1  }
0xdd: {  	v25 =	vmul.f32 v25, v24;
	_ =	sdelay $0x1  }
0xde: {  	v25 =	vsub.f32 $1.500000000e+00, v25;
	_ =	sdelay $0x1  }
0xdf: {  	[tilespmem:s21+$0x8070] =	vst v9;
	v24 =	vmul.f32 v25, v24  }
0xe0: {  	[tilespmem:s21+$0x0] =	vst v9  }
0xe1: {  	[tilespmem:s21+$0x8000] =	vst v9;
	v25 =	vmul.f32 v24, v23  }
0xe2: {  	[tilespmem:s21+$0x10] =	vst v9  }
0xe3: {  	[tilespmem:s21+$0x8010] =	vst v9;
	v25 =	vmul.f32 v25, v24  }
0xe4: {  	[tilespmem:s21+$0x20] =	vst v9  }
0xe5: {  	[tilespmem:s21+$0x8020] =	vst v9;
	v25 =	vsub.f32 $1.500000000e+00, v25  }
0xe6: {  	[tilespmem:s21+$0x30] =	vst v9  }
0xe7: {  	[tilespmem:s21+$0x8030] =	vst v9;
	v24 =	vmul.f32 v25, v24  }
0xe8: {  	[tilespmem:s21+$0x40] =	vst v9  }
0xe9: {  	[tilespmem:s21+$0x8040] =	vst v9;
	v23 =	vmul.f32 v24, v23  }
0xea: {  	[tilespmem:s21+$0x50] =	vst v9  }
0xeb: {  	[tilespmem:s21+$0x8050] =	vst v9;
	v23 =	vmul.f32 v23, v24  }
0xec: {  	[tilespmem:s21+$0x60] =	vst v9  }
0xed: {  	[tilespmem:s21+$0x8060] =	vst v9;
	v23 =	vsub.f32 $1.500000000e+00, v23  }
0xee: {  	[tilespmem:s21+$0x70] =	vst v9;
	s21 =	simm.s32 $0x0  }
0xef: {  	[tilespmem:s13], [sflag:$0x1] =	stream.linear.gather [hbm4b:s4+s21], $0x3000, $0x38;
	v23 =	vmul.f32 v23, v24;
	[tilespmem:$0x1E000] =	vst v63  }
0xf0: {  	s22 =	simm.s32 $0x0  }
0xf1: {  	[tilespmem:s14], [sflag:$0x2] =	stream.linear.gather [hbm4b:s5+s21], $0x3000, $0x38;
	v23 =	vmul.f32 $1.600000000e+01, v23;
	[tilespmem:$0x1E000] =	vst v63  }
.LBB2_18:
0xf2: {  	v24 =	vadd.s32 s21, v0  }
0xf3: {  	v25 =	vadd.s32 s21, v7;
	v24 =	vand.u32 $0x7FF8, v24  }
0xf4: {  	v26 =	vadd.s32 s21, v3;
	v25 =	vand.u32 $0x7FF8, v25;
	v24 =	vor.u32 v2, v24  }
0xf5: {  	v27 =	vadd.s32 s21, v1;
	v26 =	vand.u32 $0x7FF8, v26;
	v25 =	vor.u32 v4, v25  }
0xf6: {  	_ =	swait.ge [sflag:s15], $0x3000;
	v28 =	vadd.s32 s21, v5;
	v27 =	vand.u32 $0x7FF8, v27;
	v26 =	vor.u32 v4, v26  }
0xf7: {  	v29 =	vadd.s32 s21, v8;
	[sflag:s15] =	ssyncset.done $0x0;
	v28 =	vand.u32 $0x7FF8, v28;
	v27 =	vor.u32 v2, v27  }
0xf8: {  	v29 =	vand.u32 $0x7FF8, v29;
	[sflag:s15] =	ssyncadd.s32 $0xFFFFD000;
	v28 =	vor.u32 v6, v28  }
0xf9: {  	v29 =	vor.u32 v6, v29;
	v24 =	vld.idx.msk [tilespmem:v24+s13+$0x0], $0xffff  }
0xfa: {  	v25 =	vld.idx.msk [tilespmem:v25+s13+$0x0], $0xffff  }
0xfb: {  	v26 =	vld.idx.msk [tilespmem:v26+s13+$0x0], $0xffff  }
0xfc: {  	v27 =	vld.idx.msk [tilespmem:v27+s13+$0x0], $0xffff  }
0xfd: {  	v28 =	vld.idx.msk [tilespmem:v28+s13+$0x0], $0xffff  }
0xfe: {  	v29 =	vld.idx.msk [tilespmem:v29+s13+$0x0], $0xffff;
	_ =	sdelay $0x1  }
0xff: {  	v24 =	vsub.f32 v24, v20  }
0x100: {  	v25 =	vsub.f32 v25, v21;
	v26 =	vsub.f32 v26, v21  }
0x101: {  	v27 =	vsub.f32 v27, v20;
	v28 =	vsub.f32 v28, v22;
	v24 =	vmul.f32 v24, v23  }
0x102: {  	v29 =	vsub.f32 v29, v22;
	v25 =	vmul.f32 v25, v23;
	v26 =	vmul.f32 v26, v23  }
0x103: {  	v30 =	vadd.s32 s21, v10;
	v27 =	vmul.f32 v27, v23;
	v28 =	vmul.f32 v28, v23  }
0x104: {  	v29 =	vmul.f32 v29, v23;
	v24 =	vadd.f32 $1.600000000e+01, v24;
	v25 =	vadd.f32 $1.600000000e+01, v25  }
0x105: {  	v31 =	vadd.s32 s21, v12;
	v26 =	vadd.f32 $1.600000000e+01, v26;
	v27 =	vadd.f32 $1.600000000e+01, v27  }
0x106: {  	v30 =	vand.u32 $0x7FF8, v30;
	v28 =	vadd.f32 $1.600000000e+01, v28;
	v29 =	vadd.f32 $1.600000000e+01, v29  }
0x107: {  	v24 =	vmax.f32 v24, $0.0e+00;
	v25 =	vmax.f32 v25, $0.0e+00;
	v26 =	vmax.f32 v26, $0.0e+00  }
0x108: {  	v27 =	vmax.f32 v27, $0.0e+00;
	v28 =	vmax.f32 v28, $0.0e+00;
	v24 =	vmin.f32 v24, $3.100000000e+01  }
0x109: {  	v26 =	vmin.f32 v26, $3.100000000e+01;
	v27 =	vmin.f32 v27, $3.100000000e+01;
	v24 =	vadd.f32 $5.000000000e-01, v24  }
0x10a: {  	v25 =	vmin.f32 v25, $3.100000000e+01;
	v26 =	vadd.f32 $5.000000000e-01, v26;
	v27 =	vadd.f32 $5.000000000e-01, v27  }
0x10b: {  	v28 =	vmin.f32 v28, $3.100000000e+01;
	v25 =	vadd.f32 $5.000000000e-01, v25;
	v24 =	vtrunc.f32 v24  }
0x10c: {  	v28 =	vadd.f32 $5.000000000e-01, v28;
	v26 =	vtrunc.f32 v26;
	v27 =	vtrunc.f32 v27  }
0x10d: {  	v30 =	vor.u32 v11, v30;
	v25 =	vtrunc.f32 v25;
	v26 =	vcvt.f32.s32 v26  }
0x10e: {  	v29 =	vmax.f32 v29, $0.0e+00;
	v28 =	vtrunc.f32 v28;
	v24 =	vcvt.f32.s32 v24  }
0x10f: {  	v27 =	vcvt.f32.s32 v27;
	v32 =	vshll.u32 v26, $0x5;
	v26 =	vmin.f32 v29, $3.100000000e+01  }
0x110: {  	v25 =	vcvt.f32.s32 v25;
	v29 =	vadd.f32 $5.000000000e-01, v26;
	v26 =	vand.u32 $0x7FF8, v31  }
0x111: {  	v28 =	vcvt.f32.s32 v28;
	v24 =	vshll.u32 v24, $0xA;
	v26 =	vor.u32 v11, v26  }
0x112: {  	v63 =	vshll.u32 v27, $0xA;
	v31 =	vadd.s32 v24, v32;
	v27 =	vtrunc.f32 v29  }
0x113: {  	v29 =	vshll.u32 v25, $0x5;
	v25 =	vadd.s32 v28, v31;
	v27 =	vcvt.f32.s32 v27  }
0x114: {  	s23 =	simm.s32 $0xC0;
	v24 =	vld.idx.msk [tilespmem:v30+s13+$0x0], $0xffff;
	v28 =	vadd.s32 v63, v29  }
.LBB2_19:
0x115: {  	v29 =	vadd.s32 s23, v1;
	p0 =	sne.s32 s23, $0x2F40;
	v27 =	vadd.s32 v27, v28;
	s24 =	smov.u32 s23;
	s23 =	sadd.s32 $0xC0, s23  }
0x116: {  	v28 =	vadd.s32 s24, v0;
	v30 =	vadd.s32 s24, v3;
	v31 =	vadd.s32 s24, v7;
	v26 =	vld.idx.msk [tilespmem:v26+s13+$0x0], $0xffff  }
0x117: {  	v28 =	vand.u32 $0x7FF8, v28;
	v30 =	vand.u32 $0x7FF8, v30;
	v31 =	vand.u32 $0x7FF8, v31  }
0x118: {  	v29 =	vand.u32 $0x7FF8, v29;
	v28 =	vor.u32 v2, v28;
	v30 =	vor.u32 v4, v30;
	[tilespmem:v25+s3+$0x0] =	vst.idx.add.f32.msk $0xffff, v13  }
0x119: {  	v29 =	vor.u32 v2, v29;
	v31 =	vor.u32 v4, v31  }
0x11a: {  	v32 =	vadd.s32 s24, v5;
	[tilespmem:v27+s3+$0x0] =	vst.idx.add.f32.msk $0xffff, v13  }
0x11b: {  	v32 =	vand.u32 $0x7FF8, v32;
	[tilespmem:v25+s17+$0x0] =	vst.idx.add.f32.msk $0xffff, v24  }
0x11c: {  	v24 =	vor.u32 v6, v32;
	[tilespmem:v27+s17+$0x0] =	vst.idx.add.f32.msk $0xffff, v26  }
0x11d: {  	v25 =	vld.idx.msk [tilespmem:v28+s13+$0x0], $0xffff  }
0x11e: {  	v27 =	vadd.s32 s24, v8;
	v26 =	vld.idx.msk [tilespmem:v31+s13+$0x0], $0xffff  }
0x11f: {  	v27 =	vand.u32 $0x7FF8, v27;
	v28 =	vld.idx.msk [tilespmem:v30+s13+$0x0], $0xffff  }
0x120: {  	v27 =	vor.u32 v6, v27;
	v29 =	vld.idx.msk [tilespmem:v29+s13+$0x0], $0xffff  }
0x121: {  	v24 =	vld.idx.msk [tilespmem:v24+s13+$0x0], $0xffff;
	_ =	sdelay $0x1  }
0x122: {  	v25 =	vsub.f32 v25, v20  }
0x123: {  	v26 =	vsub.f32 v26, v21  }
0x124: {  	v25 =	vmul.f32 v25, v23;
	v28 =	vsub.f32 v28, v21;
	v27 =	vld.idx.msk [tilespmem:v27+s13+$0x0], $0xffff  }
0x125: {  	v29 =	vsub.f32 v29, v20;
	v26 =	vmul.f32 v26, v23  }
0x126: {  	v25 =	vadd.f32 $1.600000000e+01, v25;
	v28 =	vmul.f32 v28, v23;
	v24 =	vsub.f32 v24, v22  }
0x127: {  	v30 =	vadd.s32 s24, v10;
	v29 =	vmul.f32 v29, v23;
	v26 =	vadd.f32 $1.600000000e+01, v26  }
0x128: {  	v25 =	vmax.f32 v25, $0.0e+00;
	v28 =	vadd.f32 $1.600000000e+01, v28;
	v24 =	vmul.f32 v24, v23  }
0x129: {  	v25 =	vmin.f32 v25, $3.100000000e+01;
	v29 =	vadd.f32 $1.600000000e+01, v29;
	v26 =	vmax.f32 v26, $0.0e+00  }
0x12a: {  	v30 =	vand.u32 $0x7FF8, v30;
	v25 =	vadd.f32 $5.000000000e-01, v25;
	v28 =	vmax.f32 v28, $0.0e+00  }
0x12b: {  	v30 =	vor.u32 v11, v30;
	v28 =	vmin.f32 v28, $3.100000000e+01;
	v29 =	vmax.f32 v29, $0.0e+00  }
0x12c: {  	v27 =	vsub.f32 v27, v22;
	v28 =	vadd.f32 $5.000000000e-01, v28;
	v29 =	vmin.f32 v29, $3.100000000e+01  }
0x12d: {  	v26 =	vmin.f32 v26, $3.100000000e+01;
	v25 =	vtrunc.f32 v25;
	v29 =	vadd.f32 $5.000000000e-01, v29  }
0x12e: {  	v24 =	vadd.f32 $1.600000000e+01, v24;
	v26 =	vadd.f32 $5.000000000e-01, v26;
	v27 =	vmul.f32 v27, v23  }
0x12f: {  	v31 =	vadd.s32 s24, v12;
	v28 =	vtrunc.f32 v28;
	v29 =	vtrunc.f32 v29  }
0x130: {  	v32 =	vmax.f32 v24, $0.0e+00;
	v27 =	vadd.f32 $1.600000000e+01, v27;
	v28 =	vcvt.f32.s32 v28;
	v24 =	vld.idx.msk [tilespmem:v30+s13+$0x0], $0xffff  }
0x131: {  	v25 =	vcvt.f32.s32 v25;
	v26 =	vtrunc.f32 v26;
	v30 =	vmin.f32 v32, $3.100000000e+01  }
0x132: {  	v29 =	vcvt.f32.s32 v29;
	v27 =	vmax.f32 v27, $0.0e+00;
	v30 =	vadd.f32 $5.000000000e-01, v30  }
0x133: {  	v28 =	vshll.u32 v28, $0x5;
	v32 =	vcvt.f32.s32 v26;
	v26 =	vmin.f32 v27, $3.100000000e+01  }
.Ltmp9:
0x134: {  	v27 =	vtrunc.f32 v30;
	v30 =	vadd.f32 $5.000000000e-01, v26;
	v26 =	vand.u32 $0x7FF8, v31;
	(pc) =	sbr.rel @p0 .LBB2_19-.Ltmp9, $4  }
0x135: {  	v25 =	vshll.u32 v25, $0xA;
	v27 =	vcvt.f32.s32 v27;
	v26 =	vor.u32 v11, v26  }
0x136: {  	v25 =	vadd.s32 v25, v28;
	v28 =	vshll.u32 v29, $0xA;
	v29 =	vtrunc.f32 v30  }
0x137: {  	v30 =	vshll.u32 v32, $0x5;
	v25 =	vadd.s32 v27, v25;
	v27 =	vcvt.f32.s32 v29  }
0x138: {  	v28 =	vadd.s32 v28, v30  }
0x139: {  	_ =	sdelay $0x1  }
0x13a: {  	v27 =	vadd.s32 v27, v28;
	_ =	sdelay $0x1  }
0x13b: {  	v26 =	vld.idx.msk [tilespmem:v26+s13+$0x0], $0xffff;
	p0 =	seq.s32 s22, $0xF  }
0x13c: {  	s24 =	smul.u32 @!p0 $0x6000, s22  }
0x13d: {  	[tilespmem:v25+s3+$0x0] =	vst.idx.add.f32.msk $0xffff, v13;
	s23 =	simm.s32 $0x0  }
0x13e: {  	v28 =	vadd.s32 s23, v0;
	s24 =	sadd.s32 @!p0 s24, s6;
	[tilespmem:v27+s3+$0x0] =	vst.idx.add.f32.msk $0xffff, v13  }
0x13f: {  	v29 =	vadd.s32 s23, v8;
	s24 =	sshrl.u32 @!p0 s24, $0x3;
	[tilespmem:v25+s17+$0x0] =	vst.idx.add.f32.msk $0xffff, v24;
	v25 =	vand.u32 $0x7FF8, v28  }
0x140: {  	s25 =	simm.s32 @!p0 $0x0;
	s26 =	simm.s32 @!p0 $0x18000;
	v29 =	vand.u32 $0x7FF8, v29;
	s24 =	sadd.s32 @!p0 s2, s24;
	v24 =	vadd.s32 s23, v7;
	[tilespmem:v27+s17+$0x0] =	vst.idx.add.f32.msk $0xffff, v26;
	v25 =	vor.u32 v2, v25  }
0x141: {  	v29 =	vor.u32 v6, v29;
	v28 =	vadd.s32 s23, v5;
	v24 =	vand.u32 $0x7FF8, v24;
	[tilespmem:s26], [sflag:$0x1] =	stream.linear.gather @!p0 [hbm4b:s24+s25], $0x3000, $0x38;
	[tilespmem:$0x1E000] =	vst v63  }
0x142: {  	v26 =	vadd.s32 s23, v3;
	v28 =	vand.u32 $0x7FF8, v28;
	v24 =	vor.u32 v4, v24;
	_ =	swait.ge [sflag:s16], $0x3000  }
0x143: {  	v27 =	vadd.s32 s23, v1;
	v26 =	vand.u32 $0x7FF8, v26;
	v28 =	vor.u32 v6, v28;
	[sflag:s16] =	ssyncset.done $0x0  }
0x144: {  	v27 =	vand.u32 $0x7FF8, v27;
	v26 =	vor.u32 v4, v26;
	[sflag:s16] =	ssyncadd.s32 $0xFFFFD000  }
0x145: {  	v27 =	vor.u32 v2, v27;
	v25 =	vld.idx.msk [tilespmem:v25+s14+$0x0], $0xffff  }
0x146: {  	v29 =	vld.idx.msk [tilespmem:v29+s14+$0x0], $0xffff  }
0x147: {  	v24 =	vld.idx.msk [tilespmem:v24+s14+$0x0], $0xffff  }
0x148: {  	v28 =	vld.idx.msk [tilespmem:v28+s14+$0x0], $0xffff  }
0x149: {  	v26 =	vld.idx.msk [tilespmem:v26+s14+$0x0], $0xffff  }
0x14a: {  	v27 =	vld.idx.msk [tilespmem:v27+s14+$0x0], $0xffff;
	_ =	sdelay $0x1  }
0x14b: {  	v30 =	vadd.s32 s23, v10;
	v31 =	vadd.s32 s23, v12;
	v25 =	vsub.f32 v25, v20  }
0x14c: {  	v30 =	vand.u32 $0x7FF8, v30;
	v29 =	vsub.f32 v29, v22;
	v24 =	vsub.f32 v24, v21  }
0x14d: {  	v28 =	vsub.f32 v28, v22;
	v25 =	vmul.f32 v25, v23;
	v26 =	vsub.f32 v26, v21  }
0x14e: {  	v27 =	vsub.f32 v27, v20;
	v29 =	vmul.f32 v29, v23;
	v24 =	vmul.f32 v24, v23  }
0x14f: {  	v28 =	vmul.f32 v28, v23;
	v25 =	vadd.f32 $1.600000000e+01, v25;
	v26 =	vmul.f32 v26, v23  }
0x150: {  	v27 =	vmul.f32 v27, v23;
	v29 =	vadd.f32 $1.600000000e+01, v29;
	v24 =	vadd.f32 $1.600000000e+01, v24  }
0x151: {  	v28 =	vadd.f32 $1.600000000e+01, v28;
	v25 =	vmax.f32 v25, $0.0e+00;
	v26 =	vadd.f32 $1.600000000e+01, v26  }
0x152: {  	v27 =	vadd.f32 $1.600000000e+01, v27;
	v25 =	vmin.f32 v25, $3.100000000e+01;
	v24 =	vmax.f32 v24, $0.0e+00  }
0x153: {  	v28 =	vmax.f32 v28, $0.0e+00;
	v26 =	vmax.f32 v26, $0.0e+00;
	v25 =	vadd.f32 $5.000000000e-01, v25  }
0x154: {  	v27 =	vmax.f32 v27, $0.0e+00;
	v24 =	vmin.f32 v24, $3.100000000e+01;
	v26 =	vmin.f32 v26, $3.100000000e+01  }
0x155: {  	v28 =	vmin.f32 v28, $3.100000000e+01;
	v27 =	vmin.f32 v27, $3.100000000e+01;
	v26 =	vadd.f32 $5.000000000e-01, v26  }
0x156: {  	v24 =	vadd.f32 $5.000000000e-01, v24;
	v28 =	vadd.f32 $5.000000000e-01, v28;
	v25 =	vtrunc.f32 v25  }
0x157: {  	v27 =	vadd.f32 $5.000000000e-01, v27;
	v25 =	vcvt.f32.s32 v25;
	v26 =	vtrunc.f32 v26  }
0x158: {  	v30 =	vor.u32 v11, v30;
	v24 =	vtrunc.f32 v24;
	v26 =	vcvt.f32.s32 v26  }
0x159: {  	v29 =	vmax.f32 v29, $0.0e+00;
	v28 =	vtrunc.f32 v28;
	v27 =	vtrunc.f32 v27  }
0x15a: {  	v24 =	vcvt.f32.s32 v24;
	v32 =	vshll.u32 v26, $0x5;
	v26 =	vmin.f32 v29, $3.100000000e+01  }
0x15b: {  	v27 =	vcvt.f32.s32 v27;
	v29 =	vadd.f32 $5.000000000e-01, v26;
	v26 =	vand.u32 $0x7FF8, v31  }
0x15c: {  	v28 =	vcvt.f32.s32 v28;
	v25 =	vshll.u32 v25, $0xA;
	v26 =	vor.u32 v11, v26  }
0x15d: {  	v25 =	vadd.s32 v25, v32;
	v31 =	vshll.u32 v27, $0xA;
	v27 =	vtrunc.f32 v29  }
0x15e: {  	v25 =	vadd.s32 v28, v25;
	v29 =	vshll.u32 v24, $0x5;
	v27 =	vcvt.f32.s32 v27  }
0x15f: {  	s23 =	simm.s32 $0xC0;
	v24 =	vld.idx.msk [tilespmem:v30+s14+$0x0], $0xffff;
	v28 =	vadd.s32 v31, v29  }
.LBB2_21:
0x160: {  	v29 =	vadd.s32 s23, v1;
	p1 =	sne.s32 s23, $0x2F40;
	v27 =	vadd.s32 v27, v28;
	s24 =	smov.u32 s23;
	s23 =	sadd.s32 $0xC0, s23  }
0x161: {  	v28 =	vadd.s32 s24, v0;
	v30 =	vadd.s32 s24, v3;
	v31 =	vadd.s32 s24, v7;
	v26 =	vld.idx.msk [tilespmem:v26+s14+$0x0], $0xffff  }
0x162: {  	v28 =	vand.u32 $0x7FF8, v28;
	v30 =	vand.u32 $0x7FF8, v30;
	v31 =	vand.u32 $0x7FF8, v31  }
0x163: {  	v29 =	vand.u32 $0x7FF8, v29;
	v28 =	vor.u32 v2, v28;
	v30 =	vor.u32 v4, v30;
	[tilespmem:v25+s3+$0x0] =	vst.idx.add.f32.msk $0xffff, v13  }
0x164: {  	v29 =	vor.u32 v2, v29;
	v31 =	vor.u32 v4, v31  }
0x165: {  	v32 =	vadd.s32 s24, v5;
	[tilespmem:v27+s3+$0x0] =	vst.idx.add.f32.msk $0xffff, v13  }
0x166: {  	v32 =	vand.u32 $0x7FF8, v32;
	[tilespmem:v25+s17+$0x0] =	vst.idx.add.f32.msk $0xffff, v24  }
0x167: {  	v24 =	vor.u32 v6, v32;
	[tilespmem:v27+s17+$0x0] =	vst.idx.add.f32.msk $0xffff, v26  }
0x168: {  	v25 =	vld.idx.msk [tilespmem:v28+s14+$0x0], $0xffff  }
0x169: {  	v27 =	vadd.s32 s24, v8;
	v26 =	vld.idx.msk [tilespmem:v31+s14+$0x0], $0xffff  }
0x16a: {  	v27 =	vand.u32 $0x7FF8, v27;
	v28 =	vld.idx.msk [tilespmem:v30+s14+$0x0], $0xffff  }
0x16b: {  	v27 =	vor.u32 v6, v27;
	v29 =	vld.idx.msk [tilespmem:v29+s14+$0x0], $0xffff  }
0x16c: {  	v24 =	vld.idx.msk [tilespmem:v24+s14+$0x0], $0xffff;
	_ =	sdelay $0x1  }
0x16d: {  	v25 =	vsub.f32 v25, v20  }
0x16e: {  	v26 =	vsub.f32 v26, v21  }
0x16f: {  	v25 =	vmul.f32 v25, v23;
	v28 =	vsub.f32 v28, v21;
	v27 =	vld.idx.msk [tilespmem:v27+s14+$0x0], $0xffff  }
0x170: {  	v29 =	vsub.f32 v29, v20;
	v26 =	vmul.f32 v26, v23  }
0x171: {  	v25 =	vadd.f32 $1.600000000e+01, v25;
	v28 =	vmul.f32 v28, v23;
	v24 =	vsub.f32 v24, v22  }
0x172: {  	v30 =	vadd.s32 s24, v10;
	v29 =	vmul.f32 v29, v23;
	v26 =	vadd.f32 $1.600000000e+01, v26  }
0x173: {  	v25 =	vmax.f32 v25, $0.0e+00;
	v28 =	vadd.f32 $1.600000000e+01, v28;
	v24 =	vmul.f32 v24, v23  }
0x174: {  	v25 =	vmin.f32 v25, $3.100000000e+01;
	v29 =	vadd.f32 $1.600000000e+01, v29;
	v26 =	vmax.f32 v26, $0.0e+00  }
0x175: {  	v30 =	vand.u32 $0x7FF8, v30;
	v25 =	vadd.f32 $5.000000000e-01, v25;
	v28 =	vmax.f32 v28, $0.0e+00  }
0x176: {  	v30 =	vor.u32 v11, v30;
	v28 =	vmin.f32 v28, $3.100000000e+01;
	v29 =	vmax.f32 v29, $0.0e+00  }
0x177: {  	v27 =	vsub.f32 v27, v22;
	v28 =	vadd.f32 $5.000000000e-01, v28;
	v29 =	vmin.f32 v29, $3.100000000e+01  }
0x178: {  	v26 =	vmin.f32 v26, $3.100000000e+01;
	v25 =	vtrunc.f32 v25;
	v29 =	vadd.f32 $5.000000000e-01, v29  }
0x179: {  	v24 =	vadd.f32 $1.600000000e+01, v24;
	v26 =	vadd.f32 $5.000000000e-01, v26;
	v27 =	vmul.f32 v27, v23  }
0x17a: {  	v31 =	vadd.s32 s24, v12;
	v28 =	vtrunc.f32 v28;
	v29 =	vtrunc.f32 v29  }
0x17b: {  	v32 =	vmax.f32 v24, $0.0e+00;
	v27 =	vadd.f32 $1.600000000e+01, v27;
	v28 =	vcvt.f32.s32 v28;
	v24 =	vld.idx.msk [tilespmem:v30+s14+$0x0], $0xffff  }
0x17c: {  	v25 =	vcvt.f32.s32 v25;
	v26 =	vtrunc.f32 v26;
	v30 =	vmin.f32 v32, $3.100000000e+01  }
0x17d: {  	v29 =	vcvt.f32.s32 v29;
	v27 =	vmax.f32 v27, $0.0e+00;
	v30 =	vadd.f32 $5.000000000e-01, v30  }
0x17e: {  	v28 =	vshll.u32 v28, $0x5;
	v32 =	vcvt.f32.s32 v26;
	v26 =	vmin.f32 v27, $3.100000000e+01  }
.Ltmp10:
0x17f: {  	v27 =	vtrunc.f32 v30;
	v30 =	vadd.f32 $5.000000000e-01, v26;
	v26 =	vand.u32 $0x7FF8, v31;
	(pc) =	sbr.rel @p1 .LBB2_21-.Ltmp10, $4  }
0x180: {  	v25 =	vshll.u32 v25, $0xA;
	v27 =	vcvt.f32.s32 v27;
	v26 =	vor.u32 v11, v26  }
0x181: {  	v25 =	vadd.s32 v25, v28;
	v28 =	vshll.u32 v29, $0xA;
	v29 =	vtrunc.f32 v30  }
0x182: {  	v30 =	vshll.u32 v32, $0x5;
	v25 =	vadd.s32 v27, v25;
	v27 =	vcvt.f32.s32 v29  }
0x183: {  	v28 =	vadd.s32 v28, v30  }
0x184: {  	_ =	sdelay $0x1  }
0x185: {  	v27 =	vadd.s32 v27, v28;
	_ =	sdelay $0x1  }
0x186: {  	v26 =	vld.idx.msk [tilespmem:v26+s14+$0x0], $0xffff  }
.Ltmp11:
0x187: {  	_ = 	snop;
	(pc) =	sbr.rel @p0 .LBB2_24-.Ltmp11, $4  }
0x188: {  	[tilespmem:v25+s3+$0x0] =	vst.idx.add.f32.msk $0xffff, v13  }
0x189: {  	[tilespmem:v27+s3+$0x0] =	vst.idx.add.f32.msk $0xffff, v13  }
0x18a: {  	[tilespmem:v25+s17+$0x0] =	vst.idx.add.f32.msk $0xffff, v24  }
0x18b: {  	[tilespmem:v27+s17+$0x0] =	vst.idx.add.f32.msk $0xffff, v26  }
0x18c: {  	s23 =	smul.u32 $0x6000, s22  }
.Ltmp12:
0x18d: {  	_ = 	snop;
	(pc) =	sbr.rel .LBB2_18-.Ltmp12, $4  }
0x18e: {  	s23 =	sadd.s32 s23, s7  }
0x18f: {  	s23 =	sshrl.u32 s23, $0x3  }
0x190: {  	s22 =	sadd.s32 $0x1, s22;
	s23 =	sadd.s32 s2, s23  }
0x191: {  	[tilespmem:s14], [sflag:$0x2] =	stream.linear.gather [hbm4b:s23+s3], $0x3000, $0x38;
	[tilespmem:$0x1E000] =	vst v63  }
.LBB2_24:
0x192: {  	s22 =	simm.s32 $0x0  }
0x193: {  	v24 =	vld [tilespmem:s22+$0x0];
	_ =	sdelay $0x4  }
0x194: {  	s21 =	simm.s32 $0x10;
	v24 =	vmax.f32 v24, $1.000000000e+00  }
0x195: {  	(erf) = vrcp.f32 v24;
	v24 =	vld [tilespmem:s21+$0x0];
	_ =	sdelay $0x4  }
0x196: {  	v25 =	vmax.f32 v24, $1.000000000e+00;
	v24 =	vld [tilespmem:s22+$0x8000];
	_ =	sdelay $0x2  }
0x197: {  	(erf) = vrcp.f32 v25  }
0x198: {  	s23 =	simm.s32 $0x20;
	s24 =	simm.s32 $0xC0;
	v25 =	vpop (erf)  }
.LBB2_25:
0x199: {  	p0 =	sne.s32 s24, $0x1FFC0;
	v26 =	vld [tilespmem:s23+$0x0];
	v24 =	vmul.f32 v25, v24;
	_ =	sdelay $0x1  }
0x19a: {  	[tilespmem:s22+$0x8000] =	vst v24;
	s22 =	smov.u32 s21;
	s21 =	smov.u32 s23  }
.Ltmp13:
0x19b: {  	v24 =	vld [tilespmem:s22+$0x8000];
	(pc) =	sbr.rel @p0 .LBB2_25-.Ltmp13, $4  }
0x19c: {  	_ = 	snop  }
0x19d: {  	v26 =	vmax.f32 v26, $1.000000000e+00  }
0x19e: {  	(erf) = vrcp.f32 v26  }
0x19f: {  	s23 =	sshra.s32 s24, $0x2;
	s24 =	sadd.s32 $0x40, s24;
	v25 =	vpop (erf)  }
0x1a0: {  	v26 =	vld [tilespmem:s23+$0x0];
	v24 =	vmul.f32 v25, v24;
	_ =	sdelay $0x1  }
0x1a1: {  	[tilespmem:s22+$0x8000] =	vst v24  }
0x1a2: {  	v24 =	vld [tilespmem:s21+$0x8000];
	_ =	sdelay $0x1  }
0x1a3: {  	v61 =	vmax.f32 v26, $1.000000000e+00  }
0x1a4: {  	(erf) = vrcp.f32 v61  }
0x1a5: {  	v62 =	vpop (erf)  }
0x1a6: {  	v24 =	vmul.f32 v62, v24;
	_ =	sdelay $0x1  }
0x1a7: {  	[tilespmem:s21+$0x8000] =	vst v24  }
0x1a8: {  	v24 =	vld [tilespmem:s23+$0x8000];
	_ =	sdelay $0x3  }
0x1a9: {  	v63 =	vpop (erf)  }
0x1aa: {  	v24 =	vmul.f32 v63, v24;
	_ =	sdelay $0x1  }
0x1ab: {  	s31 =	simm.s32 $0x0;
	[tilespmem:s23+$0x8000] =	vst v24  }
0x1ac: {  	[hbm4b:s8+s31] =	stream.linear.scatter [tilespmem:s17], [sflag:$0x3], $0x8000, $0x38;
	[tilespmem:$0x1E000] =	vst v63  }
0x1ad: {  	_ =	swait.ge [sflag:s18], $0x8000  }
0x1ae: {  	[sflag:s18] =	ssyncset.done $0x0  }
0x1af: {  	s22 =	simm.s32 $0x200;
	s21 =	simm.s32 $0x0;
	[sflag:s18] =	ssyncadd.s32 $0xFFFF8000  }
.LBB2_27:
0x1b0: {  	p0 =	sne.s32 s22, $0x1FE00;
	[tilespmem:s21+$0x10070] =	vst v9  }
0x1b1: {  	[tilespmem:s21+$0x8000] =	vst v9  }
0x1b2: {  	[tilespmem:s21+$0x10000] =	vst v9  }
0x1b3: {  	[tilespmem:s21+$0x8010] =	vst v9  }
0x1b4: {  	[tilespmem:s21+$0x10010] =	vst v9  }
0x1b5: {  	[tilespmem:s21+$0x8020] =	vst v9  }
0x1b6: {  	[tilespmem:s21+$0x10020] =	vst v9  }
0x1b7: {  	[tilespmem:s21+$0x8030] =	vst v9  }
0x1b8: {  	[tilespmem:s21+$0x10030] =	vst v9  }
0x1b9: {  	[tilespmem:s21+$0x8040] =	vst v9  }
0x1ba: {  	[tilespmem:s21+$0x10040] =	vst v9  }
.Ltmp14:
0x1bb: {  	[tilespmem:s21+$0x8050] =	vst v9;
	(pc) =	sbr.rel @p0 .LBB2_27-.Ltmp14, $4  }
0x1bc: {  	[tilespmem:s21+$0x10050] =	vst v9  }
0x1bd: {  	[tilespmem:s21+$0x8060] =	vst v9  }
0x1be: {  	[tilespmem:s21+$0x10060] =	vst v9  }
0x1bf: {  	[tilespmem:s21+$0x8070] =	vst v9;
	s21 =	sshra.s32 s22, $0x2;
	s22 =	sadd.s32 $0x200, s22  }
0x1c0: {  	[tilespmem:s21+$0x10070] =	vst v9  }
0x1c1: {  	[tilespmem:s21+$0x8000] =	vst v9  }
0x1c2: {  	[tilespmem:s21+$0x10000] =	vst v9  }
0x1c3: {  	[tilespmem:s21+$0x8010] =	vst v9  }
0x1c4: {  	[tilespmem:s21+$0x10010] =	vst v9  }
0x1c5: {  	[tilespmem:s21+$0x8020] =	vst v9  }
0x1c6: {  	[tilespmem:s21+$0x10020] =	vst v9  }
0x1c7: {  	[tilespmem:s21+$0x8030] =	vst v9  }
0x1c8: {  	[tilespmem:s21+$0x10030] =	vst v9  }
0x1c9: {  	[tilespmem:s21+$0x8040] =	vst v9  }
0x1ca: {  	[tilespmem:s21+$0x10040] =	vst v9  }
0x1cb: {  	[tilespmem:s21+$0x8050] =	vst v9  }
0x1cc: {  	[tilespmem:s21+$0x10050] =	vst v9  }
0x1cd: {  	[tilespmem:s21+$0x8060] =	vst v9  }
0x1ce: {  	[tilespmem:s21+$0x10060] =	vst v9  }
0x1cf: {  	[tilespmem:s21+$0x8070] =	vst v9;
	s21 =	simm.s32 $0x0  }
0x1d0: {  	[tilespmem:s13], [sflag:$0x1] =	stream.linear.gather [hbm4b:s4+s21], $0x3000, $0x38;
	[tilespmem:$0x1E000] =	vst v63  }
0x1d1: {  	s22 =	simm.s32 $0x0  }
0x1d2: {  	[tilespmem:s14], [sflag:$0x2] =	stream.linear.gather [hbm4b:s5+s21], $0x3000, $0x38;
	[tilespmem:$0x1E000] =	vst v63  }
.LBB2_29:
0x1d3: {  	v24 =	vadd.s32 s21, v0  }
0x1d4: {  	v25 =	vadd.s32 s21, v7;
	v24 =	vand.u32 $0x7FF8, v24  }
0x1d5: {  	v26 =	vadd.s32 s21, v3;
	v25 =	vand.u32 $0x7FF8, v25;
	v24 =	vor.u32 v2, v24  }
0x1d6: {  	v27 =	vadd.s32 s21, v1;
	v26 =	vand.u32 $0x7FF8, v26;
	v25 =	vor.u32 v4, v25  }
0x1d7: {  	_ =	swait.ge [sflag:s15], $0x3000;
	v28 =	vadd.s32 s21, v5;
	v27 =	vand.u32 $0x7FF8, v27;
	v26 =	vor.u32 v4, v26  }
0x1d8: {  	v29 =	vadd.s32 s21, v8;
	[sflag:s15] =	ssyncset.done $0x0;
	v28 =	vand.u32 $0x7FF8, v28;
	v27 =	vor.u32 v2, v27  }
0x1d9: {  	v29 =	vand.u32 $0x7FF8, v29;
	[sflag:s15] =	ssyncadd.s32 $0xFFFFD000;
	v28 =	vor.u32 v6, v28  }
0x1da: {  	v29 =	vor.u32 v6, v29;
	v24 =	vld.idx.msk [tilespmem:v24+s13+$0x0], $0xffff  }
0x1db: {  	v25 =	vld.idx.msk [tilespmem:v25+s13+$0x0], $0xffff  }
0x1dc: {  	v26 =	vld.idx.msk [tilespmem:v26+s13+$0x0], $0xffff  }
0x1dd: {  	v27 =	vld.idx.msk [tilespmem:v27+s13+$0x0], $0xffff  }
0x1de: {  	v28 =	vld.idx.msk [tilespmem:v28+s13+$0x0], $0xffff  }
0x1df: {  	v29 =	vld.idx.msk [tilespmem:v29+s13+$0x0], $0xffff  }
0x1e0: {  	v30 =	vadd.s32 s21, v17;
	v31 =	vadd.s32 s21, v14  }
0x1e1: {  	v32 =	vadd.s32 s21, v16;
	v30 =	vand.u32 $0x7FF8, v30;
	v24 =	vsub.f32 v24, v20  }
0x1e2: {  	v32 =	vand.u32 $0x7FF8, v32;
	v25 =	vsub.f32 v25, v21;
	v26 =	vsub.f32 v26, v21  }
0x1e3: {  	v27 =	vsub.f32 v27, v20;
	v28 =	vsub.f32 v28, v22;
	v24 =	vmul.f32 v24, v23  }
0x1e4: {  	v29 =	vsub.f32 v29, v22;
	v25 =	vmul.f32 v25, v23;
	v26 =	vmul.f32 v26, v23  }
0x1e5: {  	v31 =	vand.u32 $0x7FF8, v31;
	v27 =	vmul.f32 v27, v23;
	v28 =	vmul.f32 v28, v23  }
0x1e6: {  	v29 =	vmul.f32 v29, v23;
	v24 =	vadd.f32 $1.600000000e+01, v24;
	v25 =	vadd.f32 $1.600000000e+01, v25  }
0x1e7: {  	v30 =	vor.u32 v18, v30;
	v26 =	vadd.f32 $1.600000000e+01, v26;
	v27 =	vadd.f32 $1.600000000e+01, v27  }
0x1e8: {  	v28 =	vadd.f32 $1.600000000e+01, v28;
	v29 =	vadd.f32 $1.600000000e+01, v29;
	v24 =	vmax.f32 v24, $0.0e+00  }
0x1e9: {  	v26 =	vmax.f32 v26, $0.0e+00;
	v25 =	vmax.f32 v25, $0.0e+00;
	v27 =	vmax.f32 v27, $0.0e+00  }
0x1ea: {  	v29 =	vmax.f32 v29, $0.0e+00;
	v24 =	vmin.f32 v24, $3.100000000e+01;
	v26 =	vmin.f32 v26, $3.100000000e+01  }
0x1eb: {  	v27 =	vmin.f32 v27, $3.100000000e+01;
	v25 =	vmin.f32 v25, $3.100000000e+01;
	v24 =	vadd.f32 $5.000000000e-01, v24  }
0x1ec: {  	v29 =	vmin.f32 v29, $3.100000000e+01;
	v26 =	vadd.f32 $5.000000000e-01, v26;
	v27 =	vadd.f32 $5.000000000e-01, v27  }
0x1ed: {  	v25 =	vadd.f32 $5.000000000e-01, v25;
	v29 =	vadd.f32 $5.000000000e-01, v29;
	v24 =	vtrunc.f32 v24  }
0x1ee: {  	v32 =	vor.u32 v15, v32;
	v26 =	vtrunc.f32 v26;
	v27 =	vtrunc.f32 v27  }
0x1ef: {  	v28 =	vmax.f32 v28, $0.0e+00;
	v25 =	vtrunc.f32 v25;
	v29 =	vtrunc.f32 v29  }
0x1f0: {  	v33 =	vcvt.f32.s32 v27;
	v27 =	vmin.f32 v28, $3.100000000e+01;
	v28 =	vor.u32 v15, v31  }
0x1f1: {  	v24 =	vcvt.f32.s32 v24;
	v31 =	vadd.s32 s21, v19;
	v27 =	vadd.f32 $5.000000000e-01, v27  }
0x1f2: {  	v26 =	vcvt.f32.s32 v26;
	v25 =	vcvt.f32.s32 v25;
	v31 =	vand.u32 $0x7FF8, v31  }
0x1f3: {  	v34 =	vshll.u32 v24, $0xA;
	v35 =	vtrunc.f32 v27;
	v27 =	vor.u32 v18, v31  }
0x1f4: {  	v36 =	vshll.u32 v25, $0x5;
	v24 =	vld.idx.msk [tilespmem:v30+s13+$0x0], $0xffff;
	v25 =	vshll.u32 v26, $0x5;
	v30 =	vcvt.f32.s32 v35  }
0x1f5: {  	v29 =	vcvt.f32.s32 v29;
	v25 =	vadd.s32 v34, v25;
	v26 =	vld.idx.msk [tilespmem:v28+s13+$0x0], $0xffff;
	v28 =	vshll.u32 v33, $0xA  }
0x1f6: {  	s23 =	simm.s32 $0xC0;
	v25 =	vadd.s32 v30, v25;
	v30 =	vadd.s32 v28, v36;
	v28 =	vld.idx.msk [tilespmem:v32+s13+$0x0], $0xffff  }
.LBB2_30:
0x1f7: {  	p0 =	sne.s32 s23, $0x2F40;
	v29 =	vadd.s32 v29, v30;
	s24 =	smov.u32 s23;
	s23 =	sadd.s32 $0xC0, s23  }
0x1f8: {  	v30 =	vadd.s32 s24, v17;
	v27 =	vld.idx.msk [tilespmem:v27+s13+$0x0], $0xffff  }
0x1f9: {  	v31 =	vadd.s32 s24, v1;
	v32 =	vadd.s32 s24, v7;
	v30 =	vand.u32 $0x7FF8, v30  }
0x1fa: {  	v33 =	vadd.s32 s24, v0;
	v34 =	vadd.s32 s24, v3;
	v30 =	vor.u32 v18, v30  }
0x1fb: {  	v33 =	vand.u32 $0x7FF8, v33;
	v34 =	vand.u32 $0x7FF8, v34;
	v32 =	vand.u32 $0x7FF8, v32;
	[tilespmem:v25+s17+$0x0] =	vst.idx.add.f32.msk $0xffff, v26  }
0x1fc: {  	v31 =	vand.u32 $0x7FF8, v31;
	v26 =	vor.u32 v2, v33;
	v33 =	vor.u32 v4, v34;
	[tilespmem:v29+s17+$0x0] =	vst.idx.add.f32.msk $0xffff, v28  }
0x1fd: {  	v28 =	vor.u32 v2, v31;
	v31 =	vor.u32 v4, v32;
	[tilespmem:v25+s19+$0x0] =	vst.idx.add.f32.msk $0xffff, v24  }
0x1fe: {  	v24 =	vadd.s32 s24, v5;
	[tilespmem:v29+s19+$0x0] =	vst.idx.add.f32.msk $0xffff, v27  }
0x1ff: {  	v25 =	vand.u32 $0x7FF8, v24;
	v24 =	vld.idx.msk [tilespmem:v30+s13+$0x0], $0xffff  }
0x200: {  	v25 =	vor.u32 v6, v25  }
0x201: {  	v26 =	vld.idx.msk [tilespmem:v26+s13+$0x0], $0xffff  }
0x202: {  	v29 =	vadd.s32 s24, v8;
	v27 =	vld.idx.msk [tilespmem:v31+s13+$0x0], $0xffff  }
0x203: {  	v29 =	vand.u32 $0x7FF8, v29;
	v30 =	vld.idx.msk [tilespmem:v33+s13+$0x0], $0xffff  }
0x204: {  	v29 =	vor.u32 v6, v29;
	v28 =	vld.idx.msk [tilespmem:v28+s13+$0x0], $0xffff  }
0x205: {  	v25 =	vld.idx.msk [tilespmem:v25+s13+$0x0], $0xffff;
	_ =	sdelay $0x1  }
0x206: {  	v26 =	vsub.f32 v26, v20  }
0x207: {  	v27 =	vsub.f32 v27, v21  }
0x208: {  	v31 =	vadd.s32 s24, v14;
	v26 =	vmul.f32 v26, v23;
	v30 =	vsub.f32 v30, v21;
	v29 =	vld.idx.msk [tilespmem:v29+s13+$0x0], $0xffff  }
0x209: {  	v32 =	vadd.s32 s24, v16;
	v28 =	vsub.f32 v28, v20;
	v27 =	vmul.f32 v27, v23  }
0x20a: {  	v26 =	vadd.f32 $1.600000000e+01, v26;
	v30 =	vmul.f32 v30, v23;
	v25 =	vsub.f32 v25, v22  }
0x20b: {  	v32 =	vand.u32 $0x7FF8, v32;
	v28 =	vmul.f32 v28, v23;
	v27 =	vadd.f32 $1.600000000e+01, v27  }
0x20c: {  	v32 =	vor.u32 v15, v32;
	v26 =	vmax.f32 v26, $0.0e+00;
	v30 =	vadd.f32 $1.600000000e+01, v30  }
0x20d: {  	v25 =	vmul.f32 v25, v23;
	v26 =	vmin.f32 v26, $3.100000000e+01;
	v28 =	vadd.f32 $1.600000000e+01, v28  }
0x20e: {  	v27 =	vmax.f32 v27, $0.0e+00;
	v26 =	vadd.f32 $5.000000000e-01, v26;
	v30 =	vmax.f32 v30, $0.0e+00  }
0x20f: {  	v31 =	vand.u32 $0x7FF8, v31;
	v30 =	vmin.f32 v30, $3.100000000e+01;
	v28 =	vmax.f32 v28, $0.0e+00  }
0x210: {  	v29 =	vsub.f32 v29, v22;
	v30 =	vadd.f32 $5.000000000e-01, v30;
	v28 =	vmin.f32 v28, $3.100000000e+01  }
0x211: {  	v27 =	vmin.f32 v27, $3.100000000e+01;
	v26 =	vtrunc.f32 v26;
	v28 =	vadd.f32 $5.000000000e-01, v28  }
0x212: {  	v25 =	vadd.f32 $1.600000000e+01, v25;
	v29 =	vmul.f32 v29, v23;
	v30 =	vtrunc.f32 v30  }
0x213: {  	v27 =	vadd.f32 $5.000000000e-01, v27;
	v30 =	vcvt.f32.s32 v30;
	v28 =	vtrunc.f32 v28  }
0x214: {  	v25 =	vmax.f32 v25, $0.0e+00;
	v29 =	vadd.f32 $1.600000000e+01, v29;
	v28 =	vcvt.f32.s32 v28  }
0x215: {  	v33 =	vadd.s32 s24, v19;
	v31 =	vor.u32 v15, v31;
	v25 =	vmin.f32 v25, $3.100000000e+01  }
0x216: {  	v26 =	vcvt.f32.s32 v26;
	v27 =	vtrunc.f32 v27;
	v29 =	vmax.f32 v29, $0.0e+00  }
0x217: {  	v25 =	vadd.f32 $5.000000000e-01, v25;
	v27 =	vcvt.f32.s32 v27;
	v29 =	vmin.f32 v29, $3.100000000e+01  }
.Ltmp15:
0x218: {  	v34 =	vshll.u32 v26, $0xA;
	v26 =	vadd.f32 $5.000000000e-01, v29;
	v29 =	vand.u32 $0x7FF8, v33;
	(pc) =	sbr.rel @p0 .LBB2_30-.Ltmp15, $4  }
0x219: {  	v25 =	vtrunc.f32 v25;
	v33 =	vshll.u32 v27, $0x5;
	v27 =	vor.u32 v18, v29  }
0x21a: {  	v25 =	vcvt.f32.s32 v25;
	v29 =	vshll.u32 v30, $0x5;
	v30 =	vtrunc.f32 v26;
	v26 =	vld.idx.msk [tilespmem:v31+s13+$0x0], $0xffff  }
0x21b: {  	v28 =	vshll.u32 v28, $0xA;
	v31 =	vadd.s32 v34, v29;
	v29 =	vcvt.f32.s32 v30  }
0x21c: {  	v30 =	vadd.s32 v28, v33;
	v25 =	vadd.s32 v25, v31;
	v28 =	vld.idx.msk [tilespmem:v32+s13+$0x0], $0xffff  }
0x21d: {  	_ =	sdelay $0x1  }
0x21e: {  	v29 =	vadd.s32 v29, v30;
	_ =	sdelay $0x1  }
0x21f: {  	v27 =	vld.idx.msk [tilespmem:v27+s13+$0x0], $0xffff;
	p0 =	seq.s32 s22, $0xF  }
0x220: {  	s24 =	smul.u32 @!p0 $0x6000, s22  }
0x221: {  	s23 =	simm.s32 $0x0;
	[tilespmem:v25+s17+$0x0] =	vst.idx.add.f32.msk $0xffff, v26  }
0x222: {  	v26 =	vadd.s32 s23, v0;
	s24 =	sadd.s32 @!p0 s24, s6;
	[tilespmem:v29+s17+$0x0] =	vst.idx.add.f32.msk $0xffff, v28  }
0x223: {  	s24 =	sshrl.u32 @!p0 s24, $0x3;
	v28 =	vadd.s32 s23, v5;
	[tilespmem:v25+s19+$0x0] =	vst.idx.add.f32.msk $0xffff, v24;
	v25 =	vand.u32 $0x7FF8, v26  }
0x224: {  	s25 =	simm.s32 @!p0 $0x0;
	s26 =	simm.s32 @!p0 $0x18000;
	s24 =	sadd.s32 @!p0 s2, s24;
	v24 =	vadd.s32 s23, v7;
	v28 =	vand.u32 $0x7FF8, v28;
	[tilespmem:v29+s19+$0x0] =	vst.idx.add.f32.msk $0xffff, v27;
	v25 =	vor.u32 v2, v25  }
0x225: {  	v26 =	vadd.s32 s23, v3;
	v24 =	vand.u32 $0x7FF8, v24;
	v28 =	vor.u32 v6, v28;
	[tilespmem:s26], [sflag:$0x1] =	stream.linear.gather @!p0 [hbm4b:s24+s25], $0x3000, $0x38;
	[tilespmem:$0x1E000] =	vst v63  }
0x226: {  	v27 =	vadd.s32 s23, v1;
	v26 =	vand.u32 $0x7FF8, v26;
	v24 =	vor.u32 v4, v24;
	_ =	swait.ge [sflag:s16], $0x3000  }
0x227: {  	v29 =	vadd.s32 s23, v8;
	v26 =	vor.u32 v4, v26;
	v27 =	vand.u32 $0x7FF8, v27;
	[sflag:s16] =	ssyncset.done $0x0  }
0x228: {  	v29 =	vand.u32 $0x7FF8, v29;
	v27 =	vor.u32 v2, v27;
	[sflag:s16] =	ssyncadd.s32 $0xFFFFD000  }
0x229: {  	v29 =	vor.u32 v6, v29;
	v25 =	vld.idx.msk [tilespmem:v25+s14+$0x0], $0xffff  }
0x22a: {  	v28 =	vld.idx.msk [tilespmem:v28+s14+$0x0], $0xffff  }
0x22b: {  	v24 =	vld.idx.msk [tilespmem:v24+s14+$0x0], $0xffff  }
0x22c: {  	v26 =	vld.idx.msk [tilespmem:v26+s14+$0x0], $0xffff  }
0x22d: {  	v27 =	vld.idx.msk [tilespmem:v27+s14+$0x0], $0xffff  }
0x22e: {  	v30 =	vadd.s32 s23, v17;
	v32 =	vadd.s32 s23, v16;
	v29 =	vld.idx.msk [tilespmem:v29+s14+$0x0], $0xffff  }
0x22f: {  	v31 =	vadd.s32 s23, v14;
	v30 =	vand.u32 $0x7FF8, v30;
	v32 =	vand.u32 $0x7FF8, v32  }
0x230: {  	v31 =	vand.u32 $0x7FF8, v31;
	v30 =	vor.u32 v18, v30;
	v25 =	vsub.f32 v25, v20  }
0x231: {  	v32 =	vor.u32 v15, v32;
	v28 =	vsub.f32 v28, v22;
	v26 =	vsub.f32 v26, v21  }
0x232: {  	v24 =	vsub.f32 v24, v21;
	v25 =	vmul.f32 v25, v23;
	v27 =	vsub.f32 v27, v20  }
0x233: {  	v28 =	vmul.f32 v28, v23;
	v29 =	vsub.f32 v29, v22;
	v26 =	vmul.f32 v26, v23  }
0x234: {  	v24 =	vmul.f32 v24, v23;
	v25 =	vadd.f32 $1.600000000e+01, v25;
	v27 =	vmul.f32 v27, v23  }
0x235: {  	v28 =	vadd.f32 $1.600000000e+01, v28;
	v29 =	vmul.f32 v29, v23;
	v26 =	vadd.f32 $1.600000000e+01, v26  }
0x236: {  	v24 =	vadd.f32 $1.600000000e+01, v24;
	v25 =	vmax.f32 v25, $0.0e+00;
	v27 =	vadd.f32 $1.600000000e+01, v27  }
0x237: {  	v28 =	vmax.f32 v28, $0.0e+00;
	v25 =	vmin.f32 v25, $3.100000000e+01;
	v26 =	vmax.f32 v26, $0.0e+00  }
0x238: {  	v24 =	vmax.f32 v24, $0.0e+00;
	v25 =	vadd.f32 $5.000000000e-01, v25;
	v26 =	vmin.f32 v26, $3.100000000e+01  }
0x239: {  	v27 =	vmax.f32 v27, $0.0e+00;
	v24 =	vmin.f32 v24, $3.100000000e+01;
	v26 =	vadd.f32 $5.000000000e-01, v26  }
0x23a: {  	v29 =	vadd.f32 $1.600000000e+01, v29;
	v27 =	vmin.f32 v27, $3.100000000e+01;
	v24 =	vadd.f32 $5.000000000e-01, v24  }
0x23b: {  	v25 =	vtrunc.f32 v25;
	v27 =	vadd.f32 $5.000000000e-01, v27;
	v26 =	vtrunc.f32 v26  }
0x23c: {  	v29 =	vmax.f32 v29, $0.0e+00;
	v25 =	vcvt.f32.s32 v25;
	v24 =	vtrunc.f32 v24  }
0x23d: {  	v29 =	vmin.f32 v29, $3.100000000e+01;
	v26 =	vcvt.f32.s32 v26;
	v27 =	vtrunc.f32 v27  }
0x23e: {  	v33 =	vcvt.f32.s32 v27;
	v27 =	vmin.f32 v28, $3.100000000e+01;
	v28 =	vor.u32 v15, v31  }
0x23f: {  	v24 =	vcvt.f32.s32 v24;
	v31 =	vadd.s32 s23, v19;
	v27 =	vadd.f32 $5.000000000e-01, v27  }
0x240: {  	v34 =	vshll.u32 v25, $0xA;
	v25 =	vadd.f32 $5.000000000e-01, v29;
	v29 =	vand.u32 $0x7FF8, v31  }
0x241: {  	v35 =	vshll.u32 v24, $0x5;
	v31 =	vtrunc.f32 v27;
	v27 =	vor.u32 v18, v29  }
0x242: {  	v24 =	vld.idx.msk [tilespmem:v30+s14+$0x0], $0xffff;
	v26 =	vshll.u32 v26, $0x5;
	v29 =	vtrunc.f32 v25;
	v30 =	vcvt.f32.s32 v31  }
0x243: {  	v26 =	vadd.s32 v34, v26;
	v29 =	vcvt.f32.s32 v29;
	v25 =	vld.idx.msk [tilespmem:v28+s14+$0x0], $0xffff;
	v28 =	vshll.u32 v33, $0xA  }
0x244: {  	s23 =	simm.s32 $0xC0;
	v26 =	vadd.s32 v30, v26;
	v30 =	vadd.s32 v28, v35;
	v28 =	vld.idx.msk [tilespmem:v32+s14+$0x0], $0xffff  }
.LBB2_32:
0x245: {  	p1 =	sne.s32 s23, $0x2F40;
	v29 =	vadd.s32 v29, v30;
	s24 =	smov.u32 s23;
	s23 =	sadd.s32 $0xC0, s23  }
0x246: {  	v30 =	vadd.s32 s24, v17;
	v27 =	vld.idx.msk [tilespmem:v27+s14+$0x0], $0xffff  }
0x247: {  	v31 =	vadd.s32 s24, v1;
	v32 =	vadd.s32 s24, v7;
	v30 =	vand.u32 $0x7FF8, v30  }
0x248: {  	v33 =	vadd.s32 s24, v0;
	v34 =	vadd.s32 s24, v3;
	v30 =	vor.u32 v18, v30  }
0x249: {  	v33 =	vand.u32 $0x7FF8, v33;
	v34 =	vand.u32 $0x7FF8, v34;
	v32 =	vand.u32 $0x7FF8, v32;
	[tilespmem:v26+s17+$0x0] =	vst.idx.add.f32.msk $0xffff, v25  }
0x24a: {  	v31 =	vand.u32 $0x7FF8, v31;
	v25 =	vor.u32 v2, v33;
	v33 =	vor.u32 v4, v34;
	[tilespmem:v29+s17+$0x0] =	vst.idx.add.f32.msk $0xffff, v28  }
0x24b: {  	v28 =	vor.u32 v2, v31;
	v31 =	vor.u32 v4, v32;
	[tilespmem:v26+s19+$0x0] =	vst.idx.add.f32.msk $0xffff, v24  }
0x24c: {  	v24 =	vadd.s32 s24, v5;
	[tilespmem:v29+s19+$0x0] =	vst.idx.add.f32.msk $0xffff, v27  }
0x24d: {  	v26 =	vand.u32 $0x7FF8, v24;
	v24 =	vld.idx.msk [tilespmem:v30+s14+$0x0], $0xffff  }
0x24e: {  	v26 =	vor.u32 v6, v26  }
0x24f: {  	v25 =	vld.idx.msk [tilespmem:v25+s14+$0x0], $0xffff  }
0x250: {  	v29 =	vadd.s32 s24, v8;
	v27 =	vld.idx.msk [tilespmem:v31+s14+$0x0], $0xffff  }
0x251: {  	v29 =	vand.u32 $0x7FF8, v29;
	v30 =	vld.idx.msk [tilespmem:v33+s14+$0x0], $0xffff  }
0x252: {  	v29 =	vor.u32 v6, v29;
	v28 =	vld.idx.msk [tilespmem:v28+s14+$0x0], $0xffff  }
0x253: {  	v26 =	vld.idx.msk [tilespmem:v26+s14+$0x0], $0xffff;
	_ =	sdelay $0x1  }
0x254: {  	v25 =	vsub.f32 v25, v20  }
0x255: {  	v27 =	vsub.f32 v27, v21  }
0x256: {  	v31 =	vadd.s32 s24, v14;
	v25 =	vmul.f32 v25, v23;
	v30 =	vsub.f32 v30, v21;
	v29 =	vld.idx.msk [tilespmem:v29+s14+$0x0], $0xffff  }
0x257: {  	v32 =	vadd.s32 s24, v16;
	v28 =	vsub.f32 v28, v20;
	v27 =	vmul.f32 v27, v23  }
0x258: {  	v25 =	vadd.f32 $1.600000000e+01, v25;
	v30 =	vmul.f32 v30, v23;
	v26 =	vsub.f32 v26, v22  }
0x259: {  	v32 =	vand.u32 $0x7FF8, v32;
	v28 =	vmul.f32 v28, v23;
	v27 =	vadd.f32 $1.600000000e+01, v27  }
0x25a: {  	v32 =	vor.u32 v15, v32;
	v25 =	vmax.f32 v25, $0.0e+00;
	v30 =	vadd.f32 $1.600000000e+01, v30  }
0x25b: {  	v26 =	vmul.f32 v26, v23;
	v25 =	vmin.f32 v25, $3.100000000e+01;
	v28 =	vadd.f32 $1.600000000e+01, v28  }
0x25c: {  	v27 =	vmax.f32 v27, $0.0e+00;
	v25 =	vadd.f32 $5.000000000e-01, v25;
	v30 =	vmax.f32 v30, $0.0e+00  }
0x25d: {  	v31 =	vand.u32 $0x7FF8, v31;
	v30 =	vmin.f32 v30, $3.100000000e+01;
	v28 =	vmax.f32 v28, $0.0e+00  }
0x25e: {  	v29 =	vsub.f32 v29, v22;
	v30 =	vadd.f32 $5.000000000e-01, v30;
	v28 =	vmin.f32 v28, $3.100000000e+01  }
0x25f: {  	v27 =	vmin.f32 v27, $3.100000000e+01;
	v25 =	vtrunc.f32 v25;
	v28 =	vadd.f32 $5.000000000e-01, v28  }
0x260: {  	v26 =	vadd.f32 $1.600000000e+01, v26;
	v29 =	vmul.f32 v29, v23;
	v30 =	vtrunc.f32 v30  }
0x261: {  	v27 =	vadd.f32 $5.000000000e-01, v27;
	v30 =	vcvt.f32.s32 v30;
	v28 =	vtrunc.f32 v28  }
0x262: {  	v26 =	vmax.f32 v26, $0.0e+00;
	v29 =	vadd.f32 $1.600000000e+01, v29;
	v28 =	vcvt.f32.s32 v28  }
0x263: {  	v33 =	vadd.s32 s24, v19;
	v31 =	vor.u32 v15, v31;
	v26 =	vmin.f32 v26, $3.100000000e+01  }
0x264: {  	v25 =	vcvt.f32.s32 v25;
	v27 =	vtrunc.f32 v27;
	v29 =	vmax.f32 v29, $0.0e+00  }
0x265: {  	v26 =	vadd.f32 $5.000000000e-01, v26;
	v27 =	vcvt.f32.s32 v27;
	v29 =	vmin.f32 v29, $3.100000000e+01  }
.Ltmp16:
0x266: {  	v34 =	vshll.u32 v25, $0xA;
	v25 =	vadd.f32 $5.000000000e-01, v29;
	v29 =	vand.u32 $0x7FF8, v33;
	(pc) =	sbr.rel @p1 .LBB2_32-.Ltmp16, $4  }
0x267: {  	v26 =	vtrunc.f32 v26;
	v33 =	vshll.u32 v27, $0x5;
	v27 =	vor.u32 v18, v29  }
0x268: {  	v26 =	vcvt.f32.s32 v26;
	v29 =	vshll.u32 v30, $0x5;
	v30 =	vtrunc.f32 v25;
	v25 =	vld.idx.msk [tilespmem:v31+s14+$0x0], $0xffff  }
0x269: {  	v28 =	vshll.u32 v28, $0xA;
	v31 =	vadd.s32 v34, v29;
	v29 =	vcvt.f32.s32 v30  }
0x26a: {  	v30 =	vadd.s32 v28, v33;
	v26 =	vadd.s32 v26, v31;
	v28 =	vld.idx.msk [tilespmem:v32+s14+$0x0], $0xffff  }
0x26b: {  	_ =	sdelay $0x1  }
0x26c: {  	v29 =	vadd.s32 v29, v30;
	_ =	sdelay $0x1  }
0x26d: {  	v27 =	vld.idx.msk [tilespmem:v27+s14+$0x0], $0xffff  }
.Ltmp17:
0x26e: {  	_ = 	snop;
	(pc) =	sbr.rel @p0 .LBB2_35-.Ltmp17, $4  }
0x26f: {  	[tilespmem:v26+s17+$0x0] =	vst.idx.add.f32.msk $0xffff, v25  }
0x270: {  	[tilespmem:v29+s17+$0x0] =	vst.idx.add.f32.msk $0xffff, v28  }
0x271: {  	[tilespmem:v26+s19+$0x0] =	vst.idx.add.f32.msk $0xffff, v24  }
0x272: {  	[tilespmem:v29+s19+$0x0] =	vst.idx.add.f32.msk $0xffff, v27  }
0x273: {  	s23 =	smul.u32 $0x6000, s22  }
.Ltmp18:
0x274: {  	_ = 	snop;
	(pc) =	sbr.rel .LBB2_29-.Ltmp18, $4  }
0x275: {  	s23 =	sadd.s32 s23, s7  }
0x276: {  	s23 =	sshrl.u32 s23, $0x3  }
0x277: {  	s22 =	sadd.s32 $0x1, s22;
	s23 =	sadd.s32 s2, s23  }
0x278: {  	[tilespmem:s14], [sflag:$0x2] =	stream.linear.gather [hbm4b:s23+s3], $0x3000, $0x38;
	[tilespmem:$0x1E000] =	vst v63  }
.LBB2_35:
0x279: {  	s22 =	simm.s32 $0x0  }
0x27a: {  	v20 =	vld [tilespmem:s22+$0x0];
	_ =	sdelay $0x4  }
0x27b: {  	v21 =	vmax.f32 v20, $1.000000000e+00;
	vm0 =	vgt.f32 v20, $0.0e+00  }
0x27c: {  	v20 =	vsel vm0, $0x3F800000, v9;
	(erf) = vrcp.f32 v21  }
0x27d: {  	s21 =	simm.s32 $0x10;
	[tilespmem:s22+$0x0] =	vst v20  }
0x27e: {  	v20 =	vld [tilespmem:s21+$0x0];
	_ =	sdelay $0x2  }
0x27f: {  	v21 =	vld [tilespmem:s22+$0x8000]  }
0x280: {  	v23 =	vld [tilespmem:s22+$0x10000]  }
0x281: {  	vm15 =	vgt.f32 v20, $0.0e+00;
	v20 =	vmax.f32 v20, $1.000000000e+00  }
0x282: {  	v22 =	vsel vm15, $0x3F800000, v9;
	(erf) = vrcp.f32 v20  }
0x283: {  	s23 =	simm.s32 $0x20;
	[tilespmem:s21+$0x0] =	vst v22;
	v24 =	vpop (erf)  }
0x284: {  	v20 =	vld [tilespmem:s23+$0x0];
	v22 =	vmul.f32 v24, v21  }
0x285: {  	s24 =	simm.s32 $0xC0;
	v21 =	vmul.f32 v23, v24  }
.LBB2_36:
0x286: {  	p0 =	sne.s32 s24, $0x1FFC0;
	[tilespmem:s22+$0x8000] =	vst v22;
	s25 =	smov.u32 s24;
	s24 =	sadd.s32 $0x40, s24  }
0x287: {  	v22 =	vld [tilespmem:s21+$0x8000];
	[tilespmem:s22+$0x10000] =	vst v21;
	s22 =	smov.u32 s21;
	s21 =	smov.u32 s23  }
0x288: {  	v21 =	vld [tilespmem:s22+$0x10000]  }
.Ltmp19:
0x289: {  	v24 =	vmax.f32 v20, $1.000000000e+00;
	vm0 =	vgt.f32 v20, $0.0e+00;
	(pc) =	sbr.rel @p0 .LBB2_36-.Ltmp19, $4  }
0x28a: {  	v20 =	vsel vm0, $0x3F800000, v9;
	(erf) = vrcp.f32 v24  }
0x28b: {  	s23 =	sshra.s32 s25, $0x2;
	[tilespmem:s21+$0x0] =	vst v20;
	v23 =	vpop (erf)  }
0x28c: {  	v20 =	vld [tilespmem:s23+$0x0];
	v22 =	vmul.f32 v23, v22  }
0x28d: {  	v21 =	vmul.f32 v21, v23  }
0x28e: {  	[tilespmem:s22+$0x8000] =	vst v22  }
0x28f: {  	v22 =	vld [tilespmem:s21+$0x8000];
	[tilespmem:s22+$0x10000] =	vst v21  }
0x290: {  	v21 =	vld [tilespmem:s21+$0x10000]  }
0x291: {  	v23 =	vmax.f32 v20, $1.000000000e+00  }
0x292: {  	(erf) = vrcp.f32 v23  }
0x293: {  	vm0 =	vgt.f32 v20, $0.0e+00;
	v20 =	vpop (erf)  }
0x294: {  	v61 =	vsel vm0, $0x3F800000, v9;
	v22 =	vmul.f32 v20, v22  }
0x295: {  	[tilespmem:s23+$0x0] =	vst v61;
	v20 =	vmul.f32 v21, v20  }
0x296: {  	[tilespmem:s21+$0x8000] =	vst v22  }
0x297: {  	v62 =	vld [tilespmem:s23+$0x8000];
	[tilespmem:s21+$0x10000] =	vst v20  }
0x298: {  	v20 =	vld [tilespmem:s23+$0x10000];
	_ =	sdelay $0x2  }
0x299: {  	v63 =	vpop (erf)  }
0x29a: {  	v21 =	vmul.f32 v63, v62  }
0x29b: {  	v20 =	vmul.f32 v20, v63  }
0x29c: {  	[tilespmem:s23+$0x8000] =	vst v21  }
0x29d: {  	[tilespmem:s23+$0x10000] =	vst v20  }
0x29e: {  	[hbm4b:s9+s3] =	stream.linear.scatter [tilespmem:s3], [sflag:$0x3], $0x8000, $0x38;
	[tilespmem:$0x1E000] =	vst v63  }
0x29f: {  	_ =	swait.ge [sflag:s18], $0x8000  }
0x2a0: {  	[sflag:s18] =	ssyncset.done $0x0  }
0x2a1: {  	[sflag:s18] =	ssyncadd.s32 $0xFFFF8000  }
0x2a2: {  	[hbm4b:s10+s3] =	stream.linear.scatter [tilespmem:s17], [sflag:$0x3], $0x8000, $0x38;
	[tilespmem:$0x1E000] =	vst v63  }
0x2a3: {  	s20 =	sadd.s32 $0x1, s20;
	_ =	swait.ge [sflag:s18], $0x8000  }
0x2a4: {  	p0 =	sne.s32 s20, s12;
	[sflag:s18] =	ssyncset.done $0x0  }
.Ltmp20:
0x2a5: {  	[sflag:s18] =	ssyncadd.s32 $0xFFFF8000;
	(pc) =	sbr.rel @p0 .LBB2_1-.Ltmp20, $4  }
0x2a6: {  	[hbm4b:s11+s3] =	stream.linear.scatter [tilespmem:s19], [sflag:$0x3], $0x8000, $0x38;
	[tilespmem:$0x1E000] =	vst v63  }
0x2a7: {  	_ =	swait.ge [sflag:s18], $0x8000  }
0x2a8: {  	[sflag:s18] =	ssyncset.done $0x0  }
0x2a9: {  	[sflag:s18] =	ssyncadd.s32 $0xFFFF8000  }
0x2aa: {  	_ =	sfence.sel $0x180000  }
0x2ab: {  	[bflag:$0x0] =	sbarrier.arrive $0xFFFF  }
0x2ac: {  	p0 =	sne.s32 s0, $0x0;
	_ =	strace $0x9000004A  }
0x2ad: {  	s0 =	sadd.s32 @!p0 $0x100000, s1;
	[bflag:$0x2] =	sbarrier.arrive $0xFFFF  }
0x2ae: {  	[sflag:s0] =	ssyncadd.tile.s32 @!p0 $0x1;
	_ =	shalt  }
.Lfunc_end2:
_tile_overlayer_lowered:
.L_overlay_start_2:
0x2af: {  	(tag) =	ssettag $0x2  }
0x2b0: {  	s0 =	rddreg [dreg:$0x0];
	s2 =	stileid.u32  }
0x2b1: {  	s1 =	rddreg [dreg:$0x1];
	p0 =	sne.s32 s2, $0x0  }
0x2b2: {  	s3 =	rddreg [dreg:$0x2];
	[bflag:$0x3] =	sbarrier.arrive $0xFFFF;
	s2 =	simm.s32 @!p0 $0x1C03  }
0x2b3: {  	[timem:s3], [sflag:s2] =	dma.local @!p0 [hbm:s0], s1  }
0x2b4: {  	s0 =	simm.s32 @!p0 $0x3  }
0x2b5: {  	_ =	swait.ge @!p0 [sflag:s0], s1  }
0x2b6: {  	s1 =	ssub.s32 @!p0 $0x0, s1;
	[sflag:s0] =	ssyncset.done @!p0 $0x0  }
0x2b7: {  	[sflag:s0] =	ssyncadd.s32 @!p0 s1  }
0x2b8: {  	[bflag:$0x3] =	sbarrier.arrive $0xFFFF  }
0x2b9: {  	_ =	shalt  }

// kernel: sparse-core-data-format-call.cloned.1.call-start
scs
called_computation_lowered:
.L_overlay_start_0:
0x0: {  	s2 =	sld [smem:$0x3FD9]  }
0x1: {  	s3 =	sld [smem:$0x3FFE];
	_ =	sdelay $0x1  }
0x2: {  	s1 =	srdreg.scid  }
0x3: {  	s0 =	sand.u32 $0x1, s1  }
0x4: {  	s18 =	sshll.u32 s0, $0xA;
	s2 =	sadd.s32 s3, s2  }
0x5: {  	s2 =	sadd.s32 s2, s18  }
0x6: {  	[smem:$0x3FC7] =	sst s2  }
0x7: {  	_ = 	snop  }
0x8: {  	s2 =	sld [smem:$0x3FD0];
	(tm) =	ssettm $0x1  }
0x9: {  	s19 =	sld [smem:$0x3FFB];
	_ =	sdelay $0x3  }
0xa: {  	_ =	strace s19  }
0xb: {  	s3 =	sld [smem:$0x3FFC];
	_ =	sdelay $0x3  }
0xc: {  	_ =	strace s3  }
0xd: {  	s3 =	sld [smem:$0x3FFD];
	_ =	sdelay $0x3  }
0xe: {  	_ =	strace s3  }
0xf: {  	_ =	strace $0x8FFFFFFF  }
0x10: {  	s20 =	sld [smem:$0x3FDB];
	_ =	sdelay $0x1  }
0x11: {  	s4 =	simm.s32 $_scs_section_size  }
0x12: {  	s5 =	simm.s32 $_size__tile_overlayer_lowered;
	s6 =	simm.s32 $_tile_overlayer_lowered  }
0x13: {  	s23 =	simm.s32 $0x1BFF;
	s22 =	sshll.u32 s6, $0x1;
	s3 =	sadd.s32 s4, s20  }
0x14: {  	s7 =	simm.s32 $0x0;
	s21 =	sshll.u32 s5, $0x1;
	s5 =	sadd.s32 s22, s3  }
0x15: {  	[timem:s7], [sflag:s23] =	dma.local [hbm:s5], s21  }
0x16: {  	_ =	swait.ge [sflag:s23], s21  }
0x17: {  	s4 =	ssub.s32 $0x0, s21;
	[sflag:s23] =	ssyncset.done $0x0  }
0x18: {  	[sflag:s23] =	ssyncadd.s32 s4;
	_ =	sdelay $0x1  }
0x19: {  	s24 =	simm.s32 $0x1B8B  }
0x1a: {  	_ =	swait.ge [sflag:s24], $0x1  }
0x1b: {  	[sflag:s24] =	ssyncset.done $0x0  }
0x1c: {  	s26 =	simm.s32 $0x1B8E;
	s25 =	sld [smem:$0x3FFE];
	[sflag:s24] =	ssyncadd.s32 $0xFFFFFFFF  }
0x1d: {  	s27 =	simm.s32 $execute0_lowered;
	[smem:$0x3FD2] =	sst s26  }
0x1e: {  	s5 =	sshll.u32 s27, $0x1;
	_ =	strace $0x80000046;
	[dreg:$0x1] =	wrdreg $0xFFFFFFFF  }
0x1f: {  	s28 =	simm.s32 $_size_execute0_lowered;
	s3 =	sadd.s32 s3, s5;
	[dreg:$0x0] =	wrdreg $0x0  }
0x20: {  	s5 =	sshll.u32 s28, $0x1;
	[dreg:$0x2] =	wrdreg s3  }
0x21: {  	[dreg:$0x3] =	wrdreg s5  }
0x22: {  	[dreg:$0x4] =	wrdreg $0xC0  }
0x23: {  	_ =	task [dreg:s7], $0x5FFFF  }
0x24: {  	[dreg:$0x1] =	wrdreg $0xFFFFFFFF  }
0x25: {  	[dreg:$0x0] =	wrdreg $0x60  }
0x26: {  	[dreg:$0x2] =	wrdreg s25  }
0x27: {  	[dreg:$0x3] =	wrdreg s2  }
0x28: {  	[dreg:$0x4] =	wrdreg $0x9  }
0x29: {  	_ =	task.clear_ibuf [dreg:s7], $0x5FFFF;
	_ =	strace $0x90000046  }
0x2a: {  	s29 =	simm.s32 $0x9;
	_ =	strace $0x80000048  }
0x2b: {  	_ =	swait.ge [sflag:s29], $0x1  }
0x2c: {  	[sflag:s29] =	ssyncadd.s32 $0xFFFFFFFF  }
0x2d: {  	_ =	strace $0x90000048  }
0x2e: {  	_ =	sfence  }
0x2f: {  	s30 =	sld [smem:$0x0];
	_ =	sdelay $0x2  }
0x30: {  	s31 =	sshll.u32 s1, $0xD;
	s1 =	sshrl.u32 s1, $0x2  }
0x31: {  	s3 =	sand.u32 $0x4000, s31;
	s1 =	sadd.s32 s1, s30  }
0x32: {  	s0 =	sor.u32 s3, s0;
	s1 =	sshll.u32 s1, $0x11  }
0x33: {  	s0 =	sor.u32 s1, s0  }
0x34: {  	s0 =	sadd.s32 $0x8F2B, s0  }
0x35: {  	[sflag:s0] =	ssyncadd.remote.s32 $0x1  }
0x36: {  	_ =	sfence.sel $0xFFFF  }
0x37: {  	[dreg:$0x0] =	wrdreg $0xFFFFFFFF;
	(pc) =	sbr.abs _section_cstart, $3  }
0x38: {  	[dreg:$0x1] =	wrdreg $0xFFFFFFFF  }
0x39: {  	_ =	task.clear_ibuf [dreg:s7], $0x2FFFF;
	_ =	strace $0x9FFFFFFF  }
0x3a: {  	(tm) =	ssettm $0x7FFFFFFF  }
0x3b: {  	_ =	shalt  }
tec
execute0_lowered:
.L_overlay_start_1:
0x0: {  	(tag) =	ssettag $0x1  }
0x1: {  	s0 =	srdreg.scid  }
0x2: {  	s5 =	rddreg [dreg:$0x0];
	s1 =	sshll.u32 s0, $0x4  }
0x3: {  	s2 =	rddreg [dreg:$0x1];
	s0 =	stileid.u32;
	s1 =	sand.u32 $0x10, s1  }
0x4: {  	s4 =	simm.s32 $0x1;
	s8 =	simm.s32 $0x2;
	s1 =	sor.u32 s0, s1  }
0x5: {  	s12 =	simm.s32 $0x0;
	s9 =	simm.s32 $0x60000;
	s3 =	sshll.u32 s1, $0x2  }
0x6: {  	s11 =	simm.s32 $0x0;
	s5 =	sadd.s32 $0x800800, s5;
	s6 =	ssub.s32 $0xC00, s3  }
.Ltmp0:
0x7: {  	s1 =	rddreg [dreg:$0x2];
	s7 =	sand.u32 $0x7C, s6;
	(pc) =	sbr.rel .LBB1_1-.Ltmp0, $4  }
0x8: {  	_ =	strace $0x80000047;
	p0 =	sne.s32 s7, $0x0;
	s7 =	simm.s32 $0x1  }
0x9: {  	[sflag:s4] =	ssyncpa.u1 $0x0;
	s6 =	sshrl.u32 s6, $0x7;
	s7 =	simm.s32 @!p0 $0x0  }
0xa: {  	s10 =	smov.u32 s3;
	[sflag:s8] =	ssyncpa.u1 $0x0;
	s6 =	sadd.s32 s7, s6  }
0xb: {  	s8 =	simm.s32 $0x200;
	p0 =	por $0x0, $0x0;
	s7 =	sadd.s32 $0x1, s6  }
.LBB1_7:
0xc: {  	s14 =	sadd.s32 $0x80, s10  }
0xd: {  	p2 =	sgt.s32 s14, $0xBFF  }
0xe: {  	s14 =	smov.u32 @p2 s3;
	p2 =	sne.s32 s11, s7  }
.Ltmp1:
0xf: {  	p1 =	slt.u32 s11, $0x2;
	(pc) =	sbr.rel @!p2 .LBB1_8-.Ltmp1, $4  }
0x10: {  	s13 =	simm.s32 @!p1 $0x2  }
0x11: {  	s15 =	sadd.s32 $0x1, s11;
	_ =	swait.ge @!p1 [sflag:s13], $0x4000  }
0x12: {  	s12 =	smov.u32 s10;
	p0 =	por !p0, !p0;
	[sflag:s13] =	ssyncset.done @!p1 $0x0  }
0x13: {  	s11 =	smov.u32 s15;
	s10 =	smov.u32 s14;
	[sflag:s13] =	ssyncadd.s32 @!p1 $0xFFFFC000  }
.LBB1_1:
0x14: {  	p1 =	sge.u32 s11, s6  }
0x15: {  	s31 =	sadd.s32 $0xFFFFFFFF, s11;
	s13 =	sxor.u32 @!p1 $0xFFFFFFFF, s11  }
0x16: {  	s14 =	sshll.u32 @!p1 s10, $0xB;
	s15 =	simm.s32 @!p1 $0x20;
	s13 =	sshll.u32 @!p1 s13, $0xE  }
0x17: {  	s16 =	simm.s32 @!p1 $0x80;
	s14 =	sadd.s32 @!p1 s5, s14;
	s13 =	sand.u32 @!p1 $0x4000, s13  }
0x18: {  	[tilespmem:s13], [sflag:$0x1] =	stream.strided.gather @!p1 [hbm4b:s14+s15], $0x4000, s16, s15, $0x38;
	[tilespmem:$0x10100] =	vst v63  }
0x19: {  	p1 =	sge.u32 s31, s6  }
.Ltmp2:
0x1a: {  	_ = 	snop;
	(pc) =	sbr.rel @p1 .LBB1_7-.Ltmp2, $1  }
0x1b: {  	_ =	sdelay $0x3  }
0x1c: {  	s13 =	simm.s32 $0x1;
	s15 =	sand.u32 $0x1, s11  }
0x1d: {  	_ =	swait.ge [sflag:s4], $0x4000;
	s13 =	simm.s32 @!p0 $0x0;
	s16 =	smul.u32 $0x10200, s15  }
0x1e: {  	[sflag:s4] =	ssyncset.done $0x0;
	s14 =	smul.u32 $0x10200, s13  }
0x1f: {  	s13 =	sshll.u32 s13, $0xE;
	[sflag:s4] =	ssyncadd.s32 $0xFFFFC000  }
0x20: {  	s15 =	sor.u32 $0x10, s13;
	s31 =	sshrl.u32 s16, $0x2;
	s14 =	sshrl.u32 s14, $0x2  }
0x21: {  	s16 =	simm.s32 $0x0;
	s13 =	sor.u32 $0x8000, s31;
	s14 =	sor.u32 $0x8000, s14  }
.LBB1_3:
0x22: {  	v1 =	vld [tilespmem:s15+$0x0]  }
0x23: {  	v0 =	vld [tilespmem:s15+$0xFFFFFFF0];
	_ =	sdelay $0x2  }
0x24: {  	s19 =	sadd.s32 $0x0, s14  }
0x25: {  	s17 =	simm.s32 $0x4;
	s18 =	sadd.s32 $0x20, s15;
	[tilespmem:s19+$0x2040 ss:$0x204] =	vst.msk $0xffff, v1  }
.LBB1_4:
0x26: {  	v1 =	vld [tilespmem:s18+$0x0];
	p1 =	sne.s32 s17, $0x1FC;
	[tilespmem:s19+$0x0 ss:$0x204] =	vst.msk $0xffff, v0;
	s19 =	smov.u32 s17;
	s17 =	sadd.s32 $0x4, s17  }
.Ltmp3:
0x27: {  	v0 =	vld [tilespmem:s18+$0xFFFFFFF0];
	(pc) =	sbr.rel @p1 .LBB1_4-.Ltmp3, $4  }
0x28: {  	_ = 	snop  }
0x29: {  	s19 =	sshra.s32 s19, $0x2  }
0x2a: {  	s19 =	sadd.s32 s19, s14  }
0x2b: {  	s18 =	sadd.s32 $0x20, s18;
	[tilespmem:s19+$0x2040 ss:$0x204] =	vst.msk $0xffff, v1  }
0x2c: {  	s16 =	sadd.s32 $0x1, s16  }
0x2d: {  	p1 =	sne.s32 s16, $0x4  }
.Ltmp4:
0x2e: {  	_ = 	snop;
	(pc) =	sbr.rel @p1 .LBB1_3-.Ltmp4, $2  }
0x2f: {  	_ =	sdelay $0x2  }
0x30: {  	[tilespmem:s19+$0x0 ss:$0x204] =	vst.msk $0xffff, v0;
	s14 =	sadd.s32 $0x81, s14;
	s15 =	sadd.s32 $0x1000, s15  }
0x31: {  	s12 =	sand.u32 $0x1FFFFFF, s12  }
0x32: {  	s14 =	smulhi.u32 $0xAAAAAB, s12;
	_ =	sdelay $0x1  }
0x33: {  	s14 =	sshrl.u32 s14, $0x3  }
0x34: {  	s14 =	smul.u32 $0xC00, s14  }
.Ltmp5:
0x35: {  	_ = 	snop;
	(pc) =	sbr.rel .LBB1_7-.Ltmp5, $4  }
0x36: {  	s12 =	ssub.s32 s12, s14  }
0x37: {  	s12 =	sshll.u32 s12, $0x4  }
0x38: {  	s12 =	sadd.s32 s2, s12  }
0x39: {  	[hbm4b:s12+s8] =	stream.strided.scatter [tilespmem:s13], [sflag:$0x2], $0x4000, s9, s8, $0x20;
	[tilespmem:$0x10100] =	vst v63  }
.LBB1_8:
0x3a: {  	_ =	sfence.sel $0x180000  }
0x3b: {  	s2 =	simm.s32 $0x1;
	[bflag:$0x0] =	sbarrier.arrive $0xFFFF  }
0x3c: {  	s31 =	simm.s32 $0x2;
	[sflag:s2] =	ssyncpa.u1 $0x1  }
0x3d: {  	[sflag:s31] =	ssyncpa.u1 $0x1  }
0x3e: {  	p0 =	sne.s32 s0, $0x0;
	_ =	strace $0x90000047  }
0x3f: {  	s0 =	sadd.s32 @!p0 $0x100000, s1;
	[bflag:$0x2] =	sbarrier.arrive $0xFFFF  }
0x40: {  	[sflag:s0] =	ssyncadd.tile.s32 @!p0 $0x1;
	_ =	shalt  }
.Lfunc_end1:
_tile_overlayer_lowered:
.L_overlay_start_2:
0x41: {  	(tag) =	ssettag $0x2  }
0x42: {  	s0 =	rddreg [dreg:$0x0];
	s2 =	stileid.u32  }
0x43: {  	s1 =	rddreg [dreg:$0x1];
	p0 =	sne.s32 s2, $0x0  }
0x44: {  	s3 =	rddreg [dreg:$0x2];
	[bflag:$0x3] =	sbarrier.arrive $0xFFFF;
	s2 =	simm.s32 @!p0 $0x1C01  }
0x45: {  	[timem:s3], [sflag:s2] =	dma.local @!p0 [hbm:s0], s1  }
0x46: {  	s0 =	simm.s32 @!p0 $0x1  }
0x47: {  	_ =	swait.ge @!p0 [sflag:s0], s1  }
0x48: {  	s1 =	ssub.s32 @!p0 $0x0, s1;
	[sflag:s0] =	ssyncset.done @!p0 $0x0  }
0x49: {  	[sflag:s0] =	ssyncadd.s32 @!p0 s1  }
0x4a: {  	[bflag:$0x3] =	sbarrier.arrive $0xFFFF  }
0x4b: {  	_ =	shalt  }

</sc_bundles>
